<compile_context>
chip_gen: v7x
topology: tpu7x:2x2x1
jax: 0.10.2.dev20260603
libtpu: 0.0.44.dev20260713+nightly
codegen_flags: <defaults>
</compile_context>

<pallas_src>
import functools

import jax
import jax.numpy as jnp
from jax import lax
from jax.experimental import pallas as pl
from jax.experimental.pallas import tpu as pltpu
from jax.experimental.pallas import tpu_sc as plsc

_R = 2
_K = 5
_TOPK = 2048
_INV_T = 10.0
_H = 512
_W = 512
_B = 8
_NTILES = 32
_KP_PER_TILE = (_B * _TOPK) // _NTILES
_ROWS_PER_KP = 10
_NROWS = _KP_PER_TILE * _ROWS_PER_KP
_CHUNK = 128
_NCHUNKS = _NROWS // _CHUNK



def _nms_body(s_ref, o_ref):
    x = s_ref[0, 0]
    neg = jnp.float32(-jnp.inf)

    def mp(a):
        h, w = a.shape
        nr = jnp.full((2, w), neg, jnp.float32)
        m = jnp.maximum(
            a,
            jnp.maximum(
                jnp.maximum(jnp.concatenate([a[1:], nr[:1]], 0),
                            jnp.concatenate([nr[:1], a[:-1]], 0)),
                jnp.maximum(jnp.concatenate([a[2:], nr], 0),
                            jnp.concatenate([nr, a[:-2]], 0))))
        nc = jnp.full((h, 2), neg, jnp.float32)
        m = jnp.maximum(
            m,
            jnp.maximum(
                jnp.maximum(jnp.concatenate([m[:, 1:], nc[:, :1]], 1),
                            jnp.concatenate([nc[:, :1], m[:, :-1]], 1)),
                jnp.maximum(jnp.concatenate([m[:, 2:], nc], 1),
                            jnp.concatenate([nc, m[:, :-2]], 1))))
        return m

    zeros = jnp.zeros_like(x)
    ones = jnp.ones_like(x)
    max_mask = x == mp(x)
    for _ in range(2):
        supp = mp(jnp.where(max_mask, ones, zeros)) > 0
        supp_scores = jnp.where(supp, zeros, x)
        new_max = supp_scores == mp(supp_scores)
        max_mask = max_mask | (new_max & (~supp))
    nms = jnp.where(max_mask, x, zeros)
    row = lax.broadcasted_iota(jnp.int32, (_H, _W), 0)
    col = lax.broadcasted_iota(jnp.int32, (_H, _W), 1)
    inb = (row >= _R) & (row < _H - _R) & (col >= _R) & (col < _W - _R)
    o_ref[0] = jnp.where(inb, nms, zeros)


_nms_call = pl.pallas_call(
    _nms_body,
    grid=(_B,),
    in_specs=[pl.BlockSpec((1, 1, _H, _W), lambda i: (i, 0, 0, 0))],
    out_specs=pl.BlockSpec((1, _H, _W), lambda i: (i, 0, 0)),
    out_shape=jax.ShapeDtypeStruct((_B, _H, _W), jnp.float32),
)



_M_IMG = 32768
_STRIP = _H * _W // 4
_CAP = 16384 + 256
_SCHUNK = 8192


def _compact_body(nms_hbm, vals_hbm, idxc_hbm,
                  strm, vals, idxs, shared, stage, zv, sem):
    cid = lax.axis_index("c")
    sid = lax.axis_index("s")
    b = cid * 4 + sid // 4
    q = sid % 4
    sbase = b * (_H * _W) + q * _STRIP
    lbase = q * _STRIP
    lane = jax.lax.iota(jnp.int32, 16)

    def chunk(ci, off):
        pltpu.sync_copy(nms_hbm.at[pl.ds(sbase + ci * _SCHUNK, _SCHUNK)],
                        strm)

        def scan(i, off):
            v = strm[pl.ds(i * 16, 16)]
            m = (v > 0.0) & (off < _CAP - 272)
            iv = lbase + ci * _SCHUNK + i * 16 + lane
            plsc.store_compressed(vals.at[pl.ds(off, 16)], v, mask=m)
            plsc.store_compressed(idxs.at[pl.ds(off, 16)], iv, mask=m)
            cntv = plsc.all_reduce_population_count(m)
            return off + lax.squeeze(lax.slice(cntv, (0,), (1,)), (0,))

        return lax.fori_loop(0, _SCHUNK // 16, scan, off)

    cnt = lax.fori_loop(0, _STRIP // _SCHUNK, chunk, jnp.int32(0))

    zero16 = jnp.zeros((16,), jnp.float32)
    for j in range(16):
        vals[pl.ds(cnt + j * 16, 16)] = zero16
        zv[pl.ds(j * 16, 16)] = zero16
    cnt_pad = jnp.bitwise_and(cnt + 255, -256)

    stage[pl.ds(0, 16)] = jnp.zeros((16,), jnp.int32) + cnt_pad
    pltpu.sync_copy(stage, shared.at[sid])
    plsc.subcore_barrier()
    off_out = jnp.int32(0)
    total = jnp.int32(0)
    for j in range(4):
        pltpu.sync_copy(shared.at[(sid // 4) * 4 + j], stage)
        cj = jnp.max(stage[pl.ds(0, 16)])
        off_out = off_out + jnp.where(jnp.int32(j) < q, cj, 0)
        total = total + cj

    dst0 = pl.multiple_of(b * _M_IMG + off_out, 256)

    def cp(i, _):
        pltpu.sync_copy(vals.at[pl.ds(i * 256, 256)],
                        vals_hbm.at[pl.ds(dst0 + i * 256, 256)])
        pltpu.sync_copy(idxs.at[pl.ds(i * 256, 256)],
                        idxc_hbm.at[pl.ds(dst0 + i * 256, 256)])
        return 0

    nblk = lax.min(cnt_pad, jnp.maximum(_M_IMG - off_out, 0))
    lax.fori_loop(0, lax.shift_right_logical(nblk, 8), cp, 0)

    @pl.when(q == 3)
    def _():
        zstart = pl.multiple_of(b * _M_IMG + total, 256)

        def zf(i, _):
            pltpu.sync_copy(zv, vals_hbm.at[pl.ds(zstart + i * 256, 256)])
            return 0

        lax.fori_loop(0, lax.shift_right_logical(_M_IMG - total, 8), zf, 0)


@functools.lru_cache(maxsize=1)
def _compact_call():
    return pl.kernel(
        _compact_body,
        out_type=[
            jax.ShapeDtypeStruct((_B * _M_IMG,), jnp.float32),
            jax.ShapeDtypeStruct((_B * _M_IMG,), jnp.int32),
        ],
        mesh=plsc.VectorSubcoreMesh(core_axis_name="c", subcore_axis_name="s"),
        compiler_params=pltpu.CompilerParams(
            needs_layout_passes=False, use_tc_tiling_on_sc=False),
        scratch_types=[
            pltpu.VMEM((_SCHUNK,), jnp.float32),
            pltpu.VMEM((_CAP,), jnp.float32),
            pltpu.VMEM((_CAP,), jnp.int32),
            pltpu.VMEM_SHARED((16, 16), jnp.int32),
            pltpu.VMEM((16,), jnp.int32),
            pltpu.VMEM((256,), jnp.float32),
            pltpu.SemaphoreType.DMA,
        ],
    )



def _refine_body(s_hbm, pos_hbm, idxc_hbm, kx_hbm, ky_hbm, disp_hbm, ks_hbm,
                 posv, icv, idxv, ribuf, patch, kxb, kyb, dispb, ksb, sem):
    cid = lax.axis_index("c")
    sid = lax.axis_index("s")
    wid = sid * 2 + cid
    bimg = wid // 4
    kbase = wid * _KP_PER_TILE

    pltpu.sync_copy(pos_hbm.at[pl.ds(kbase, _KP_PER_TILE)], posv)
    pltpu.sync_copy(idxc_hbm.at[pl.ds(bimg * _M_IMG, _M_IMG)], icv)

    lane = jax.lax.iota(jnp.int32, 16)

    def trans(g, _):
        p16 = posv[pl.ds(g * 16, 16)]
        idxv[pl.ds(g * 16, 16)] = plsc.load_gather(icv, [p16])
        return 0

    lax.fori_loop(0, _KP_PER_TILE // 16, trans, 0)

    def build(g, _):
        i16 = idxv[pl.ds(g * 16, 16)]
        y = lax.shift_right_logical(i16, 9)
        xk = jnp.bitwise_and(i16, _W - 1)
        c0 = lax.shift_right_logical(xk - 2, 4)
        base = bimg * (_H * _W // 16) + (y - 2) * (_W // 16) + c0
        for dy in range(5):
            for cc in range(2):
                off = dy * 2 + cc
                ribuf[pl.ds(off * _KP_PER_TILE + g * 16, 16)] = (
                    base + dy * (_W // 16) + cc)
        return 0

    lax.fori_loop(0, _KP_PER_TILE // 16, build, 0)

    def dma(gi, _):
        base = gi * 8
        for j in range(8):
            pltpu.async_copy(
                s_hbm.at[ribuf.at[pl.ds((base + j) * _CHUNK, _CHUNK)]],
                patch.at[pl.ds((base + j) * _CHUNK, _CHUNK)], sem)
        for j in range(8):
            pltpu.make_async_copy(
                s_hbm.at[ribuf.at[pl.ds((base + j) * _CHUNK, _CHUNK)]],
                patch.at[pl.ds((base + j) * _CHUNK, _CHUNK)], sem).wait()
        return 0

    lax.fori_loop(0, _NCHUNKS // 8, dma, 0)

    def comp(g, _):
        i16 = idxv[pl.ds(g * 16, 16)]
        y = lax.shift_right_logical(i16, 9)
        xk = jnp.bitwise_and(i16, _W - 1)
        xoff = jnp.bitwise_and(xk - 2, 15)
        kp = g * 16 + lane

        def tap(dy_row, ca):
            cc = lax.shift_right_logical(ca, 4)
            col = jnp.bitwise_and(ca, 15)
            return plsc.load_gather(
                patch, [(dy_row * 2 + cc) * _KP_PER_TILE + kp, col])

        s0 = jnp.zeros((16,), jnp.float32)
        sx = jnp.zeros((16,), jnp.float32)
        sy = jnp.zeros((16,), jnp.float32)
        s2 = jnp.zeros((16,), jnp.float32)
        for dy in range(5):
            for dx in range(5):
                v = tap(dy, xoff + dx)
                e = jnp.exp(v * _INV_T)
                s0 = s0 + e
                wx = float(dx - 2)
                wy = float(dy - 2)
                if wx:
                    sx = sx + e * wx
                if wy:
                    sy = sy + e * wy
                w2 = wx * wx + wy * wy
                if w2:
                    s2 = s2 + e * w2
        rx = sx / s0
        ry = sy / s0
        disp = (s2 / s0 - rx * rx - ry * ry) * 0.25
        xf = xk.astype(jnp.float32)
        yf = y.astype(jnp.float32)
        kx = (xf + rx) / (_W - 1) * 2.0 - 1.0
        ky = (yf + ry) / (_H - 1) * 2.0 - 1.0
        px = (kx + 1.0) / 2.0 * (_W - 1)
        py = (ky + 1.0) / 2.0 * (_H - 1)
        x0i = px.astype(jnp.int32)
        y0i = py.astype(jnp.int32)
        wxf = px - x0i.astype(jnp.float32)
        wyf = py - y0i.astype(jnp.float32)
        dyb = y0i - y + 2
        cab = xoff + (x0i - xk + 2)
        v00 = tap(dyb, cab)
        v01 = tap(dyb, cab + 1)
        v10 = tap(dyb + 1, cab)
        v11 = tap(dyb + 1, cab + 1)
        ks = (v00 * (1.0 - wxf) * (1.0 - wyf) + v01 * wxf * (1.0 - wyf)
              + v10 * (1.0 - wxf) * wyf + v11 * wxf * wyf)
        kxb[pl.ds(g * 16, 16)] = kx
        kyb[pl.ds(g * 16, 16)] = ky
        dispb[pl.ds(g * 16, 16)] = disp
        ksb[pl.ds(g * 16, 16)] = ks
        return 0

    lax.fori_loop(0, _KP_PER_TILE // 16, comp, 0)

    pltpu.sync_copy(kxb, kx_hbm.at[pl.ds(kbase, _KP_PER_TILE)])
    pltpu.sync_copy(kyb, ky_hbm.at[pl.ds(kbase, _KP_PER_TILE)])
    pltpu.sync_copy(dispb, disp_hbm.at[pl.ds(kbase, _KP_PER_TILE)])
    pltpu.sync_copy(ksb, ks_hbm.at[pl.ds(kbase, _KP_PER_TILE)])


@functools.lru_cache(maxsize=1)
def _refine_call():
    return pl.kernel(
        _refine_body,
        out_type=[
            jax.ShapeDtypeStruct((_B * _TOPK,), jnp.float32),
            jax.ShapeDtypeStruct((_B * _TOPK,), jnp.float32),
            jax.ShapeDtypeStruct((_B * _TOPK,), jnp.float32),
            jax.ShapeDtypeStruct((_B * _TOPK,), jnp.float32),
        ],
        mesh=plsc.VectorSubcoreMesh(core_axis_name="c", subcore_axis_name="s"),
        compiler_params=pltpu.CompilerParams(
            needs_layout_passes=False, use_tc_tiling_on_sc=False),
        scratch_types=[
            pltpu.VMEM((_KP_PER_TILE,), jnp.int32),
            pltpu.VMEM((_M_IMG,), jnp.int32),
            pltpu.VMEM((_KP_PER_TILE,), jnp.int32),
            pltpu.VMEM((_NROWS,), jnp.int32),
            pltpu.VMEM((_NROWS, 16), jnp.float32),
            pltpu.VMEM((_KP_PER_TILE,), jnp.float32),
            pltpu.VMEM((_KP_PER_TILE,), jnp.float32),
            pltpu.VMEM((_KP_PER_TILE,), jnp.float32),
            pltpu.VMEM((_KP_PER_TILE,), jnp.float32),
            pltpu.SemaphoreType.DMA,
        ],
    )


def kernel(scores_map):
    b, c, h, w = scores_map.shape
    nms = _nms_call(scores_map)
    vals_c, idx_c = _compact_call()(nms.reshape(-1))
    _, pos = lax.top_k(vals_c.reshape(b, _M_IMG), _TOPK)
    vals_c, idx_c = _compact_call()(nms.reshape(-1))
    _, pos = lax.top_k(vals_c.reshape(b, _M_IMG), _TOPK)
    s2d = scores_map.reshape(b * h * w // 16, 16)
    kx, ky, disp, ks = _refine_call()(s2d, pos.reshape(-1), idx_c)
    kxy = jnp.stack([kx, ky], axis=-1)
    return (kxy.reshape(b, _TOPK, 2), disp.reshape(b, _TOPK),
            ks.reshape(b, _TOPK))

# --- scband reference (transcript-rebuilt; emitter-appended) ---
"""Pipeline reference for scband-dkd-27556510171207 (READ-ONLY COPY).

The authoritative reference and input builder live on the scoring server;
editing this copy changes nothing except your own understanding.
"""

import jax, jax.numpy as jnp
import numpy as np

RADIUS = 2
TOP_K = 2048
TEMPERATURE = 0.1


def _max_pool(x, r):
    k = 2 * r + 1
    return jax.lax.reduce_window(x, -jnp.inf, jax.lax.max,
                                 (1, 1, k, k), (1, 1, 1, 1),
                                 [(0, 0), (0, 0), (r, r), (r, r)])


def _simple_nms(scores, r):
    zeros = jnp.zeros_like(scores)
    max_mask = scores == _max_pool(scores, r)
    for _ in range(2):
        supp_mask = _max_pool(max_mask.astype(scores.dtype), r) > 0
        supp_scores = jnp.where(supp_mask, zeros, scores)
        new_max_mask = supp_scores == _max_pool(supp_scores, r)
        max_mask = max_mask | (new_max_mask & (~supp_mask))
    return jnp.where(max_mask, scores, zeros)


def _bilinear(img, px, py):
    H, W = img.shape
    x0 = jnp.floor(px)
    y0 = jnp.floor(py)
    wx = px - x0
    wy = py - y0
    x0i = jnp.clip(x0, 0, W - 1).astype(jnp.int32)
    x1i = jnp.clip(x0 + 1, 0, W - 1).astype(jnp.int32)
    y0i = jnp.clip(y0, 0, H - 1).astype(jnp.int32)
    y1i = jnp.clip(y0 + 1, 0, H - 1).astype(jnp.int32)
    v00 = img[y0i, x0i]
    v01 = img[y0i, x1i]
    v10 = img[y1i, x0i]
    v11 = img[y1i, x1i]
    return (v00 * (1 - wx) * (1 - wy) + v01 * wx * (1 - wy)
            + v10 * (1 - wx) * wy + v11 * wx * wy)


def setup_inputs(seed: int = 0):
    key = jax.random.key(seed)
    scores_map = jax.random.uniform(key, (8, 1, 512, 512), dtype=jnp.float32)
    return {"scores_map": scores_map}


def reference(scores_map):
    r = RADIUS
    k = 2 * r + 1
    K = TOP_K
    b, c, h, w = scores_map.shape
    scores_nograd = jax.lax.stop_gradient(scores_map)
    nms = _simple_nms(scores_nograd, r)
    nms = nms.at[:, :, :r, :].set(0.0)
    nms = nms.at[:, :, :, :r].set(0.0)
    nms = nms.at[:, :, -r:, :].set(0.0)
    nms = nms.at[:, :, :, -r:].set(0.0)
    _, idx = jax.lax.top_k(nms.reshape(b, -1), K)  # [b, K]
    xsi = idx % w
    ysi = idx // w
    xs = xsi.astype(jnp.float32)
    ys = ysi.astype(jnp.float32)
    # hw_grid: (dx, dy) per patch position, row-major over (dy, dx)
    lin = jnp.linspace(-r, r, k)
    g0, g1 = jnp.meshgrid(lin, lin, indexing='ij')
    hw_grid = jnp.stack([g1.reshape(-1), g0.reshape(-1)], axis=1)  # [k*k, 2]
    # unfold (zero-padded) patches gathered at the keypoint locations
    padded = jnp.pad(scores_map[:, 0], ((0, 0), (r, r), (r, r)))
    dy = jnp.arange(k)
    dx = jnp.arange(k)
    yy = ysi[:, :, None, None] + dy[None, None, :, None]
    xx = xsi[:, :, None, None] + dx[None, None, None, :]
    bidx = jnp.arange(b)[:, None, None, None]
    patch_scores = padded[bidx, yy, xx].reshape(b, K, k * k)
    max_v = jax.lax.stop_gradient(patch_scores.max(axis=-1, keepdims=True))
    x_exp = jnp.exp((patch_scores - max_v) / TEMPERATURE)
    xsum = x_exp.sum(axis=-1, keepdims=True)
    xy_residual = jnp.einsum('bkp,pt->bkt', x_exp, hw_grid) / xsum
    diff = (hw_grid[None, None, :, :] - xy_residual[:, :, None, :]) / r
    hw_grid_dist2 = jnp.sum(diff ** 2, axis=-1)
    scoredispersity = (x_exp * hw_grid_dist2).sum(axis=-1) / xsum[..., 0]
    wh = jnp.array([w - 1, h - 1], dtype=jnp.float32)
    kp_nms = jnp.stack([xs, ys], axis=-1)
    keypoints_xy = (kp_nms + xy_residual) / wh * 2 - 1
    # grid_sample bilinear, align_corners=True
    px = (keypoints_xy[..., 0] + 1) / 2 * (w - 1)
    py = (keypoints_xy[..., 1] + 1) / 2 * (h - 1)
    kptscores = jax.vmap(_bilinear)(scores_map[:, 0], px, py)
    return keypoints_xy, scoredispersity, kptscores

if __name__ == "__main__":
    import jax
    _d = setup_inputs()
    print(jax.jit(kernel)(*tuple(_d.values())))

</pallas_src>

<mosaic_0001>
#map = affine_map<(d0, d1) -> (0, 0)>
#map1 = affine_map<(d0, d1) -> (0)>
module attributes {stable_mosaic.version = 14 : i64} {
  func.func @_refine_body(%arg0: i32, %arg1: i32, %arg2: memref<131072x16xf32, #tpu.memory_space<hbm>>, %arg3: memref<16384xi32, #tpu.memory_space<hbm>>, %arg4: memref<262144xi32, #tpu.memory_space<hbm>>, %arg5: memref<16384xf32, #tpu.memory_space<hbm>>, %arg6: memref<16384xf32, #tpu.memory_space<hbm>>, %arg7: memref<16384xf32, #tpu.memory_space<hbm>>, %arg8: memref<16384xf32, #tpu.memory_space<hbm>>, %arg9: memref<512xi32, #tpu.memory_space<vmem>>, %arg10: memref<32768xi32, #tpu.memory_space<vmem>>, %arg11: memref<512xi32, #tpu.memory_space<vmem>>, %arg12: memref<5120xi32, #tpu.memory_space<vmem>>, %arg13: memref<5120x16xf32, #tpu.memory_space<vmem>>, %arg14: memref<512xf32, #tpu.memory_space<vmem>>, %arg15: memref<512xf32, #tpu.memory_space<vmem>>, %arg16: memref<512xf32, #tpu.memory_space<vmem>>, %arg17: memref<512xf32, #tpu.memory_space<vmem>>, %arg18: memref<!tpu.dma_semaphore, #tpu.memory_space<semaphore_mem>>) attributes {dimension_semantics = [#tpu.dimension_semantics<core_parallel>, #tpu.dimension_semantics<subcore_parallel>], iteration_bounds = array<i64: 2, 16>, scalar_prefetch = 0 : i64, scratch_operands = 10 : i64, tpu.core_type = #tpu.core_type<sc_vector_subcore>, window_params = [{transform_indices = #map}, {transform_indices = #map1}, {transform_indices = #map1}, {transform_indices = #map1}, {transform_indices = #map1}, {transform_indices = #map1}, {transform_indices = #map1}]} {
    %mul3A = arith.constant 2 : i32
    %mul3A_0 = arith.muli %arg1, %mul3A : i32
    %add3A = arith.addi %mul3A_0, %arg0 : i32
    %jit3A = arith.constant 4 : i32
    %div3A = arith.divsi %add3A, %jit3A : i32
    %sign3A = arith.constant 0 : i32
    %sign3A_1 = arith.cmpi sgt, %add3A, %sign3A : i32
    %sign3A_2 = arith.extui %sign3A_1 : i1 to i32
    %sign3A_3 = arith.constant 0 : i32
    %sign3A_4 = arith.cmpi slt, %add3A, %sign3A_3 : i32
    %sign3A_5 = arith.extui %sign3A_4 : i1 to i32
    %sign3A_6 = arith.subi %sign3A_2, %sign3A_5 : i32
    %sign3A_7 = arith.constant 0 : i32
    %sign3A_8 = arith.cmpi sgt, %jit3A, %sign3A_7 : i32
    %sign3A_9 = arith.extui %sign3A_8 : i1 to i32
    %sign3A_10 = arith.constant 0 : i32
    %sign3A_11 = arith.cmpi slt, %jit3A, %sign3A_10 : i32
    %sign3A_12 = arith.extui %sign3A_11 : i1 to i32
    %sign3A_13 = arith.subi %sign3A_9, %sign3A_12 : i32
    %ne3A = arith.cmpi ne, %sign3A_6, %sign3A_13 : i32
    %rem3A = arith.remsi %add3A, %jit3A : i32
    %ne3A_14 = arith.constant 0 : i32
    %ne3A_15 = arith.cmpi ne, %rem3A, %ne3A_14 : i32
    %and3A = arith.andi %ne3A, %ne3A_15 : i1
    %sub3A = arith.constant 1 : i32
    %sub3A_16 = arith.subi %div3A, %sub3A : i32
    %select_n3A = arith.select %and3A, %sub3A_16, %div3A : i32
    %mul3A_17 = arith.constant 512 : i32
    %mul3A_18 = arith.muli %add3A, %mul3A_17 : i32
    "tpu.region"() ({
      %run_scoped3A = tpu.sem_alloc : memref<!tpu.dma_semaphore, #tpu.memory_space<semaphore_mem>>
      %dma_start3A = tpu.memref_slice %arg3[%mul3A_18] : memref<16384xi32, #tpu.memory_space<hbm>> -> memref<512xi32, #tpu.memory_space<hbm>>
      %dma_start3A_48 = tpu.memref_slice %arg3[%mul3A_18] : memref<16384xi32, #tpu.memory_space<hbm>> -> memref<512xi32, #tpu.memory_space<hbm>>
      tpu.enqueue_dma source(%dma_start3A_48 : memref<512xi32, #tpu.memory_space<hbm>>) target(%arg9 : memref<512xi32, #tpu.memory_space<vmem>>) target_semaphore(%run_scoped3A : memref<!tpu.dma_semaphore, #tpu.memory_space<semaphore_mem>>)
      %dma_wait3A = tpu.memref_slice %arg3[%mul3A_18] : memref<16384xi32, #tpu.memory_space<hbm>> -> memref<512xi32, #tpu.memory_space<hbm>>
      %dma_wait3A_49 = tpu.memref_slice %arg3[%mul3A_18] : memref<16384xi32, #tpu.memory_space<hbm>> -> memref<512xi32, #tpu.memory_space<hbm>>
      tpu.wait_dma2 semaphore(%run_scoped3A : memref<!tpu.dma_semaphore, #tpu.memory_space<semaphore_mem>>) src(%dma_wait3A_49 : memref<512xi32, #tpu.memory_space<hbm>>) dst(%arg9 : memref<512xi32, #tpu.memory_space<vmem>>)
      tpu.yield
    }) : () -> ()
    %mul3A_19 = arith.constant 32768 : i32
    %mul3A_20 = arith.muli %select_n3A, %mul3A_19 : i32
    "tpu.region"() ({
      %run_scoped3A = tpu.sem_alloc : memref<!tpu.dma_semaphore, #tpu.memory_space<semaphore_mem>>
      %dma_start3A = tpu.memref_slice %arg4[%mul3A_20] : memref<262144xi32, #tpu.memory_space<hbm>> -> memref<32768xi32, #tpu.memory_space<hbm>>
      %dma_start3A_48 = tpu.memref_slice %arg4[%mul3A_20] : memref<262144xi32, #tpu.memory_space<hbm>> -> memref<32768xi32, #tpu.memory_space<hbm>>
      tpu.enqueue_dma source(%dma_start3A_48 : memref<32768xi32, #tpu.memory_space<hbm>>) target(%arg10 : memref<32768xi32, #tpu.memory_space<vmem>>) target_semaphore(%run_scoped3A : memref<!tpu.dma_semaphore, #tpu.memory_space<semaphore_mem>>)
      %dma_wait3A = tpu.memref_slice %arg4[%mul3A_20] : memref<262144xi32, #tpu.memory_space<hbm>> -> memref<32768xi32, #tpu.memory_space<hbm>>
      %dma_wait3A_49 = tpu.memref_slice %arg4[%mul3A_20] : memref<262144xi32, #tpu.memory_space<hbm>> -> memref<32768xi32, #tpu.memory_space<hbm>>
      tpu.wait_dma2 semaphore(%run_scoped3A : memref<!tpu.dma_semaphore, #tpu.memory_space<semaphore_mem>>) src(%dma_wait3A_49 : memref<32768xi32, #tpu.memory_space<hbm>>) dst(%arg10 : memref<32768xi32, #tpu.memory_space<vmem>>)
      tpu.yield
    }) : () -> ()
    %iota3A = tpu.iota {dimensions = array<i32: 0>} : vector<16xi32>
    %scan3A = arith.constant 0 : i32
    %scan3A_21 = arith.constant 0 : i32
    %scan3A_22 = arith.constant 32 : i32
    %scan3A_23 = arith.addi %scan3A_21, %scan3A_22 : i32
    %scan3A_24 = arith.constant 1 : i32
    %scan3A_25 = scf.for %scan3A_48 = %scan3A_21 to %scan3A_23 step %scan3A_24 iter_args(%scan3A_49 = %scan3A) -> (i32)  : i32 {
      %mul3A_50 = arith.constant 16 : i32
      %mul3A_51 = arith.muli %scan3A_48, %mul3A_50 : i32
      %get3A = arith.index_cast %mul3A_51 : i32 to index
      %get3A_52 = tpu.vector_load %arg9[%get3A] {strides = array<i32>} : memref<512xi32, #tpu.memory_space<vmem>>, vector<16xi32>,
      %gather3A = tpu.vector_load_idx %arg10[%get3A_52] : memref<32768xi32, #tpu.memory_space<vmem>>[vector<16xi32>], vector<16xi32>,
      %mul3A_53 = arith.constant 16 : i32
      %mul3A_54 = arith.muli %scan3A_48, %mul3A_53 : i32
      %swap3A = arith.index_cast %mul3A_54 : i32 to index
      %swap3A_55 = tpu.vector_load %arg11[%swap3A] {strides = array<i32>} : memref<512xi32, #tpu.memory_space<vmem>>, vector<16xi32>,
      tpu.vector_store %arg11[%swap3A], %gather3A {strides = array<i32>} : memref<512xi32, #tpu.memory_space<vmem>>, vector<16xi32>,
      %scan3A_56 = arith.constant 0 : i32
      scf.yield %scan3A_56 : i32
    }
    %scan3A_26 = arith.constant 32 : i32
    %scan3A_27 = arith.constant 0 : i32
    %scan3A_28 = arith.constant 0 : i32
    %scan3A_29 = arith.constant 32 : i32
    %scan3A_30 = arith.addi %scan3A_28, %scan3A_29 : i32
    %scan3A_31 = arith.constant 1 : i32
    %scan3A_32 = scf.for %scan3A_48 = %scan3A_28 to %scan3A_30 step %scan3A_31 iter_args(%scan3A_49 = %scan3A_27) -> (i32)  : i32 {
      %mul3A_50 = arith.constant 16 : i32
      %mul3A_51 = arith.muli %scan3A_48, %mul3A_50 : i32
      %get3A = arith.index_cast %mul3A_51 : i32 to index
      %get3A_52 = tpu.vector_load %arg11[%get3A] {strides = array<i32>} : memref<512xi32, #tpu.memory_space<vmem>>, vector<16xi32>,
      %shift_right_logical3A = arith.constant 9 : i32
      %shift_right_logical3A_53 = vector.broadcast %shift_right_logical3A : i32 to vector<16xi32>
      %shift_right_logical3A_54 = arith.shrui %get3A_52, %shift_right_logical3A_53 : vector<16xi32>
      %and3A_55 = arith.constant 511 : i32
      %and3A_56 = vector.broadcast %and3A_55 : i32 to vector<16xi32>
      %and3A_57 = arith.andi %get3A_52, %and3A_56 : vector<16xi32>
      %sub3A_58 = arith.constant 2 : i32
      %sub3A_59 = vector.broadcast %sub3A_58 : i32 to vector<16xi32>
      %sub3A_60 = arith.subi %and3A_57, %sub3A_59 : vector<16xi32>
      %shift_right_logical3A_61 = arith.constant 4 : i32
      %shift_right_logical3A_62 = vector.broadcast %shift_right_logical3A_61 : i32 to vector<16xi32>
      %shift_right_logical3A_63 = arith.shrui %sub3A_60, %shift_right_logical3A_62 : vector<16xi32>
      %mul3A_64 = arith.constant 16384 : i32
      %mul3A_65 = arith.muli %select_n3A, %mul3A_64 : i32
      %sub3A_66 = arith.constant 2 : i32
      %sub3A_67 = vector.broadcast %sub3A_66 : i32 to vector<16xi32>
      %sub3A_68 = arith.subi %shift_right_logical3A_54, %sub3A_67 : vector<16xi32>
      %mul3A_69 = arith.constant 32 : i32
      %mul3A_70 = vector.broadcast %mul3A_69 : i32 to vector<16xi32>
      %mul3A_71 = arith.muli %sub3A_68, %mul3A_70 : vector<16xi32>
      %add3A_72 = vector.broadcast %mul3A_65 : i32 to vector<16xi32>
      %add3A_73 = arith.addi %add3A_72, %mul3A_71 : vector<16xi32>
      %add3A_74 = arith.addi %add3A_73, %shift_right_logical3A_63 : vector<16xi32>
      %add3A_75 = arith.constant 0 : i32
      %add3A_76 = vector.broadcast %add3A_75 : i32 to vector<16xi32>
      %add3A_77 = arith.addi %add3A_74, %add3A_76 : vector<16xi32>
      %add3A_78 = arith.constant 0 : i32
      %add3A_79 = vector.broadcast %add3A_78 : i32 to vector<16xi32>
      %add3A_80 = arith.addi %add3A_77, %add3A_79 : vector<16xi32>
      %mul3A_81 = arith.constant 16 : i32
      %mul3A_82 = arith.muli %scan3A_48, %mul3A_81 : i32
      %add3A_83 = arith.constant 0 : i32
      %add3A_84 = arith.addi %add3A_83, %mul3A_82 : i32
      %swap3A = arith.index_cast %add3A_84 : i32 to index
      %swap3A_85 = tpu.vector_load %arg12[%swap3A] {strides = array<i32>} : memref<5120xi32, #tpu.memory_space<vmem>>, vector<16xi32>,
      tpu.vector_store %arg12[%swap3A], %add3A_80 {strides = array<i32>} : memref<5120xi32, #tpu.memory_space<vmem>>, vector<16xi32>,
      %add3A_86 = arith.constant 0 : i32
      %add3A_87 = vector.broadcast %add3A_86 : i32 to vector<16xi32>
      %add3A_88 = arith.addi %add3A_74, %add3A_87 : vector<16xi32>
      %add3A_89 = arith.constant 1 : i32
      %add3A_90 = vector.broadcast %add3A_89 : i32 to vector<16xi32>
      %add3A_91 = arith.addi %add3A_88, %add3A_90 : vector<16xi32>
      %mul3A_92 = arith.constant 16 : i32
      %mul3A_93 = arith.muli %scan3A_48, %mul3A_92 : i32
      %add3A_94 = arith.constant 512 : i32
      %add3A_95 = arith.addi %add3A_94, %mul3A_93 : i32
      %swap3A_96 = arith.index_cast %add3A_95 : i32 to index
      %swap3A_97 = tpu.vector_load %arg12[%swap3A_96] {strides = array<i32>} : memref<5120xi32, #tpu.memory_space<vmem>>, vector<16xi32>,
      tpu.vector_store %arg12[%swap3A_96], %add3A_91 {strides = array<i32>} : memref<5120xi32, #tpu.memory_space<vmem>>, vector<16xi32>,
      %add3A_98 = arith.constant 32 : i32
      %add3A_99 = vector.broadcast %add3A_98 : i32 to vector<16xi32>
      %add3A_100 = arith.addi %add3A_74, %add3A_99 : vector<16xi32>
      %add3A_101 = arith.constant 0 : i32
      %add3A_102 = vector.broadcast %add3A_101 : i32 to vector<16xi32>
      %add3A_103 = arith.addi %add3A_100, %add3A_102 : vector<16xi32>
      %mul3A_104 = arith.constant 16 : i32
      %mul3A_105 = arith.muli %scan3A_48, %mul3A_104 : i32
      %add3A_106 = arith.constant 1024 : i32
      %add3A_107 = arith.addi %add3A_106, %mul3A_105 : i32
      %swap3A_108 = arith.index_cast %add3A_107 : i32 to index
      %swap3A_109 = tpu.vector_load %arg12[%swap3A_108] {strides = array<i32>} : memref<5120xi32, #tpu.memory_space<vmem>>, vector<16xi32>,
      tpu.vector_store %arg12[%swap3A_108], %add3A_103 {strides = array<i32>} : memref<5120xi32, #tpu.memory_space<vmem>>, vector<16xi32>,
      %add3A_110 = arith.constant 32 : i32
      %add3A_111 = vector.broadcast %add3A_110 : i32 to vector<16xi32>
      %add3A_112 = arith.addi %add3A_74, %add3A_111 : vector<16xi32>
      %add3A_113 = arith.constant 1 : i32
      %add3A_114 = vector.broadcast %add3A_113 : i32 to vector<16xi32>
      %add3A_115 = arith.addi %add3A_112, %add3A_114 : vector<16xi32>
      %mul3A_116 = arith.constant 16 : i32
      %mul3A_117 = arith.muli %scan3A_48, %mul3A_116 : i32
      %add3A_118 = arith.constant 1536 : i32
      %add3A_119 = arith.addi %add3A_118, %mul3A_117 : i32
      %swap3A_120 = arith.index_cast %add3A_119 : i32 to index
      %swap3A_121 = tpu.vector_load %arg12[%swap3A_120] {strides = array<i32>} : memref<5120xi32, #tpu.memory_space<vmem>>, vector<16xi32>,
      tpu.vector_store %arg12[%swap3A_120], %add3A_115 {strides = array<i32>} : memref<5120xi32, #tpu.memory_space<vmem>>, vector<16xi32>,
      %add3A_122 = arith.constant 64 : i32
      %add3A_123 = vector.broadcast %add3A_122 : i32 to vector<16xi32>
      %add3A_124 = arith.addi %add3A_74, %add3A_123 : vector<16xi32>
      %add3A_125 = arith.constant 0 : i32
      %add3A_126 = vector.broadcast %add3A_125 : i32 to vector<16xi32>
      %add3A_127 = arith.addi %add3A_124, %add3A_126 : vector<16xi32>
      %mul3A_128 = arith.constant 16 : i32
      %mul3A_129 = arith.muli %scan3A_48, %mul3A_128 : i32
      %add3A_130 = arith.constant 2048 : i32
      %add3A_131 = arith.addi %add3A_130, %mul3A_129 : i32
      %swap3A_132 = arith.index_cast %add3A_131 : i32 to index
      %swap3A_133 = tpu.vector_load %arg12[%swap3A_132] {strides = array<i32>} : memref<5120xi32, #tpu.memory_space<vmem>>, vector<16xi32>,
      tpu.vector_store %arg12[%swap3A_132], %add3A_127 {strides = array<i32>} : memref<5120xi32, #tpu.memory_space<vmem>>, vector<16xi32>,
      %add3A_134 = arith.constant 64 : i32
      %add3A_135 = vector.broadcast %add3A_134 : i32 to vector<16xi32>
      %add3A_136 = arith.addi %add3A_74, %add3A_135 : vector<16xi32>
      %add3A_137 = arith.constant 1 : i32
      %add3A_138 = vector.broadcast %add3A_137 : i32 to vector<16xi32>
      %add3A_139 = arith.addi %add3A_136, %add3A_138 : vector<16xi32>
      %mul3A_140 = arith.constant 16 : i32
      %mul3A_141 = arith.muli %scan3A_48, %mul3A_140 : i32
      %add3A_142 = arith.constant 2560 : i32
      %add3A_143 = arith.addi %add3A_142, %mul3A_141 : i32
      %swap3A_144 = arith.index_cast %add3A_143 : i32 to index
      %swap3A_145 = tpu.vector_load %arg12[%swap3A_144] {strides = array<i32>} : memref<5120xi32, #tpu.memory_space<vmem>>, vector<16xi32>,
      tpu.vector_store %arg12[%swap3A_144], %add3A_139 {strides = array<i32>} : memref<5120xi32, #tpu.memory_space<vmem>>, vector<16xi32>,
      %add3A_146 = arith.constant 96 : i32
      %add3A_147 = vector.broadcast %add3A_146 : i32 to vector<16xi32>
      %add3A_148 = arith.addi %add3A_74, %add3A_147 : vector<16xi32>
      %add3A_149 = arith.constant 0 : i32
      %add3A_150 = vector.broadcast %add3A_149 : i32 to vector<16xi32>
      %add3A_151 = arith.addi %add3A_148, %add3A_150 : vector<16xi32>
      %mul3A_152 = arith.constant 16 : i32
      %mul3A_153 = arith.muli %scan3A_48, %mul3A_152 : i32
      %add3A_154 = arith.constant 3072 : i32
      %add3A_155 = arith.addi %add3A_154, %mul3A_153 : i32
      %swap3A_156 = arith.index_cast %add3A_155 : i32 to index
      %swap3A_157 = tpu.vector_load %arg12[%swap3A_156] {strides = array<i32>} : memref<5120xi32, #tpu.memory_space<vmem>>, vector<16xi32>,
      tpu.vector_store %arg12[%swap3A_156], %add3A_151 {strides = array<i32>} : memref<5120xi32, #tpu.memory_space<vmem>>, vector<16xi32>,
      %add3A_158 = arith.constant 96 : i32
      %add3A_159 = vector.broadcast %add3A_158 : i32 to vector<16xi32>
      %add3A_160 = arith.addi %add3A_74, %add3A_159 : vector<16xi32>
      %add3A_161 = arith.constant 1 : i32
      %add3A_162 = vector.broadcast %add3A_161 : i32 to vector<16xi32>
      %add3A_163 = arith.addi %add3A_160, %add3A_162 : vector<16xi32>
      %mul3A_164 = arith.constant 16 : i32
      %mul3A_165 = arith.muli %scan3A_48, %mul3A_164 : i32
      %add3A_166 = arith.constant 3584 : i32
      %add3A_167 = arith.addi %add3A_166, %mul3A_165 : i32
      %swap3A_168 = arith.index_cast %add3A_167 : i32 to index
      %swap3A_169 = tpu.vector_load %arg12[%swap3A_168] {strides = array<i32>} : memref<5120xi32, #tpu.memory_space<vmem>>, vector<16xi32>,
      tpu.vector_store %arg12[%swap3A_168], %add3A_163 {strides = array<i32>} : memref<5120xi32, #tpu.memory_space<vmem>>, vector<16xi32>,
      %add3A_170 = arith.constant 128 : i32
      %add3A_171 = vector.broadcast %add3A_170 : i32 to vector<16xi32>
      %add3A_172 = arith.addi %add3A_74, %add3A_171 : vector<16xi32>
      %add3A_173 = arith.constant 0 : i32
      %add3A_174 = vector.broadcast %add3A_173 : i32 to vector<16xi32>
      %add3A_175 = arith.addi %add3A_172, %add3A_174 : vector<16xi32>
      %mul3A_176 = arith.constant 16 : i32
      %mul3A_177 = arith.muli %scan3A_48, %mul3A_176 : i32
      %add3A_178 = arith.constant 4096 : i32
      %add3A_179 = arith.addi %add3A_178, %mul3A_177 : i32
      %swap3A_180 = arith.index_cast %add3A_179 : i32 to index
      %swap3A_181 = tpu.vector_load %arg12[%swap3A_180] {strides = array<i32>} : memref<5120xi32, #tpu.memory_space<vmem>>, vector<16xi32>,
      tpu.vector_store %arg12[%swap3A_180], %add3A_175 {strides = array<i32>} : memref<5120xi32, #tpu.memory_space<vmem>>, vector<16xi32>,
      %add3A_182 = arith.constant 128 : i32
      %add3A_183 = vector.broadcast %add3A_182 : i32 to vector<16xi32>
      %add3A_184 = arith.addi %add3A_74, %add3A_183 : vector<16xi32>
      %add3A_185 = arith.constant 1 : i32
      %add3A_186 = vector.broadcast %add3A_185 : i32 to vector<16xi32>
      %add3A_187 = arith.addi %add3A_184, %add3A_186 : vector<16xi32>
      %mul3A_188 = arith.constant 16 : i32
      %mul3A_189 = arith.muli %scan3A_48, %mul3A_188 : i32
      %add3A_190 = arith.constant 4608 : i32
      %add3A_191 = arith.addi %add3A_190, %mul3A_189 : i32
      %swap3A_192 = arith.index_cast %add3A_191 : i32 to index
      %swap3A_193 = tpu.vector_load %arg12[%swap3A_192] {strides = array<i32>} : memref<5120xi32, #tpu.memory_space<vmem>>, vector<16xi32>,
      tpu.vector_store %arg12[%swap3A_192], %add3A_187 {strides = array<i32>} : memref<5120xi32, #tpu.memory_space<vmem>>, vector<16xi32>,
      %scan3A_194 = arith.constant 0 : i32
      scf.yield %scan3A_194 : i32
    }
    %scan3A_33 = arith.constant 32 : i32
    %scan3A_34 = arith.constant 0 : i32
    %scan3A_35 = arith.constant 0 : i32
    %scan3A_36 = arith.constant 5 : i32
    %scan3A_37 = arith.addi %scan3A_35, %scan3A_36 : i32
    %scan3A_38 = arith.constant 1 : i32
    %scan3A_39 = scf.for %scan3A_48 = %scan3A_35 to %scan3A_37 step %scan3A_38 iter_args(%scan3A_49 = %scan3A_34) -> (i32)  : i32 {
      %mul3A_50 = arith.constant 8 : i32
      %mul3A_51 = arith.muli %scan3A_48, %mul3A_50 : i32
      %add3A_52 = arith.constant 0 : i32
      %add3A_53 = arith.addi %mul3A_51, %add3A_52 : i32
      %mul3A_54 = arith.constant 128 : i32
      %mul3A_55 = arith.muli %add3A_53, %mul3A_54 : i32
      %add3A_56 = arith.constant 0 : i32
      %add3A_57 = arith.addi %mul3A_51, %add3A_56 : i32
      %mul3A_58 = arith.constant 128 : i32
      %mul3A_59 = arith.muli %add3A_57, %mul3A_58 : i32
      %dma_start3A = arith.constant 0 : i32
      %dma_start3A_60 = tpu.memref_slice %arg13[%mul3A_59, %dma_start3A] : memref<5120x16xf32, #tpu.memory_space<vmem>> -> memref<128x16xf32, #tpu.memory_space<vmem>>
      %dma_start3A_61 = tpu.memref_slice %arg12[%mul3A_55] : memref<5120xi32, #tpu.memory_space<vmem>> -> memref<128xi32, #tpu.memory_space<vmem>>
      %dma_start3A_62 = arith.constant 0 : i32
      %dma_start3A_63 = arith.constant 0 : i32
      %dma_start3A_64 = tpu.memref_slice %arg2[%dma_start3A_62, %dma_start3A_63] : memref<131072x16xf32, #tpu.memory_space<hbm>> -> memref<131072x16xf32, #tpu.memory_space<hbm>>
      tpu.enqueue_indirect_dma source(%dma_start3A_64 : memref<131072x16xf32, #tpu.memory_space<hbm>>) target(%dma_start3A_60 : memref<128x16xf32, #tpu.memory_space<vmem>>) offsets(%dma_start3A_61 : memref<128xi32, #tpu.memory_space<vmem>>) semaphore(%arg18 : memref<!tpu.dma_semaphore, #tpu.memory_space<semaphore_mem>>)
      %add3A_65 = arith.constant 1 : i32
      %add3A_66 = arith.addi %mul3A_51, %add3A_65 : i32
      %mul3A_67 = arith.constant 128 : i32
      %mul3A_68 = arith.muli %add3A_66, %mul3A_67 : i32
      %add3A_69 = arith.constant 1 : i32
      %add3A_70 = arith.addi %mul3A_51, %add3A_69 : i32
      %mul3A_71 = arith.constant 128 : i32
      %mul3A_72 = arith.muli %add3A_70, %mul3A_71 : i32
      %dma_start3A_73 = arith.constant 0 : i32
      %dma_start3A_74 = tpu.memref_slice %arg13[%mul3A_72, %dma_start3A_73] : memref<5120x16xf32, #tpu.memory_space<vmem>> -> memref<128x16xf32, #tpu.memory_space<vmem>>
      %dma_start3A_75 = tpu.memref_slice %arg12[%mul3A_68] : memref<5120xi32, #tpu.memory_space<vmem>> -> memref<128xi32, #tpu.memory_space<vmem>>
      %dma_start3A_76 = arith.constant 0 : i32
      %dma_start3A_77 = arith.constant 0 : i32
      %dma_start3A_78 = tpu.memref_slice %arg2[%dma_start3A_76, %dma_start3A_77] : memref<131072x16xf32, #tpu.memory_space<hbm>> -> memref<131072x16xf32, #tpu.memory_space<hbm>>
      tpu.enqueue_indirect_dma source(%dma_start3A_78 : memref<131072x16xf32, #tpu.memory_space<hbm>>) target(%dma_start3A_74 : memref<128x16xf32, #tpu.memory_space<vmem>>) offsets(%dma_start3A_75 : memref<128xi32, #tpu.memory_space<vmem>>) semaphore(%arg18 : memref<!tpu.dma_semaphore, #tpu.memory_space<semaphore_mem>>)
      %add3A_79 = arith.constant 2 : i32
      %add3A_80 = arith.addi %mul3A_51, %add3A_79 : i32
      %mul3A_81 = arith.constant 128 : i32
      %mul3A_82 = arith.muli %add3A_80, %mul3A_81 : i32
      %add3A_83 = arith.constant 2 : i32
      %add3A_84 = arith.addi %mul3A_51, %add3A_83 : i32
      %mul3A_85 = arith.constant 128 : i32
      %mul3A_86 = arith.muli %add3A_84, %mul3A_85 : i32
      %dma_start3A_87 = arith.constant 0 : i32
      %dma_start3A_88 = tpu.memref_slice %arg13[%mul3A_86, %dma_start3A_87] : memref<5120x16xf32, #tpu.memory_space<vmem>> -> memref<128x16xf32, #tpu.memory_space<vmem>>
      %dma_start3A_89 = tpu.memref_slice %arg12[%mul3A_82] : memref<5120xi32, #tpu.memory_space<vmem>> -> memref<128xi32, #tpu.memory_space<vmem>>
      %dma_start3A_90 = arith.constant 0 : i32
      %dma_start3A_91 = arith.constant 0 : i32
      %dma_start3A_92 = tpu.memref_slice %arg2[%dma_start3A_90, %dma_start3A_91] : memref<131072x16xf32, #tpu.memory_space<hbm>> -> memref<131072x16xf32, #tpu.memory_space<hbm>>
      tpu.enqueue_indirect_dma source(%dma_start3A_92 : memref<131072x16xf32, #tpu.memory_space<hbm>>) target(%dma_start3A_88 : memref<128x16xf32, #tpu.memory_space<vmem>>) offsets(%dma_start3A_89 : memref<128xi32, #tpu.memory_space<vmem>>) semaphore(%arg18 : memref<!tpu.dma_semaphore, #tpu.memory_space<semaphore_mem>>)
      %add3A_93 = arith.constant 3 : i32
      %add3A_94 = arith.addi %mul3A_51, %add3A_93 : i32
      %mul3A_95 = arith.constant 128 : i32
      %mul3A_96 = arith.muli %add3A_94, %mul3A_95 : i32
      %add3A_97 = arith.constant 3 : i32
      %add3A_98 = arith.addi %mul3A_51, %add3A_97 : i32
      %mul3A_99 = arith.constant 128 : i32
      %mul3A_100 = arith.muli %add3A_98, %mul3A_99 : i32
      %dma_start3A_101 = arith.constant 0 : i32
      %dma_start3A_102 = tpu.memref_slice %arg13[%mul3A_100, %dma_start3A_101] : memref<5120x16xf32, #tpu.memory_space<vmem>> -> memref<128x16xf32, #tpu.memory_space<vmem>>
      %dma_start3A_103 = tpu.memref_slice %arg12[%mul3A_96] : memref<5120xi32, #tpu.memory_space<vmem>> -> memref<128xi32, #tpu.memory_space<vmem>>
      %dma_start3A_104 = arith.constant 0 : i32
      %dma_start3A_105 = arith.constant 0 : i32
      %dma_start3A_106 = tpu.memref_slice %arg2[%dma_start3A_104, %dma_start3A_105] : memref<131072x16xf32, #tpu.memory_space<hbm>> -> memref<131072x16xf32, #tpu.memory_space<hbm>>
      tpu.enqueue_indirect_dma source(%dma_start3A_106 : memref<131072x16xf32, #tpu.memory_space<hbm>>) target(%dma_start3A_102 : memref<128x16xf32, #tpu.memory_space<vmem>>) offsets(%dma_start3A_103 : memref<128xi32, #tpu.memory_space<vmem>>) semaphore(%arg18 : memref<!tpu.dma_semaphore, #tpu.memory_space<semaphore_mem>>)
      %add3A_107 = arith.constant 4 : i32
      %add3A_108 = arith.addi %mul3A_51, %add3A_107 : i32
      %mul3A_109 = arith.constant 128 : i32
      %mul3A_110 = arith.muli %add3A_108, %mul3A_109 : i32
      %add3A_111 = arith.constant 4 : i32
      %add3A_112 = arith.addi %mul3A_51, %add3A_111 : i32
      %mul3A_113 = arith.constant 128 : i32
      %mul3A_114 = arith.muli %add3A_112, %mul3A_113 : i32
      %dma_start3A_115 = arith.constant 0 : i32
      %dma_start3A_116 = tpu.memref_slice %arg13[%mul3A_114, %dma_start3A_115] : memref<5120x16xf32, #tpu.memory_space<vmem>> -> memref<128x16xf32, #tpu.memory_space<vmem>>
      %dma_start3A_117 = tpu.memref_slice %arg12[%mul3A_110] : memref<5120xi32, #tpu.memory_space<vmem>> -> memref<128xi32, #tpu.memory_space<vmem>>
      %dma_start3A_118 = arith.constant 0 : i32
      %dma_start3A_119 = arith.constant 0 : i32
      %dma_start3A_120 = tpu.memref_slice %arg2[%dma_start3A_118, %dma_start3A_119] : memref<131072x16xf32, #tpu.memory_space<hbm>> -> memref<131072x16xf32, #tpu.memory_space<hbm>>
      tpu.enqueue_indirect_dma source(%dma_start3A_120 : memref<131072x16xf32, #tpu.memory_space<hbm>>) target(%dma_start3A_116 : memref<128x16xf32, #tpu.memory_space<vmem>>) offsets(%dma_start3A_117 : memref<128xi32, #tpu.memory_space<vmem>>) semaphore(%arg18 : memref<!tpu.dma_semaphore, #tpu.memory_space<semaphore_mem>>)
      %add3A_121 = arith.constant 5 : i32
      %add3A_122 = arith.addi %mul3A_51, %add3A_121 : i32
      %mul3A_123 = arith.constant 128 : i32
      %mul3A_124 = arith.muli %add3A_122, %mul3A_123 : i32
      %add3A_125 = arith.constant 5 : i32
      %add3A_126 = arith.addi %mul3A_51, %add3A_125 : i32
      %mul3A_127 = arith.constant 128 : i32
      %mul3A_128 = arith.muli %add3A_126, %mul3A_127 : i32
      %dma_start3A_129 = arith.constant 0 : i32
      %dma_start3A_130 = tpu.memref_slice %arg13[%mul3A_128, %dma_start3A_129] : memref<5120x16xf32, #tpu.memory_space<vmem>> -> memref<128x16xf32, #tpu.memory_space<vmem>>
      %dma_start3A_131 = tpu.memref_slice %arg12[%mul3A_124] : memref<5120xi32, #tpu.memory_space<vmem>> -> memref<128xi32, #tpu.memory_space<vmem>>
      %dma_start3A_132 = arith.constant 0 : i32
      %dma_start3A_133 = arith.constant 0 : i32
      %dma_start3A_134 = tpu.memref_slice %arg2[%dma_start3A_132, %dma_start3A_133] : memref<131072x16xf32, #tpu.memory_space<hbm>> -> memref<131072x16xf32, #tpu.memory_space<hbm>>
      tpu.enqueue_indirect_dma source(%dma_start3A_134 : memref<131072x16xf32, #tpu.memory_space<hbm>>) target(%dma_start3A_130 : memref<128x16xf32, #tpu.memory_space<vmem>>) offsets(%dma_start3A_131 : memref<128xi32, #tpu.memory_space<vmem>>) semaphore(%arg18 : memref<!tpu.dma_semaphore, #tpu.memory_space<semaphore_mem>>)
      %add3A_135 = arith.constant 6 : i32
      %add3A_136 = arith.addi %mul3A_51, %add3A_135 : i32
      %mul3A_137 = arith.constant 128 : i32
      %mul3A_138 = arith.muli %add3A_136, %mul3A_137 : i32
      %add3A_139 = arith.constant 6 : i32
      %add3A_140 = arith.addi %mul3A_51, %add3A_139 : i32
      %mul3A_141 = arith.constant 128 : i32
      %mul3A_142 = arith.muli %add3A_140, %mul3A_141 : i32
      %dma_start3A_143 = arith.constant 0 : i32
      %dma_start3A_144 = tpu.memref_slice %arg13[%mul3A_142, %dma_start3A_143] : memref<5120x16xf32, #tpu.memory_space<vmem>> -> memref<128x16xf32, #tpu.memory_space<vmem>>
      %dma_start3A_145 = tpu.memref_slice %arg12[%mul3A_138] : memref<5120xi32, #tpu.memory_space<vmem>> -> memref<128xi32, #tpu.memory_space<vmem>>
      %dma_start3A_146 = arith.constant 0 : i32
      %dma_start3A_147 = arith.constant 0 : i32
      %dma_start3A_148 = tpu.memref_slice %arg2[%dma_start3A_146, %dma_start3A_147] : memref<131072x16xf32, #tpu.memory_space<hbm>> -> memref<131072x16xf32, #tpu.memory_space<hbm>>
      tpu.enqueue_indirect_dma source(%dma_start3A_148 : memref<131072x16xf32, #tpu.memory_space<hbm>>) target(%dma_start3A_144 : memref<128x16xf32, #tpu.memory_space<vmem>>) offsets(%dma_start3A_145 : memref<128xi32, #tpu.memory_space<vmem>>) semaphore(%arg18 : memref<!tpu.dma_semaphore, #tpu.memory_space<semaphore_mem>>)
      %add3A_149 = arith.constant 7 : i32
      %add3A_150 = arith.addi %mul3A_51, %add3A_149 : i32
      %mul3A_151 = arith.constant 128 : i32
      %mul3A_152 = arith.muli %add3A_150, %mul3A_151 : i32
      %add3A_153 = arith.constant 7 : i32
      %add3A_154 = arith.addi %mul3A_51, %add3A_153 : i32
      %mul3A_155 = arith.constant 128 : i32
      %mul3A_156 = arith.muli %add3A_154, %mul3A_155 : i32
      %dma_start3A_157 = arith.constant 0 : i32
      %dma_start3A_158 = tpu.memref_slice %arg13[%mul3A_156, %dma_start3A_157] : memref<5120x16xf32, #tpu.memory_space<vmem>> -> memref<128x16xf32, #tpu.memory_space<vmem>>
      %dma_start3A_159 = tpu.memref_slice %arg12[%mul3A_152] : memref<5120xi32, #tpu.memory_space<vmem>> -> memref<128xi32, #tpu.memory_space<vmem>>
      %dma_start3A_160 = arith.constant 0 : i32
      %dma_start3A_161 = arith.constant 0 : i32
      %dma_start3A_162 = tpu.memref_slice %arg2[%dma_start3A_160, %dma_start3A_161] : memref<131072x16xf32, #tpu.memory_space<hbm>> -> memref<131072x16xf32, #tpu.memory_space<hbm>>
      tpu.enqueue_indirect_dma source(%dma_start3A_162 : memref<131072x16xf32, #tpu.memory_space<hbm>>) target(%dma_start3A_158 : memref<128x16xf32, #tpu.memory_space<vmem>>) offsets(%dma_start3A_159 : memref<128xi32, #tpu.memory_space<vmem>>) semaphore(%arg18 : memref<!tpu.dma_semaphore, #tpu.memory_space<semaphore_mem>>)
      %add3A_163 = arith.constant 0 : i32
      %add3A_164 = arith.addi %mul3A_51, %add3A_163 : i32
      %mul3A_165 = arith.constant 128 : i32
      %mul3A_166 = arith.muli %add3A_164, %mul3A_165 : i32
      %add3A_167 = arith.constant 0 : i32
      %add3A_168 = arith.addi %mul3A_51, %add3A_167 : i32
      %mul3A_169 = arith.constant 128 : i32
      %mul3A_170 = arith.muli %add3A_168, %mul3A_169 : i32
      %dma_wait3A = arith.constant 0 : i32
      %dma_wait3A_171 = tpu.memref_slice %arg13[%mul3A_170, %dma_wait3A] : memref<5120x16xf32, #tpu.memory_space<vmem>> -> memref<128x16xf32, #tpu.memory_space<vmem>>
      %dma_wait3A_172 = tpu.memref_slice %arg12[%mul3A_166] : memref<5120xi32, #tpu.memory_space<vmem>> -> memref<128xi32, #tpu.memory_space<vmem>>
      %dma_wait3A_173 = arith.constant 0 : i32
      %dma_wait3A_174 = arith.constant 0 : i32
      %dma_wait3A_175 = tpu.memref_slice %arg2[%dma_wait3A_173, %dma_wait3A_174] : memref<131072x16xf32, #tpu.memory_space<hbm>> -> memref<131072x16xf32, #tpu.memory_space<hbm>>
      tpu.wait_indirect_dma semaphore(%arg18 : memref<!tpu.dma_semaphore, #tpu.memory_space<semaphore_mem>>) src(%dma_wait3A_175 : memref<131072x16xf32, #tpu.memory_space<hbm>>) dst(%dma_wait3A_171 : memref<128x16xf32, #tpu.memory_space<vmem>>)
      %add3A_176 = arith.constant 1 : i32
      %add3A_177 = arith.addi %mul3A_51, %add3A_176 : i32
      %mul3A_178 = arith.constant 128 : i32
      %mul3A_179 = arith.muli %add3A_177, %mul3A_178 : i32
      %add3A_180 = arith.constant 1 : i32
      %add3A_181 = arith.addi %mul3A_51, %add3A_180 : i32
      %mul3A_182 = arith.constant 128 : i32
      %mul3A_183 = arith.muli %add3A_181, %mul3A_182 : i32
      %dma_wait3A_184 = arith.constant 0 : i32
      %dma_wait3A_185 = tpu.memref_slice %arg13[%mul3A_183, %dma_wait3A_184] : memref<5120x16xf32, #tpu.memory_space<vmem>> -> memref<128x16xf32, #tpu.memory_space<vmem>>
      %dma_wait3A_186 = tpu.memref_slice %arg12[%mul3A_179] : memref<5120xi32, #tpu.memory_space<vmem>> -> memref<128xi32, #tpu.memory_space<vmem>>
      %dma_wait3A_187 = arith.constant 0 : i32
      %dma_wait3A_188 = arith.constant 0 : i32
      %dma_wait3A_189 = tpu.memref_slice %arg2[%dma_wait3A_187, %dma_wait3A_188] : memref<131072x16xf32, #tpu.memory_space<hbm>> -> memref<131072x16xf32, #tpu.memory_space<hbm>>
      tpu.wait_indirect_dma semaphore(%arg18 : memref<!tpu.dma_semaphore, #tpu.memory_space<semaphore_mem>>) src(%dma_wait3A_189 : memref<131072x16xf32, #tpu.memory_space<hbm>>) dst(%dma_wait3A_185 : memref<128x16xf32, #tpu.memory_space<vmem>>)
      %add3A_190 = arith.constant 2 : i32
      %add3A_191 = arith.addi %mul3A_51, %add3A_190 : i32
      %mul3A_192 = arith.constant 128 : i32
      %mul3A_193 = arith.muli %add3A_191, %mul3A_192 : i32
      %add3A_194 = arith.constant 2 : i32
      %add3A_195 = arith.addi %mul3A_51, %add3A_194 : i32
      %mul3A_196 = arith.constant 128 : i32
      %mul3A_197 = arith.muli %add3A_195, %mul3A_196 : i32
      %dma_wait3A_198 = arith.constant 0 : i32
      %dma_wait3A_199 = tpu.memref_slice %arg13[%mul3A_197, %dma_wait3A_198] : memref<5120x16xf32, #tpu.memory_space<vmem>> -> memref<128x16xf32, #tpu.memory_space<vmem>>
      %dma_wait3A_200 = tpu.memref_slice %arg12[%mul3A_193] : memref<5120xi32, #tpu.memory_space<vmem>> -> memref<128xi32, #tpu.memory_space<vmem>>
      %dma_wait3A_201 = arith.constant 0 : i32
      %dma_wait3A_202 = arith.constant 0 : i32
      %dma_wait3A_203 = tpu.memref_slice %arg2[%dma_wait3A_201, %dma_wait3A_202] : memref<131072x16xf32, #tpu.memory_space<hbm>> -> memref<131072x16xf32, #tpu.memory_space<hbm>>
      tpu.wait_indirect_dma semaphore(%arg18 : memref<!tpu.dma_semaphore, #tpu.memory_space<semaphore_mem>>) src(%dma_wait3A_203 : memref<131072x16xf32, #tpu.memory_space<hbm>>) dst(%dma_wait3A_199 : memref<128x16xf32, #tpu.memory_space<vmem>>)
      %add3A_204 = arith.constant 3 : i32
      %add3A_205 = arith.addi %mul3A_51, %add3A_204 : i32
      %mul3A_206 = arith.constant 128 : i32
      %mul3A_207 = arith.muli %add3A_205, %mul3A_206 : i32
      %add3A_208 = arith.constant 3 : i32
      %add3A_209 = arith.addi %mul3A_51, %add3A_208 : i32
      %mul3A_210 = arith.constant 128 : i32
      %mul3A_211 = arith.muli %add3A_209, %mul3A_210 : i32
      %dma_wait3A_212 = arith.constant 0 : i32
      %dma_wait3A_213 = tpu.memref_slice %arg13[%mul3A_211, %dma_wait3A_212] : memref<5120x16xf32, #tpu.memory_space<vmem>> -> memref<128x16xf32, #tpu.memory_space<vmem>>
      %dma_wait3A_214 = tpu.memref_slice %arg12[%mul3A_207] : memref<5120xi32, #tpu.memory_space<vmem>> -> memref<128xi32, #tpu.memory_space<vmem>>
      %dma_wait3A_215 = arith.constant 0 : i32
      %dma_wait3A_216 = arith.constant 0 : i32
      %dma_wait3A_217 = tpu.memref_slice %arg2[%dma_wait3A_215, %dma_wait3A_216] : memref<131072x16xf32, #tpu.memory_space<hbm>> -> memref<131072x16xf32, #tpu.memory_space<hbm>>
      tpu.wait_indirect_dma semaphore(%arg18 : memref<!tpu.dma_semaphore, #tpu.memory_space<semaphore_mem>>) src(%dma_wait3A_217 : memref<131072x16xf32, #tpu.memory_space<hbm>>) dst(%dma_wait3A_213 : memref<128x16xf32, #tpu.memory_space<vmem>>)
      %add3A_218 = arith.constant 4 : i32
      %add3A_219 = arith.addi %mul3A_51, %add3A_218 : i32
      %mul3A_220 = arith.constant 128 : i32
      %mul3A_221 = arith.muli %add3A_219, %mul3A_220 : i32
      %add3A_222 = arith.constant 4 : i32
      %add3A_223 = arith.addi %mul3A_51, %add3A_222 : i32
      %mul3A_224 = arith.constant 128 : i32
      %mul3A_225 = arith.muli %add3A_223, %mul3A_224 : i32
      %dma_wait3A_226 = arith.constant 0 : i32
      %dma_wait3A_227 = tpu.memref_slice %arg13[%mul3A_225, %dma_wait3A_226] : memref<5120x16xf32, #tpu.memory_space<vmem>> -> memref<128x16xf32, #tpu.memory_space<vmem>>
      %dma_wait3A_228 = tpu.memref_slice %arg12[%mul3A_221] : memref<5120xi32, #tpu.memory_space<vmem>> -> memref<128xi32, #tpu.memory_space<vmem>>
      %dma_wait3A_229 = arith.constant 0 : i32
      %dma_wait3A_230 = arith.constant 0 : i32
      %dma_wait3A_231 = tpu.memref_slice %arg2[%dma_wait3A_229, %dma_wait3A_230] : memref<131072x16xf32, #tpu.memory_space<hbm>> -> memref<131072x16xf32, #tpu.memory_space<hbm>>
      tpu.wait_indirect_dma semaphore(%arg18 : memref<!tpu.dma_semaphore, #tpu.memory_space<semaphore_mem>>) src(%dma_wait3A_231 : memref<131072x16xf32, #tpu.memory_space<hbm>>) dst(%dma_wait3A_227 : memref<128x16xf32, #tpu.memory_space<vmem>>)
      %add3A_232 = arith.constant 5 : i32
      %add3A_233 = arith.addi %mul3A_51, %add3A_232 : i32
      %mul3A_234 = arith.constant 128 : i32
      %mul3A_235 = arith.muli %add3A_233, %mul3A_234 : i32
      %add3A_236 = arith.constant 5 : i32
      %add3A_237 = arith.addi %mul3A_51, %add3A_236 : i32
      %mul3A_238 = arith.constant 128 : i32
      %mul3A_239 = arith.muli %add3A_237, %mul3A_238 : i32
      %dma_wait3A_240 = arith.constant 0 : i32
      %dma_wait3A_241 = tpu.memref_slice %arg13[%mul3A_239, %dma_wait3A_240] : memref<5120x16xf32, #tpu.memory_space<vmem>> -> memref<128x16xf32, #tpu.memory_space<vmem>>
      %dma_wait3A_242 = tpu.memref_slice %arg12[%mul3A_235] : memref<5120xi32, #tpu.memory_space<vmem>> -> memref<128xi32, #tpu.memory_space<vmem>>
      %dma_wait3A_243 = arith.constant 0 : i32
      %dma_wait3A_244 = arith.constant 0 : i32
      %dma_wait3A_245 = tpu.memref_slice %arg2[%dma_wait3A_243, %dma_wait3A_244] : memref<131072x16xf32, #tpu.memory_space<hbm>> -> memref<131072x16xf32, #tpu.memory_space<hbm>>
      tpu.wait_indirect_dma semaphore(%arg18 : memref<!tpu.dma_semaphore, #tpu.memory_space<semaphore_mem>>) src(%dma_wait3A_245 : memref<131072x16xf32, #tpu.memory_space<hbm>>) dst(%dma_wait3A_241 : memref<128x16xf32, #tpu.memory_space<vmem>>)
      %add3A_246 = arith.constant 6 : i32
      %add3A_247 = arith.addi %mul3A_51, %add3A_246 : i32
      %mul3A_248 = arith.constant 128 : i32
      %mul3A_249 = arith.muli %add3A_247, %mul3A_248 : i32
      %add3A_250 = arith.constant 6 : i32
      %add3A_251 = arith.addi %mul3A_51, %add3A_250 : i32
      %mul3A_252 = arith.constant 128 : i32
      %mul3A_253 = arith.muli %add3A_251, %mul3A_252 : i32
      %dma_wait3A_254 = arith.constant 0 : i32
      %dma_wait3A_255 = tpu.memref_slice %arg13[%mul3A_253, %dma_wait3A_254] : memref<5120x16xf32, #tpu.memory_space<vmem>> -> memref<128x16xf32, #tpu.memory_space<vmem>>
      %dma_wait3A_256 = tpu.memref_slice %arg12[%mul3A_249] : memref<5120xi32, #tpu.memory_space<vmem>> -> memref<128xi32, #tpu.memory_space<vmem>>
      %dma_wait3A_257 = arith.constant 0 : i32
      %dma_wait3A_258 = arith.constant 0 : i32
      %dma_wait3A_259 = tpu.memref_slice %arg2[%dma_wait3A_257, %dma_wait3A_258] : memref<131072x16xf32, #tpu.memory_space<hbm>> -> memref<131072x16xf32, #tpu.memory_space<hbm>>
      tpu.wait_indirect_dma semaphore(%arg18 : memref<!tpu.dma_semaphore, #tpu.memory_space<semaphore_mem>>) src(%dma_wait3A_259 : memref<131072x16xf32, #tpu.memory_space<hbm>>) dst(%dma_wait3A_255 : memref<128x16xf32, #tpu.memory_space<vmem>>)
      %add3A_260 = arith.constant 7 : i32
      %add3A_261 = arith.addi %mul3A_51, %add3A_260 : i32
      %mul3A_262 = arith.constant 128 : i32
      %mul3A_263 = arith.muli %add3A_261, %mul3A_262 : i32
      %add3A_264 = arith.constant 7 : i32
      %add3A_265 = arith.addi %mul3A_51, %add3A_264 : i32
      %mul3A_266 = arith.constant 128 : i32
      %mul3A_267 = arith.muli %add3A_265, %mul3A_266 : i32
      %dma_wait3A_268 = arith.constant 0 : i32
      %dma_wait3A_269 = tpu.memref_slice %arg13[%mul3A_267, %dma_wait3A_268] : memref<5120x16xf32, #tpu.memory_space<vmem>> -> memref<128x16xf32, #tpu.memory_space<vmem>>
      %dma_wait3A_270 = tpu.memref_slice %arg12[%mul3A_263] : memref<5120xi32, #tpu.memory_space<vmem>> -> memref<128xi32, #tpu.memory_space<vmem>>
      %dma_wait3A_271 = arith.constant 0 : i32
      %dma_wait3A_272 = arith.constant 0 : i32
      %dma_wait3A_273 = tpu.memref_slice %arg2[%dma_wait3A_271, %dma_wait3A_272] : memref<131072x16xf32, #tpu.memory_space<hbm>> -> memref<131072x16xf32, #tpu.memory_space<hbm>>
      tpu.wait_indirect_dma semaphore(%arg18 : memref<!tpu.dma_semaphore, #tpu.memory_space<semaphore_mem>>) src(%dma_wait3A_273 : memref<131072x16xf32, #tpu.memory_space<hbm>>) dst(%dma_wait3A_269 : memref<128x16xf32, #tpu.memory_space<vmem>>)
      %scan3A_274 = arith.constant 0 : i32
      scf.yield %scan3A_274 : i32
    }
    %scan3A_40 = arith.constant 5 : i32
    %scan3A_41 = arith.constant 0 : i32
    %scan3A_42 = arith.constant 0 : i32
    %scan3A_43 = arith.constant 32 : i32
    %scan3A_44 = arith.addi %scan3A_42, %scan3A_43 : i32
    %scan3A_45 = arith.constant 1 : i32
    %scan3A_46 = scf.for %scan3A_48 = %scan3A_42 to %scan3A_44 step %scan3A_45 iter_args(%scan3A_49 = %scan3A_41) -> (i32)  : i32 {
      %mul3A_50 = arith.constant 16 : i32
      %mul3A_51 = arith.muli %scan3A_48, %mul3A_50 : i32
      %get3A = arith.index_cast %mul3A_51 : i32 to index
      %get3A_52 = tpu.vector_load %arg11[%get3A] {strides = array<i32>} : memref<512xi32, #tpu.memory_space<vmem>>, vector<16xi32>,
      %shift_right_logical3A = arith.constant 9 : i32
      %shift_right_logical3A_53 = vector.broadcast %shift_right_logical3A : i32 to vector<16xi32>
      %shift_right_logical3A_54 = arith.shrui %get3A_52, %shift_right_logical3A_53 : vector<16xi32>
      %and3A_55 = arith.constant 511 : i32
      %and3A_56 = vector.broadcast %and3A_55 : i32 to vector<16xi32>
      %and3A_57 = arith.andi %get3A_52, %and3A_56 : vector<16xi32>
      %sub3A_58 = arith.constant 2 : i32
      %sub3A_59 = vector.broadcast %sub3A_58 : i32 to vector<16xi32>
      %sub3A_60 = arith.subi %and3A_57, %sub3A_59 : vector<16xi32>
      %and3A_61 = arith.constant 15 : i32
      %and3A_62 = vector.broadcast %and3A_61 : i32 to vector<16xi32>
      %and3A_63 = arith.andi %sub3A_60, %and3A_62 : vector<16xi32>
      %mul3A_64 = arith.constant 16 : i32
      %mul3A_65 = arith.muli %scan3A_48, %mul3A_64 : i32
      %add3A_66 = vector.broadcast %mul3A_65 : i32 to vector<16xi32>
      %add3A_67 = arith.addi %add3A_66, %iota3A : vector<16xi32>
      %broadcast_in_dim3A = arith.constant 0.000000e+00 : f32
      %broadcast_in_dim3A_68 = vector.broadcast %broadcast_in_dim3A : f32 to vector<16xf32>
      %broadcast_in_dim3A_69 = arith.constant 0.000000e+00 : f32
      %broadcast_in_dim3A_70 = vector.broadcast %broadcast_in_dim3A_69 : f32 to vector<16xf32>
      %broadcast_in_dim3A_71 = arith.constant 0.000000e+00 : f32
      %broadcast_in_dim3A_72 = vector.broadcast %broadcast_in_dim3A_71 : f32 to vector<16xf32>
      %broadcast_in_dim3A_73 = arith.constant 0.000000e+00 : f32
      %broadcast_in_dim3A_74 = vector.broadcast %broadcast_in_dim3A_73 : f32 to vector<16xf32>
      %add3A_75 = arith.constant 0 : i32
      %add3A_76 = vector.broadcast %add3A_75 : i32 to vector<16xi32>
      %add3A_77 = arith.addi %and3A_63, %add3A_76 : vector<16xi32>
      %shift_right_logical3A_78 = arith.constant 4 : i32
      %shift_right_logical3A_79 = vector.broadcast %shift_right_logical3A_78 : i32 to vector<16xi32>
      %shift_right_logical3A_80 = arith.shrui %add3A_77, %shift_right_logical3A_79 : vector<16xi32>
      %and3A_81 = arith.constant 15 : i32
      %and3A_82 = vector.broadcast %and3A_81 : i32 to vector<16xi32>
      %and3A_83 = arith.andi %add3A_77, %and3A_82 : vector<16xi32>
      %add3A_84 = arith.constant 0 : i32
      %add3A_85 = vector.broadcast %add3A_84 : i32 to vector<16xi32>
      %add3A_86 = arith.addi %add3A_85, %shift_right_logical3A_80 : vector<16xi32>
      %mul3A_87 = arith.constant 512 : i32
      %mul3A_88 = vector.broadcast %mul3A_87 : i32 to vector<16xi32>
      %mul3A_89 = arith.muli %add3A_86, %mul3A_88 : vector<16xi32>
      %add3A_90 = arith.addi %mul3A_89, %add3A_67 : vector<16xi32>
      %gather3A = tpu.vector_load_idx %arg13[%add3A_90, %and3A_83] : memref<5120x16xf32, #tpu.memory_space<vmem>>[vector<16xi32>, vector<16xi32>], vector<16xf32>,
      %mul3A_91 = arith.constant 1.000000e+01 : f32
      %mul3A_92 = vector.broadcast %mul3A_91 : f32 to vector<16xf32>
      %mul3A_93 = arith.mulf %gather3A, %mul3A_92 : vector<16xf32>
      %exp3A = math.exp %mul3A_93 : vector<16xf32>
      %add3A_94 = arith.addf %broadcast_in_dim3A_68, %exp3A : vector<16xf32>
      %mul3A_95 = arith.constant -2.000000e+00 : f32
      %mul3A_96 = vector.broadcast %mul3A_95 : f32 to vector<16xf32>
      %mul3A_97 = arith.mulf %exp3A, %mul3A_96 : vector<16xf32>
      %add3A_98 = arith.addf %broadcast_in_dim3A_70, %mul3A_97 : vector<16xf32>
      %mul3A_99 = arith.constant -2.000000e+00 : f32
      %mul3A_100 = vector.broadcast %mul3A_99 : f32 to vector<16xf32>
      %mul3A_101 = arith.mulf %exp3A, %mul3A_100 : vector<16xf32>
      %add3A_102 = arith.addf %broadcast_in_dim3A_72, %mul3A_101 : vector<16xf32>
      %mul3A_103 = arith.constant 8.000000e+00 : f32
      %mul3A_104 = vector.broadcast %mul3A_103 : f32 to vector<16xf32>
      %mul3A_105 = arith.mulf %exp3A, %mul3A_104 : vector<16xf32>
      %add3A_106 = arith.addf %broadcast_in_dim3A_74, %mul3A_105 : vector<16xf32>
      %add3A_107 = arith.constant 1 : i32
      %add3A_108 = vector.broadcast %add3A_107 : i32 to vector<16xi32>
      %add3A_109 = arith.addi %and3A_63, %add3A_108 : vector<16xi32>
      %shift_right_logical3A_110 = arith.constant 4 : i32
      %shift_right_logical3A_111 = vector.broadcast %shift_right_logical3A_110 : i32 to vector<16xi32>
      %shift_right_logical3A_112 = arith.shrui %add3A_109, %shift_right_logical3A_111 : vector<16xi32>
      %and3A_113 = arith.constant 15 : i32
      %and3A_114 = vector.broadcast %and3A_113 : i32 to vector<16xi32>
      %and3A_115 = arith.andi %add3A_109, %and3A_114 : vector<16xi32>
      %add3A_116 = arith.constant 0 : i32
      %add3A_117 = vector.broadcast %add3A_116 : i32 to vector<16xi32>
      %add3A_118 = arith.addi %add3A_117, %shift_right_logical3A_112 : vector<16xi32>
      %mul3A_119 = arith.constant 512 : i32
      %mul3A_120 = vector.broadcast %mul3A_119 : i32 to vector<16xi32>
      %mul3A_121 = arith.muli %add3A_118, %mul3A_120 : vector<16xi32>
      %add3A_122 = arith.addi %mul3A_121, %add3A_67 : vector<16xi32>
      %gather3A_123 = tpu.vector_load_idx %arg13[%add3A_122, %and3A_115] : memref<5120x16xf32, #tpu.memory_space<vmem>>[vector<16xi32>, vector<16xi32>], vector<16xf32>,
      %mul3A_124 = arith.constant 1.000000e+01 : f32
      %mul3A_125 = vector.broadcast %mul3A_124 : f32 to vector<16xf32>
      %mul3A_126 = arith.mulf %gather3A_123, %mul3A_125 : vector<16xf32>
      %exp3A_127 = math.exp %mul3A_126 : vector<16xf32>
      %add3A_128 = arith.addf %add3A_94, %exp3A_127 : vector<16xf32>
      %mul3A_129 = arith.constant -1.000000e+00 : f32
      %mul3A_130 = vector.broadcast %mul3A_129 : f32 to vector<16xf32>
      %mul3A_131 = arith.mulf %exp3A_127, %mul3A_130 : vector<16xf32>
      %add3A_132 = arith.addf %add3A_98, %mul3A_131 : vector<16xf32>
      %mul3A_133 = arith.constant -2.000000e+00 : f32
      %mul3A_134 = vector.broadcast %mul3A_133 : f32 to vector<16xf32>
      %mul3A_135 = arith.mulf %exp3A_127, %mul3A_134 : vector<16xf32>
      %add3A_136 = arith.addf %add3A_102, %mul3A_135 : vector<16xf32>
      %mul3A_137 = arith.constant 5.000000e+00 : f32
      %mul3A_138 = vector.broadcast %mul3A_137 : f32 to vector<16xf32>
      %mul3A_139 = arith.mulf %exp3A_127, %mul3A_138 : vector<16xf32>
      %add3A_140 = arith.addf %add3A_106, %mul3A_139 : vector<16xf32>
      %add3A_141 = arith.constant 2 : i32
      %add3A_142 = vector.broadcast %add3A_141 : i32 to vector<16xi32>
      %add3A_143 = arith.addi %and3A_63, %add3A_142 : vector<16xi32>
      %shift_right_logical3A_144 = arith.constant 4 : i32
      %shift_right_logical3A_145 = vector.broadcast %shift_right_logical3A_144 : i32 to vector<16xi32>
      %shift_right_logical3A_146 = arith.shrui %add3A_143, %shift_right_logical3A_145 : vector<16xi32>
      %and3A_147 = arith.constant 15 : i32
      %and3A_148 = vector.broadcast %and3A_147 : i32 to vector<16xi32>
      %and3A_149 = arith.andi %add3A_143, %and3A_148 : vector<16xi32>
      %add3A_150 = arith.constant 0 : i32
      %add3A_151 = vector.broadcast %add3A_150 : i32 to vector<16xi32>
      %add3A_152 = arith.addi %add3A_151, %shift_right_logical3A_146 : vector<16xi32>
      %mul3A_153 = arith.constant 512 : i32
      %mul3A_154 = vector.broadcast %mul3A_153 : i32 to vector<16xi32>
      %mul3A_155 = arith.muli %add3A_152, %mul3A_154 : vector<16xi32>
      %add3A_156 = arith.addi %mul3A_155, %add3A_67 : vector<16xi32>
      %gather3A_157 = tpu.vector_load_idx %arg13[%add3A_156, %and3A_149] : memref<5120x16xf32, #tpu.memory_space<vmem>>[vector<16xi32>, vector<16xi32>], vector<16xf32>,
      %mul3A_158 = arith.constant 1.000000e+01 : f32
      %mul3A_159 = vector.broadcast %mul3A_158 : f32 to vector<16xf32>
      %mul3A_160 = arith.mulf %gather3A_157, %mul3A_159 : vector<16xf32>
      %exp3A_161 = math.exp %mul3A_160 : vector<16xf32>
      %add3A_162 = arith.addf %add3A_128, %exp3A_161 : vector<16xf32>
      %mul3A_163 = arith.constant -2.000000e+00 : f32
      %mul3A_164 = vector.broadcast %mul3A_163 : f32 to vector<16xf32>
      %mul3A_165 = arith.mulf %exp3A_161, %mul3A_164 : vector<16xf32>
      %add3A_166 = arith.addf %add3A_136, %mul3A_165 : vector<16xf32>
      %mul3A_167 = arith.constant 4.000000e+00 : f32
      %mul3A_168 = vector.broadcast %mul3A_167 : f32 to vector<16xf32>
      %mul3A_169 = arith.mulf %exp3A_161, %mul3A_168 : vector<16xf32>
      %add3A_170 = arith.addf %add3A_140, %mul3A_169 : vector<16xf32>
      %add3A_171 = arith.constant 3 : i32
      %add3A_172 = vector.broadcast %add3A_171 : i32 to vector<16xi32>
      %add3A_173 = arith.addi %and3A_63, %add3A_172 : vector<16xi32>
      %shift_right_logical3A_174 = arith.constant 4 : i32
      %shift_right_logical3A_175 = vector.broadcast %shift_right_logical3A_174 : i32 to vector<16xi32>
      %shift_right_logical3A_176 = arith.shrui %add3A_173, %shift_right_logical3A_175 : vector<16xi32>
      %and3A_177 = arith.constant 15 : i32
      %and3A_178 = vector.broadcast %and3A_177 : i32 to vector<16xi32>
      %and3A_179 = arith.andi %add3A_173, %and3A_178 : vector<16xi32>
      %add3A_180 = arith.constant 0 : i32
      %add3A_181 = vector.broadcast %add3A_180 : i32 to vector<16xi32>
      %add3A_182 = arith.addi %add3A_181, %shift_right_logical3A_176 : vector<16xi32>
      %mul3A_183 = arith.constant 512 : i32
      %mul3A_184 = vector.broadcast %mul3A_183 : i32 to vector<16xi32>
      %mul3A_185 = arith.muli %add3A_182, %mul3A_184 : vector<16xi32>
      %add3A_186 = arith.addi %mul3A_185, %add3A_67 : vector<16xi32>
      %gather3A_187 = tpu.vector_load_idx %arg13[%add3A_186, %and3A_179] : memref<5120x16xf32, #tpu.memory_space<vmem>>[vector<16xi32>, vector<16xi32>], vector<16xf32>,
      %mul3A_188 = arith.constant 1.000000e+01 : f32
      %mul3A_189 = vector.broadcast %mul3A_188 : f32 to vector<16xf32>
      %mul3A_190 = arith.mulf %gather3A_187, %mul3A_189 : vector<16xf32>
      %exp3A_191 = math.exp %mul3A_190 : vector<16xf32>
      %add3A_192 = arith.addf %add3A_162, %exp3A_191 : vector<16xf32>
      %mul3A_193 = arith.constant 1.000000e+00 : f32
      %mul3A_194 = vector.broadcast %mul3A_193 : f32 to vector<16xf32>
      %mul3A_195 = arith.mulf %exp3A_191, %mul3A_194 : vector<16xf32>
      %add3A_196 = arith.addf %add3A_132, %mul3A_195 : vector<16xf32>
      %mul3A_197 = arith.constant -2.000000e+00 : f32
      %mul3A_198 = vector.broadcast %mul3A_197 : f32 to vector<16xf32>
      %mul3A_199 = arith.mulf %exp3A_191, %mul3A_198 : vector<16xf32>
      %add3A_200 = arith.addf %add3A_166, %mul3A_199 : vector<16xf32>
      %mul3A_201 = arith.constant 5.000000e+00 : f32
      %mul3A_202 = vector.broadcast %mul3A_201 : f32 to vector<16xf32>
      %mul3A_203 = arith.mulf %exp3A_191, %mul3A_202 : vector<16xf32>
      %add3A_204 = arith.addf %add3A_170, %mul3A_203 : vector<16xf32>
      %add3A_205 = arith.constant 4 : i32
      %add3A_206 = vector.broadcast %add3A_205 : i32 to vector<16xi32>
      %add3A_207 = arith.addi %and3A_63, %add3A_206 : vector<16xi32>
      %shift_right_logical3A_208 = arith.constant 4 : i32
      %shift_right_logical3A_209 = vector.broadcast %shift_right_logical3A_208 : i32 to vector<16xi32>
      %shift_right_logical3A_210 = arith.shrui %add3A_207, %shift_right_logical3A_209 : vector<16xi32>
      %and3A_211 = arith.constant 15 : i32
      %and3A_212 = vector.broadcast %and3A_211 : i32 to vector<16xi32>
      %and3A_213 = arith.andi %add3A_207, %and3A_212 : vector<16xi32>
      %add3A_214 = arith.constant 0 : i32
      %add3A_215 = vector.broadcast %add3A_214 : i32 to vector<16xi32>
      %add3A_216 = arith.addi %add3A_215, %shift_right_logical3A_210 : vector<16xi32>
      %mul3A_217 = arith.constant 512 : i32
      %mul3A_218 = vector.broadcast %mul3A_217 : i32 to vector<16xi32>
      %mul3A_219 = arith.muli %add3A_216, %mul3A_218 : vector<16xi32>
      %add3A_220 = arith.addi %mul3A_219, %add3A_67 : vector<16xi32>
      %gather3A_221 = tpu.vector_load_idx %arg13[%add3A_220, %and3A_213] : memref<5120x16xf32, #tpu.memory_space<vmem>>[vector<16xi32>, vector<16xi32>], vector<16xf32>,
      %mul3A_222 = arith.constant 1.000000e+01 : f32
      %mul3A_223 = vector.broadcast %mul3A_222 : f32 to vector<16xf32>
      %mul3A_224 = arith.mulf %gather3A_221, %mul3A_223 : vector<16xf32>
      %exp3A_225 = math.exp %mul3A_224 : vector<16xf32>
      %add3A_226 = arith.addf %add3A_192, %exp3A_225 : vector<16xf32>
      %mul3A_227 = arith.constant 2.000000e+00 : f32
      %mul3A_228 = vector.broadcast %mul3A_227 : f32 to vector<16xf32>
      %mul3A_229 = arith.mulf %exp3A_225, %mul3A_228 : vector<16xf32>
      %add3A_230 = arith.addf %add3A_196, %mul3A_229 : vector<16xf32>
      %mul3A_231 = arith.constant -2.000000e+00 : f32
      %mul3A_232 = vector.broadcast %mul3A_231 : f32 to vector<16xf32>
      %mul3A_233 = arith.mulf %exp3A_225, %mul3A_232 : vector<16xf32>
      %add3A_234 = arith.addf %add3A_200, %mul3A_233 : vector<16xf32>
      %mul3A_235 = arith.constant 8.000000e+00 : f32
      %mul3A_236 = vector.broadcast %mul3A_235 : f32 to vector<16xf32>
      %mul3A_237 = arith.mulf %exp3A_225, %mul3A_236 : vector<16xf32>
      %add3A_238 = arith.addf %add3A_204, %mul3A_237 : vector<16xf32>
      %add3A_239 = arith.constant 0 : i32
      %add3A_240 = vector.broadcast %add3A_239 : i32 to vector<16xi32>
      %add3A_241 = arith.addi %and3A_63, %add3A_240 : vector<16xi32>
      %shift_right_logical3A_242 = arith.constant 4 : i32
      %shift_right_logical3A_243 = vector.broadcast %shift_right_logical3A_242 : i32 to vector<16xi32>
      %shift_right_logical3A_244 = arith.shrui %add3A_241, %shift_right_logical3A_243 : vector<16xi32>
      %and3A_245 = arith.constant 15 : i32
      %and3A_246 = vector.broadcast %and3A_245 : i32 to vector<16xi32>
      %and3A_247 = arith.andi %add3A_241, %and3A_246 : vector<16xi32>
      %add3A_248 = arith.constant 2 : i32
      %add3A_249 = vector.broadcast %add3A_248 : i32 to vector<16xi32>
      %add3A_250 = arith.addi %add3A_249, %shift_right_logical3A_244 : vector<16xi32>
      %mul3A_251 = arith.constant 512 : i32
      %mul3A_252 = vector.broadcast %mul3A_251 : i32 to vector<16xi32>
      %mul3A_253 = arith.muli %add3A_250, %mul3A_252 : vector<16xi32>
      %add3A_254 = arith.addi %mul3A_253, %add3A_67 : vector<16xi32>
      %gather3A_255 = tpu.vector_load_idx %arg13[%add3A_254, %and3A_247] : memref<5120x16xf32, #tpu.memory_space<vmem>>[vector<16xi32>, vector<16xi32>], vector<16xf32>,
      %mul3A_256 = arith.constant 1.000000e+01 : f32
      %mul3A_257 = vector.broadcast %mul3A_256 : f32 to vector<16xf32>
      %mul3A_258 = arith.mulf %gather3A_255, %mul3A_257 : vector<16xf32>
      %exp3A_259 = math.exp %mul3A_258 : vector<16xf32>
      %add3A_260 = arith.addf %add3A_226, %exp3A_259 : vector<16xf32>
      %mul3A_261 = arith.constant -2.000000e+00 : f32
      %mul3A_262 = vector.broadcast %mul3A_261 : f32 to vector<16xf32>
      %mul3A_263 = arith.mulf %exp3A_259, %mul3A_262 : vector<16xf32>
      %add3A_264 = arith.addf %add3A_230, %mul3A_263 : vector<16xf32>
      %mul3A_265 = arith.constant -1.000000e+00 : f32
      %mul3A_266 = vector.broadcast %mul3A_265 : f32 to vector<16xf32>
      %mul3A_267 = arith.mulf %exp3A_259, %mul3A_266 : vector<16xf32>
      %add3A_268 = arith.addf %add3A_234, %mul3A_267 : vector<16xf32>
      %mul3A_269 = arith.constant 5.000000e+00 : f32
      %mul3A_270 = vector.broadcast %mul3A_269 : f32 to vector<16xf32>
      %mul3A_271 = arith.mulf %exp3A_259, %mul3A_270 : vector<16xf32>
      %add3A_272 = arith.addf %add3A_238, %mul3A_271 : vector<16xf32>
      %add3A_273 = arith.constant 1 : i32
      %add3A_274 = vector.broadcast %add3A_273 : i32 to vector<16xi32>
      %add3A_275 = arith.addi %and3A_63, %add3A_274 : vector<16xi32>
      %shift_right_logical3A_276 = arith.constant 4 : i32
      %shift_right_logical3A_277 = vector.broadcast %shift_right_logical3A_276 : i32 to vector<16xi32>
      %shift_right_logical3A_278 = arith.shrui %add3A_275, %shift_right_logical3A_277 : vector<16xi32>
      %and3A_279 = arith.constant 15 : i32
      %and3A_280 = vector.broadcast %and3A_279 : i32 to vector<16xi32>
      %and3A_281 = arith.andi %add3A_275, %and3A_280 : vector<16xi32>
      %add3A_282 = arith.constant 2 : i32
      %add3A_283 = vector.broadcast %add3A_282 : i32 to vector<16xi32>
      %add3A_284 = arith.addi %add3A_283, %shift_right_logical3A_278 : vector<16xi32>
      %mul3A_285 = arith.constant 512 : i32
      %mul3A_286 = vector.broadcast %mul3A_285 : i32 to vector<16xi32>
      %mul3A_287 = arith.muli %add3A_284, %mul3A_286 : vector<16xi32>
      %add3A_288 = arith.addi %mul3A_287, %add3A_67 : vector<16xi32>
      %gather3A_289 = tpu.vector_load_idx %arg13[%add3A_288, %and3A_281] : memref<5120x16xf32, #tpu.memory_space<vmem>>[vector<16xi32>, vector<16xi32>], vector<16xf32>,
      %mul3A_290 = arith.constant 1.000000e+01 : f32
      %mul3A_291 = vector.broadcast %mul3A_290 : f32 to vector<16xf32>
      %mul3A_292 = arith.mulf %gather3A_289, %mul3A_291 : vector<16xf32>
      %exp3A_293 = math.exp %mul3A_292 : vector<16xf32>
      %add3A_294 = arith.addf %add3A_260, %exp3A_293 : vector<16xf32>
      %mul3A_295 = arith.constant -1.000000e+00 : f32
      %mul3A_296 = vector.broadcast %mul3A_295 : f32 to vector<16xf32>
      %mul3A_297 = arith.mulf %exp3A_293, %mul3A_296 : vector<16xf32>
      %add3A_298 = arith.addf %add3A_264, %mul3A_297 : vector<16xf32>
      %mul3A_299 = arith.constant -1.000000e+00 : f32
      %mul3A_300 = vector.broadcast %mul3A_299 : f32 to vector<16xf32>
      %mul3A_301 = arith.mulf %exp3A_293, %mul3A_300 : vector<16xf32>
      %add3A_302 = arith.addf %add3A_268, %mul3A_301 : vector<16xf32>
      %mul3A_303 = arith.constant 2.000000e+00 : f32
      %mul3A_304 = vector.broadcast %mul3A_303 : f32 to vector<16xf32>
      %mul3A_305 = arith.mulf %exp3A_293, %mul3A_304 : vector<16xf32>
      %add3A_306 = arith.addf %add3A_272, %mul3A_305 : vector<16xf32>
      %add3A_307 = arith.constant 2 : i32
      %add3A_308 = vector.broadcast %add3A_307 : i32 to vector<16xi32>
      %add3A_309 = arith.addi %and3A_63, %add3A_308 : vector<16xi32>
      %shift_right_logical3A_310 = arith.constant 4 : i32
      %shift_right_logical3A_311 = vector.broadcast %shift_right_logical3A_310 : i32 to vector<16xi32>
      %shift_right_logical3A_312 = arith.shrui %add3A_309, %shift_right_logical3A_311 : vector<16xi32>
      %and3A_313 = arith.constant 15 : i32
      %and3A_314 = vector.broadcast %and3A_313 : i32 to vector<16xi32>
      %and3A_315 = arith.andi %add3A_309, %and3A_314 : vector<16xi32>
      %add3A_316 = arith.constant 2 : i32
      %add3A_317 = vector.broadcast %add3A_316 : i32 to vector<16xi32>
      %add3A_318 = arith.addi %add3A_317, %shift_right_logical3A_312 : vector<16xi32>
      %mul3A_319 = arith.constant 512 : i32
      %mul3A_320 = vector.broadcast %mul3A_319 : i32 to vector<16xi32>
      %mul3A_321 = arith.muli %add3A_318, %mul3A_320 : vector<16xi32>
      %add3A_322 = arith.addi %mul3A_321, %add3A_67 : vector<16xi32>
      %gather3A_323 = tpu.vector_load_idx %arg13[%add3A_322, %and3A_315] : memref<5120x16xf32, #tpu.memory_space<vmem>>[vector<16xi32>, vector<16xi32>], vector<16xf32>,
      %mul3A_324 = arith.constant 1.000000e+01 : f32
      %mul3A_325 = vector.broadcast %mul3A_324 : f32 to vector<16xf32>
      %mul3A_326 = arith.mulf %gather3A_323, %mul3A_325 : vector<16xf32>
      %exp3A_327 = math.exp %mul3A_326 : vector<16xf32>
      %add3A_328 = arith.addf %add3A_294, %exp3A_327 : vector<16xf32>
      %mul3A_329 = arith.constant -1.000000e+00 : f32
      %mul3A_330 = vector.broadcast %mul3A_329 : f32 to vector<16xf32>
      %mul3A_331 = arith.mulf %exp3A_327, %mul3A_330 : vector<16xf32>
      %add3A_332 = arith.addf %add3A_302, %mul3A_331 : vector<16xf32>
      %mul3A_333 = arith.constant 1.000000e+00 : f32
      %mul3A_334 = vector.broadcast %mul3A_333 : f32 to vector<16xf32>
      %mul3A_335 = arith.mulf %exp3A_327, %mul3A_334 : vector<16xf32>
      %add3A_336 = arith.addf %add3A_306, %mul3A_335 : vector<16xf32>
      %add3A_337 = arith.constant 3 : i32
      %add3A_338 = vector.broadcast %add3A_337 : i32 to vector<16xi32>
      %add3A_339 = arith.addi %and3A_63, %add3A_338 : vector<16xi32>
      %shift_right_logical3A_340 = arith.constant 4 : i32
      %shift_right_logical3A_341 = vector.broadcast %shift_right_logical3A_340 : i32 to vector<16xi32>
      %shift_right_logical3A_342 = arith.shrui %add3A_339, %shift_right_logical3A_341 : vector<16xi32>
      %and3A_343 = arith.constant 15 : i32
      %and3A_344 = vector.broadcast %and3A_343 : i32 to vector<16xi32>
      %and3A_345 = arith.andi %add3A_339, %and3A_344 : vector<16xi32>
      %add3A_346 = arith.constant 2 : i32
      %add3A_347 = vector.broadcast %add3A_346 : i32 to vector<16xi32>
      %add3A_348 = arith.addi %add3A_347, %shift_right_logical3A_342 : vector<16xi32>
      %mul3A_349 = arith.constant 512 : i32
      %mul3A_350 = vector.broadcast %mul3A_349 : i32 to vector<16xi32>
      %mul3A_351 = arith.muli %add3A_348, %mul3A_350 : vector<16xi32>
      %add3A_352 = arith.addi %mul3A_351, %add3A_67 : vector<16xi32>
      %gather3A_353 = tpu.vector_load_idx %arg13[%add3A_352, %and3A_345] : memref<5120x16xf32, #tpu.memory_space<vmem>>[vector<16xi32>, vector<16xi32>], vector<16xf32>,
      %mul3A_354 = arith.constant 1.000000e+01 : f32
      %mul3A_355 = vector.broadcast %mul3A_354 : f32 to vector<16xf32>
      %mul3A_356 = arith.mulf %gather3A_353, %mul3A_355 : vector<16xf32>
      %exp3A_357 = math.exp %mul3A_356 : vector<16xf32>
      %add3A_358 = arith.addf %add3A_328, %exp3A_357 : vector<16xf32>
      %mul3A_359 = arith.constant 1.000000e+00 : f32
      %mul3A_360 = vector.broadcast %mul3A_359 : f32 to vector<16xf32>
      %mul3A_361 = arith.mulf %exp3A_357, %mul3A_360 : vector<16xf32>
      %add3A_362 = arith.addf %add3A_298, %mul3A_361 : vector<16xf32>
      %mul3A_363 = arith.constant -1.000000e+00 : f32
      %mul3A_364 = vector.broadcast %mul3A_363 : f32 to vector<16xf32>
      %mul3A_365 = arith.mulf %exp3A_357, %mul3A_364 : vector<16xf32>
      %add3A_366 = arith.addf %add3A_332, %mul3A_365 : vector<16xf32>
      %mul3A_367 = arith.constant 2.000000e+00 : f32
      %mul3A_368 = vector.broadcast %mul3A_367 : f32 to vector<16xf32>
      %mul3A_369 = arith.mulf %exp3A_357, %mul3A_368 : vector<16xf32>
      %add3A_370 = arith.addf %add3A_336, %mul3A_369 : vector<16xf32>
      %add3A_371 = arith.constant 4 : i32
      %add3A_372 = vector.broadcast %add3A_371 : i32 to vector<16xi32>
      %add3A_373 = arith.addi %and3A_63, %add3A_372 : vector<16xi32>
      %shift_right_logical3A_374 = arith.constant 4 : i32
      %shift_right_logical3A_375 = vector.broadcast %shift_right_logical3A_374 : i32 to vector<16xi32>
      %shift_right_logical3A_376 = arith.shrui %add3A_373, %shift_right_logical3A_375 : vector<16xi32>
      %and3A_377 = arith.constant 15 : i32
      %and3A_378 = vector.broadcast %and3A_377 : i32 to vector<16xi32>
      %and3A_379 = arith.andi %add3A_373, %and3A_378 : vector<16xi32>
      %add3A_380 = arith.constant 2 : i32
      %add3A_381 = vector.broadcast %add3A_380 : i32 to vector<16xi32>
      %add3A_382 = arith.addi %add3A_381, %shift_right_logical3A_376 : vector<16xi32>
      %mul3A_383 = arith.constant 512 : i32
      %mul3A_384 = vector.broadcast %mul3A_383 : i32 to vector<16xi32>
      %mul3A_385 = arith.muli %add3A_382, %mul3A_384 : vector<16xi32>
      %add3A_386 = arith.addi %mul3A_385, %add3A_67 : vector<16xi32>
      %gather3A_387 = tpu.vector_load_idx %arg13[%add3A_386, %and3A_379] : memref<5120x16xf32, #tpu.memory_space<vmem>>[vector<16xi32>, vector<16xi32>], vector<16xf32>,
      %mul3A_388 = arith.constant 1.000000e+01 : f32
      %mul3A_389 = vector.broadcast %mul3A_388 : f32 to vector<16xf32>
      %mul3A_390 = arith.mulf %gather3A_387, %mul3A_389 : vector<16xf32>
      %exp3A_391 = math.exp %mul3A_390 : vector<16xf32>
      %add3A_392 = arith.addf %add3A_358, %exp3A_391 : vector<16xf32>
      %mul3A_393 = arith.constant 2.000000e+00 : f32
      %mul3A_394 = vector.broadcast %mul3A_393 : f32 to vector<16xf32>
      %mul3A_395 = arith.mulf %exp3A_391, %mul3A_394 : vector<16xf32>
      %add3A_396 = arith.addf %add3A_362, %mul3A_395 : vector<16xf32>
      %mul3A_397 = arith.constant -1.000000e+00 : f32
      %mul3A_398 = vector.broadcast %mul3A_397 : f32 to vector<16xf32>
      %mul3A_399 = arith.mulf %exp3A_391, %mul3A_398 : vector<16xf32>
      %add3A_400 = arith.addf %add3A_366, %mul3A_399 : vector<16xf32>
      %mul3A_401 = arith.constant 5.000000e+00 : f32
      %mul3A_402 = vector.broadcast %mul3A_401 : f32 to vector<16xf32>
      %mul3A_403 = arith.mulf %exp3A_391, %mul3A_402 : vector<16xf32>
      %add3A_404 = arith.addf %add3A_370, %mul3A_403 : vector<16xf32>
      %add3A_405 = arith.constant 0 : i32
      %add3A_406 = vector.broadcast %add3A_405 : i32 to vector<16xi32>
      %add3A_407 = arith.addi %and3A_63, %add3A_406 : vector<16xi32>
      %shift_right_logical3A_408 = arith.constant 4 : i32
      %shift_right_logical3A_409 = vector.broadcast %shift_right_logical3A_408 : i32 to vector<16xi32>
      %shift_right_logical3A_410 = arith.shrui %add3A_407, %shift_right_logical3A_409 : vector<16xi32>
      %and3A_411 = arith.constant 15 : i32
      %and3A_412 = vector.broadcast %and3A_411 : i32 to vector<16xi32>
      %and3A_413 = arith.andi %add3A_407, %and3A_412 : vector<16xi32>
      %add3A_414 = arith.constant 4 : i32
      %add3A_415 = vector.broadcast %add3A_414 : i32 to vector<16xi32>
      %add3A_416 = arith.addi %add3A_415, %shift_right_logical3A_410 : vector<16xi32>
      %mul3A_417 = arith.constant 512 : i32
      %mul3A_418 = vector.broadcast %mul3A_417 : i32 to vector<16xi32>
      %mul3A_419 = arith.muli %add3A_416, %mul3A_418 : vector<16xi32>
      %add3A_420 = arith.addi %mul3A_419, %add3A_67 : vector<16xi32>
      %gather3A_421 = tpu.vector_load_idx %arg13[%add3A_420, %and3A_413] : memref<5120x16xf32, #tpu.memory_space<vmem>>[vector<16xi32>, vector<16xi32>], vector<16xf32>,
      %mul3A_422 = arith.constant 1.000000e+01 : f32
      %mul3A_423 = vector.broadcast %mul3A_422 : f32 to vector<16xf32>
      %mul3A_424 = arith.mulf %gather3A_421, %mul3A_423 : vector<16xf32>
      %exp3A_425 = math.exp %mul3A_424 : vector<16xf32>
      %add3A_426 = arith.addf %add3A_392, %exp3A_425 : vector<16xf32>
      %mul3A_427 = arith.constant -2.000000e+00 : f32
      %mul3A_428 = vector.broadcast %mul3A_427 : f32 to vector<16xf32>
      %mul3A_429 = arith.mulf %exp3A_425, %mul3A_428 : vector<16xf32>
      %add3A_430 = arith.addf %add3A_396, %mul3A_429 : vector<16xf32>
      %mul3A_431 = arith.constant 4.000000e+00 : f32
      %mul3A_432 = vector.broadcast %mul3A_431 : f32 to vector<16xf32>
      %mul3A_433 = arith.mulf %exp3A_425, %mul3A_432 : vector<16xf32>
      %add3A_434 = arith.addf %add3A_404, %mul3A_433 : vector<16xf32>
      %add3A_435 = arith.constant 1 : i32
      %add3A_436 = vector.broadcast %add3A_435 : i32 to vector<16xi32>
      %add3A_437 = arith.addi %and3A_63, %add3A_436 : vector<16xi32>
      %shift_right_logical3A_438 = arith.constant 4 : i32
      %shift_right_logical3A_439 = vector.broadcast %shift_right_logical3A_438 : i32 to vector<16xi32>
      %shift_right_logical3A_440 = arith.shrui %add3A_437, %shift_right_logical3A_439 : vector<16xi32>
      %and3A_441 = arith.constant 15 : i32
      %and3A_442 = vector.broadcast %and3A_441 : i32 to vector<16xi32>
      %and3A_443 = arith.andi %add3A_437, %and3A_442 : vector<16xi32>
      %add3A_444 = arith.constant 4 : i32
      %add3A_445 = vector.broadcast %add3A_444 : i32 to vector<16xi32>
      %add3A_446 = arith.addi %add3A_445, %shift_right_logical3A_440 : vector<16xi32>
      %mul3A_447 = arith.constant 512 : i32
      %mul3A_448 = vector.broadcast %mul3A_447 : i32 to vector<16xi32>
      %mul3A_449 = arith.muli %add3A_446, %mul3A_448 : vector<16xi32>
      %add3A_450 = arith.addi %mul3A_449, %add3A_67 : vector<16xi32>
      %gather3A_451 = tpu.vector_load_idx %arg13[%add3A_450, %and3A_443] : memref<5120x16xf32, #tpu.memory_space<vmem>>[vector<16xi32>, vector<16xi32>], vector<16xf32>,
      %mul3A_452 = arith.constant 1.000000e+01 : f32
      %mul3A_453 = vector.broadcast %mul3A_452 : f32 to vector<16xf32>
      %mul3A_454 = arith.mulf %gather3A_451, %mul3A_453 : vector<16xf32>
      %exp3A_455 = math.exp %mul3A_454 : vector<16xf32>
      %add3A_456 = arith.addf %add3A_426, %exp3A_455 : vector<16xf32>
      %mul3A_457 = arith.constant -1.000000e+00 : f32
      %mul3A_458 = vector.broadcast %mul3A_457 : f32 to vector<16xf32>
      %mul3A_459 = arith.mulf %exp3A_455, %mul3A_458 : vector<16xf32>
      %add3A_460 = arith.addf %add3A_430, %mul3A_459 : vector<16xf32>
      %mul3A_461 = arith.constant 1.000000e+00 : f32
      %mul3A_462 = vector.broadcast %mul3A_461 : f32 to vector<16xf32>
      %mul3A_463 = arith.mulf %exp3A_455, %mul3A_462 : vector<16xf32>
      %add3A_464 = arith.addf %add3A_434, %mul3A_463 : vector<16xf32>
      %add3A_465 = arith.constant 2 : i32
      %add3A_466 = vector.broadcast %add3A_465 : i32 to vector<16xi32>
      %add3A_467 = arith.addi %and3A_63, %add3A_466 : vector<16xi32>
      %shift_right_logical3A_468 = arith.constant 4 : i32
      %shift_right_logical3A_469 = vector.broadcast %shift_right_logical3A_468 : i32 to vector<16xi32>
      %shift_right_logical3A_470 = arith.shrui %add3A_467, %shift_right_logical3A_469 : vector<16xi32>
      %and3A_471 = arith.constant 15 : i32
      %and3A_472 = vector.broadcast %and3A_471 : i32 to vector<16xi32>
      %and3A_473 = arith.andi %add3A_467, %and3A_472 : vector<16xi32>
      %add3A_474 = arith.constant 4 : i32
      %add3A_475 = vector.broadcast %add3A_474 : i32 to vector<16xi32>
      %add3A_476 = arith.addi %add3A_475, %shift_right_logical3A_470 : vector<16xi32>
      %mul3A_477 = arith.constant 512 : i32
      %mul3A_478 = vector.broadcast %mul3A_477 : i32 to vector<16xi32>
      %mul3A_479 = arith.muli %add3A_476, %mul3A_478 : vector<16xi32>
      %add3A_480 = arith.addi %mul3A_479, %add3A_67 : vector<16xi32>
      %gather3A_481 = tpu.vector_load_idx %arg13[%add3A_480, %and3A_473] : memref<5120x16xf32, #tpu.memory_space<vmem>>[vector<16xi32>, vector<16xi32>], vector<16xf32>,
      %mul3A_482 = arith.constant 1.000000e+01 : f32
      %mul3A_483 = vector.broadcast %mul3A_482 : f32 to vector<16xf32>
      %mul3A_484 = arith.mulf %gather3A_481, %mul3A_483 : vector<16xf32>
      %exp3A_485 = math.exp %mul3A_484 : vector<16xf32>
      %add3A_486 = arith.addf %add3A_456, %exp3A_485 : vector<16xf32>
      %add3A_487 = arith.constant 3 : i32
      %add3A_488 = vector.broadcast %add3A_487 : i32 to vector<16xi32>
      %add3A_489 = arith.addi %and3A_63, %add3A_488 : vector<16xi32>
      %shift_right_logical3A_490 = arith.constant 4 : i32
      %shift_right_logical3A_491 = vector.broadcast %shift_right_logical3A_490 : i32 to vector<16xi32>
      %shift_right_logical3A_492 = arith.shrui %add3A_489, %shift_right_logical3A_491 : vector<16xi32>
      %and3A_493 = arith.constant 15 : i32
      %and3A_494 = vector.broadcast %and3A_493 : i32 to vector<16xi32>
      %and3A_495 = arith.andi %add3A_489, %and3A_494 : vector<16xi32>
      %add3A_496 = arith.constant 4 : i32
      %add3A_497 = vector.broadcast %add3A_496 : i32 to vector<16xi32>
      %add3A_498 = arith.addi %add3A_497, %shift_right_logical3A_492 : vector<16xi32>
      %mul3A_499 = arith.constant 512 : i32
      %mul3A_500 = vector.broadcast %mul3A_499 : i32 to vector<16xi32>
      %mul3A_501 = arith.muli %add3A_498, %mul3A_500 : vector<16xi32>
      %add3A_502 = arith.addi %mul3A_501, %add3A_67 : vector<16xi32>
      %gather3A_503 = tpu.vector_load_idx %arg13[%add3A_502, %and3A_495] : memref<5120x16xf32, #tpu.memory_space<vmem>>[vector<16xi32>, vector<16xi32>], vector<16xf32>,
      %mul3A_504 = arith.constant 1.000000e+01 : f32
      %mul3A_505 = vector.broadcast %mul3A_504 : f32 to vector<16xf32>
      %mul3A_506 = arith.mulf %gather3A_503, %mul3A_505 : vector<16xf32>
      %exp3A_507 = math.exp %mul3A_506 : vector<16xf32>
      %add3A_508 = arith.addf %add3A_486, %exp3A_507 : vector<16xf32>
      %mul3A_509 = arith.constant 1.000000e+00 : f32
      %mul3A_510 = vector.broadcast %mul3A_509 : f32 to vector<16xf32>
      %mul3A_511 = arith.mulf %exp3A_507, %mul3A_510 : vector<16xf32>
      %add3A_512 = arith.addf %add3A_460, %mul3A_511 : vector<16xf32>
      %mul3A_513 = arith.constant 1.000000e+00 : f32
      %mul3A_514 = vector.broadcast %mul3A_513 : f32 to vector<16xf32>
      %mul3A_515 = arith.mulf %exp3A_507, %mul3A_514 : vector<16xf32>
      %add3A_516 = arith.addf %add3A_464, %mul3A_515 : vector<16xf32>
      %add3A_517 = arith.constant 4 : i32
      %add3A_518 = vector.broadcast %add3A_517 : i32 to vector<16xi32>
      %add3A_519 = arith.addi %and3A_63, %add3A_518 : vector<16xi32>
      %shift_right_logical3A_520 = arith.constant 4 : i32
      %shift_right_logical3A_521 = vector.broadcast %shift_right_logical3A_520 : i32 to vector<16xi32>
      %shift_right_logical3A_522 = arith.shrui %add3A_519, %shift_right_logical3A_521 : vector<16xi32>
      %and3A_523 = arith.constant 15 : i32
      %and3A_524 = vector.broadcast %and3A_523 : i32 to vector<16xi32>
      %and3A_525 = arith.andi %add3A_519, %and3A_524 : vector<16xi32>
      %add3A_526 = arith.constant 4 : i32
      %add3A_527 = vector.broadcast %add3A_526 : i32 to vector<16xi32>
      %add3A_528 = arith.addi %add3A_527, %shift_right_logical3A_522 : vector<16xi32>
      %mul3A_529 = arith.constant 512 : i32
      %mul3A_530 = vector.broadcast %mul3A_529 : i32 to vector<16xi32>
      %mul3A_531 = arith.muli %add3A_528, %mul3A_530 : vector<16xi32>
      %add3A_532 = arith.addi %mul3A_531, %add3A_67 : vector<16xi32>
      %gather3A_533 = tpu.vector_load_idx %arg13[%add3A_532, %and3A_525] : memref<5120x16xf32, #tpu.memory_space<vmem>>[vector<16xi32>, vector<16xi32>], vector<16xf32>,
      %mul3A_534 = arith.constant 1.000000e+01 : f32
      %mul3A_535 = vector.broadcast %mul3A_534 : f32 to vector<16xf32>
      %mul3A_536 = arith.mulf %gather3A_533, %mul3A_535 : vector<16xf32>
      %exp3A_537 = math.exp %mul3A_536 : vector<16xf32>
      %add3A_538 = arith.addf %add3A_508, %exp3A_537 : vector<16xf32>
      %mul3A_539 = arith.constant 2.000000e+00 : f32
      %mul3A_540 = vector.broadcast %mul3A_539 : f32 to vector<16xf32>
      %mul3A_541 = arith.mulf %exp3A_537, %mul3A_540 : vector<16xf32>
      %add3A_542 = arith.addf %add3A_512, %mul3A_541 : vector<16xf32>
      %mul3A_543 = arith.constant 4.000000e+00 : f32
      %mul3A_544 = vector.broadcast %mul3A_543 : f32 to vector<16xf32>
      %mul3A_545 = arith.mulf %exp3A_537, %mul3A_544 : vector<16xf32>
      %add3A_546 = arith.addf %add3A_516, %mul3A_545 : vector<16xf32>
      %add3A_547 = arith.constant 0 : i32
      %add3A_548 = vector.broadcast %add3A_547 : i32 to vector<16xi32>
      %add3A_549 = arith.addi %and3A_63, %add3A_548 : vector<16xi32>
      %shift_right_logical3A_550 = arith.constant 4 : i32
      %shift_right_logical3A_551 = vector.broadcast %shift_right_logical3A_550 : i32 to vector<16xi32>
      %shift_right_logical3A_552 = arith.shrui %add3A_549, %shift_right_logical3A_551 : vector<16xi32>
      %and3A_553 = arith.constant 15 : i32
      %and3A_554 = vector.broadcast %and3A_553 : i32 to vector<16xi32>
      %and3A_555 = arith.andi %add3A_549, %and3A_554 : vector<16xi32>
      %add3A_556 = arith.constant 6 : i32
      %add3A_557 = vector.broadcast %add3A_556 : i32 to vector<16xi32>
      %add3A_558 = arith.addi %add3A_557, %shift_right_logical3A_552 : vector<16xi32>
      %mul3A_559 = arith.constant 512 : i32
      %mul3A_560 = vector.broadcast %mul3A_559 : i32 to vector<16xi32>
      %mul3A_561 = arith.muli %add3A_558, %mul3A_560 : vector<16xi32>
      %add3A_562 = arith.addi %mul3A_561, %add3A_67 : vector<16xi32>
      %gather3A_563 = tpu.vector_load_idx %arg13[%add3A_562, %and3A_555] : memref<5120x16xf32, #tpu.memory_space<vmem>>[vector<16xi32>, vector<16xi32>], vector<16xf32>,
      %mul3A_564 = arith.constant 1.000000e+01 : f32
      %mul3A_565 = vector.broadcast %mul3A_564 : f32 to vector<16xf32>
      %mul3A_566 = arith.mulf %gather3A_563, %mul3A_565 : vector<16xf32>
      %exp3A_567 = math.exp %mul3A_566 : vector<16xf32>
      %add3A_568 = arith.addf %add3A_538, %exp3A_567 : vector<16xf32>
      %mul3A_569 = arith.constant -2.000000e+00 : f32
      %mul3A_570 = vector.broadcast %mul3A_569 : f32 to vector<16xf32>
      %mul3A_571 = arith.mulf %exp3A_567, %mul3A_570 : vector<16xf32>
      %add3A_572 = arith.addf %add3A_542, %mul3A_571 : vector<16xf32>
      %mul3A_573 = arith.constant 1.000000e+00 : f32
      %mul3A_574 = vector.broadcast %mul3A_573 : f32 to vector<16xf32>
      %mul3A_575 = arith.mulf %exp3A_567, %mul3A_574 : vector<16xf32>
      %add3A_576 = arith.addf %add3A_400, %mul3A_575 : vector<16xf32>
      %mul3A_577 = arith.constant 5.000000e+00 : f32
      %mul3A_578 = vector.broadcast %mul3A_577 : f32 to vector<16xf32>
      %mul3A_579 = arith.mulf %exp3A_567, %mul3A_578 : vector<16xf32>
      %add3A_580 = arith.addf %add3A_546, %mul3A_579 : vector<16xf32>
      %add3A_581 = arith.constant 1 : i32
      %add3A_582 = vector.broadcast %add3A_581 : i32 to vector<16xi32>
      %add3A_583 = arith.addi %and3A_63, %add3A_582 : vector<16xi32>
      %shift_right_logical3A_584 = arith.constant 4 : i32
      %shift_right_logical3A_585 = vector.broadcast %shift_right_logical3A_584 : i32 to vector<16xi32>
      %shift_right_logical3A_586 = arith.shrui %add3A_583, %shift_right_logical3A_585 : vector<16xi32>
      %and3A_587 = arith.constant 15 : i32
      %and3A_588 = vector.broadcast %and3A_587 : i32 to vector<16xi32>
      %and3A_589 = arith.andi %add3A_583, %and3A_588 : vector<16xi32>
      %add3A_590 = arith.constant 6 : i32
      %add3A_591 = vector.broadcast %add3A_590 : i32 to vector<16xi32>
      %add3A_592 = arith.addi %add3A_591, %shift_right_logical3A_586 : vector<16xi32>
      %mul3A_593 = arith.constant 512 : i32
      %mul3A_594 = vector.broadcast %mul3A_593 : i32 to vector<16xi32>
      %mul3A_595 = arith.muli %add3A_592, %mul3A_594 : vector<16xi32>
      %add3A_596 = arith.addi %mul3A_595, %add3A_67 : vector<16xi32>
      %gather3A_597 = tpu.vector_load_idx %arg13[%add3A_596, %and3A_589] : memref<5120x16xf32, #tpu.memory_space<vmem>>[vector<16xi32>, vector<16xi32>], vector<16xf32>,
      %mul3A_598 = arith.constant 1.000000e+01 : f32
      %mul3A_599 = vector.broadcast %mul3A_598 : f32 to vector<16xf32>
      %mul3A_600 = arith.mulf %gather3A_597, %mul3A_599 : vector<16xf32>
      %exp3A_601 = math.exp %mul3A_600 : vector<16xf32>
      %add3A_602 = arith.addf %add3A_568, %exp3A_601 : vector<16xf32>
      %mul3A_603 = arith.constant -1.000000e+00 : f32
      %mul3A_604 = vector.broadcast %mul3A_603 : f32 to vector<16xf32>
      %mul3A_605 = arith.mulf %exp3A_601, %mul3A_604 : vector<16xf32>
      %add3A_606 = arith.addf %add3A_572, %mul3A_605 : vector<16xf32>
      %mul3A_607 = arith.constant 1.000000e+00 : f32
      %mul3A_608 = vector.broadcast %mul3A_607 : f32 to vector<16xf32>
      %mul3A_609 = arith.mulf %exp3A_601, %mul3A_608 : vector<16xf32>
      %add3A_610 = arith.addf %add3A_576, %mul3A_609 : vector<16xf32>
      %mul3A_611 = arith.constant 2.000000e+00 : f32
      %mul3A_612 = vector.broadcast %mul3A_611 : f32 to vector<16xf32>
      %mul3A_613 = arith.mulf %exp3A_601, %mul3A_612 : vector<16xf32>
      %add3A_614 = arith.addf %add3A_580, %mul3A_613 : vector<16xf32>
      %add3A_615 = arith.constant 2 : i32
      %add3A_616 = vector.broadcast %add3A_615 : i32 to vector<16xi32>
      %add3A_617 = arith.addi %and3A_63, %add3A_616 : vector<16xi32>
      %shift_right_logical3A_618 = arith.constant 4 : i32
      %shift_right_logical3A_619 = vector.broadcast %shift_right_logical3A_618 : i32 to vector<16xi32>
      %shift_right_logical3A_620 = arith.shrui %add3A_617, %shift_right_logical3A_619 : vector<16xi32>
      %and3A_621 = arith.constant 15 : i32
      %and3A_622 = vector.broadcast %and3A_621 : i32 to vector<16xi32>
      %and3A_623 = arith.andi %add3A_617, %and3A_622 : vector<16xi32>
      %add3A_624 = arith.constant 6 : i32
      %add3A_625 = vector.broadcast %add3A_624 : i32 to vector<16xi32>
      %add3A_626 = arith.addi %add3A_625, %shift_right_logical3A_620 : vector<16xi32>
      %mul3A_627 = arith.constant 512 : i32
      %mul3A_628 = vector.broadcast %mul3A_627 : i32 to vector<16xi32>
      %mul3A_629 = arith.muli %add3A_626, %mul3A_628 : vector<16xi32>
      %add3A_630 = arith.addi %mul3A_629, %add3A_67 : vector<16xi32>
      %gather3A_631 = tpu.vector_load_idx %arg13[%add3A_630, %and3A_623] : memref<5120x16xf32, #tpu.memory_space<vmem>>[vector<16xi32>, vector<16xi32>], vector<16xf32>,
      %mul3A_632 = arith.constant 1.000000e+01 : f32
      %mul3A_633 = vector.broadcast %mul3A_632 : f32 to vector<16xf32>
      %mul3A_634 = arith.mulf %gather3A_631, %mul3A_633 : vector<16xf32>
      %exp3A_635 = math.exp %mul3A_634 : vector<16xf32>
      %add3A_636 = arith.addf %add3A_602, %exp3A_635 : vector<16xf32>
      %mul3A_637 = arith.constant 1.000000e+00 : f32
      %mul3A_638 = vector.broadcast %mul3A_637 : f32 to vector<16xf32>
      %mul3A_639 = arith.mulf %exp3A_635, %mul3A_638 : vector<16xf32>
      %add3A_640 = arith.addf %add3A_610, %mul3A_639 : vector<16xf32>
      %mul3A_641 = arith.constant 1.000000e+00 : f32
      %mul3A_642 = vector.broadcast %mul3A_641 : f32 to vector<16xf32>
      %mul3A_643 = arith.mulf %exp3A_635, %mul3A_642 : vector<16xf32>
      %add3A_644 = arith.addf %add3A_614, %mul3A_643 : vector<16xf32>
      %add3A_645 = arith.constant 3 : i32
      %add3A_646 = vector.broadcast %add3A_645 : i32 to vector<16xi32>
      %add3A_647 = arith.addi %and3A_63, %add3A_646 : vector<16xi32>
      %shift_right_logical3A_648 = arith.constant 4 : i32
      %shift_right_logical3A_649 = vector.broadcast %shift_right_logical3A_648 : i32 to vector<16xi32>
      %shift_right_logical3A_650 = arith.shrui %add3A_647, %shift_right_logical3A_649 : vector<16xi32>
      %and3A_651 = arith.constant 15 : i32
      %and3A_652 = vector.broadcast %and3A_651 : i32 to vector<16xi32>
      %and3A_653 = arith.andi %add3A_647, %and3A_652 : vector<16xi32>
      %add3A_654 = arith.constant 6 : i32
      %add3A_655 = vector.broadcast %add3A_654 : i32 to vector<16xi32>
      %add3A_656 = arith.addi %add3A_655, %shift_right_logical3A_650 : vector<16xi32>
      %mul3A_657 = arith.constant 512 : i32
      %mul3A_658 = vector.broadcast %mul3A_657 : i32 to vector<16xi32>
      %mul3A_659 = arith.muli %add3A_656, %mul3A_658 : vector<16xi32>
      %add3A_660 = arith.addi %mul3A_659, %add3A_67 : vector<16xi32>
      %gather3A_661 = tpu.vector_load_idx %arg13[%add3A_660, %and3A_653] : memref<5120x16xf32, #tpu.memory_space<vmem>>[vector<16xi32>, vector<16xi32>], vector<16xf32>,
      %mul3A_662 = arith.constant 1.000000e+01 : f32
      %mul3A_663 = vector.broadcast %mul3A_662 : f32 to vector<16xf32>
      %mul3A_664 = arith.mulf %gather3A_661, %mul3A_663 : vector<16xf32>
      %exp3A_665 = math.exp %mul3A_664 : vector<16xf32>
      %add3A_666 = arith.addf %add3A_636, %exp3A_665 : vector<16xf32>
      %mul3A_667 = arith.constant 1.000000e+00 : f32
      %mul3A_668 = vector.broadcast %mul3A_667 : f32 to vector<16xf32>
      %mul3A_669 = arith.mulf %exp3A_665, %mul3A_668 : vector<16xf32>
      %add3A_670 = arith.addf %add3A_606, %mul3A_669 : vector<16xf32>
      %mul3A_671 = arith.constant 1.000000e+00 : f32
      %mul3A_672 = vector.broadcast %mul3A_671 : f32 to vector<16xf32>
      %mul3A_673 = arith.mulf %exp3A_665, %mul3A_672 : vector<16xf32>
      %add3A_674 = arith.addf %add3A_640, %mul3A_673 : vector<16xf32>
      %mul3A_675 = arith.constant 2.000000e+00 : f32
      %mul3A_676 = vector.broadcast %mul3A_675 : f32 to vector<16xf32>
      %mul3A_677 = arith.mulf %exp3A_665, %mul3A_676 : vector<16xf32>
      %add3A_678 = arith.addf %add3A_644, %mul3A_677 : vector<16xf32>
      %add3A_679 = arith.constant 4 : i32
      %add3A_680 = vector.broadcast %add3A_679 : i32 to vector<16xi32>
      %add3A_681 = arith.addi %and3A_63, %add3A_680 : vector<16xi32>
      %shift_right_logical3A_682 = arith.constant 4 : i32
      %shift_right_logical3A_683 = vector.broadcast %shift_right_logical3A_682 : i32 to vector<16xi32>
      %shift_right_logical3A_684 = arith.shrui %add3A_681, %shift_right_logical3A_683 : vector<16xi32>
      %and3A_685 = arith.constant 15 : i32
      %and3A_686 = vector.broadcast %and3A_685 : i32 to vector<16xi32>
      %and3A_687 = arith.andi %add3A_681, %and3A_686 : vector<16xi32>
      %add3A_688 = arith.constant 6 : i32
      %add3A_689 = vector.broadcast %add3A_688 : i32 to vector<16xi32>
      %add3A_690 = arith.addi %add3A_689, %shift_right_logical3A_684 : vector<16xi32>
      %mul3A_691 = arith.constant 512 : i32
      %mul3A_692 = vector.broadcast %mul3A_691 : i32 to vector<16xi32>
      %mul3A_693 = arith.muli %add3A_690, %mul3A_692 : vector<16xi32>
      %add3A_694 = arith.addi %mul3A_693, %add3A_67 : vector<16xi32>
      %gather3A_695 = tpu.vector_load_idx %arg13[%add3A_694, %and3A_687] : memref<5120x16xf32, #tpu.memory_space<vmem>>[vector<16xi32>, vector<16xi32>], vector<16xf32>,
      %mul3A_696 = arith.constant 1.000000e+01 : f32
      %mul3A_697 = vector.broadcast %mul3A_696 : f32 to vector<16xf32>
      %mul3A_698 = arith.mulf %gather3A_695, %mul3A_697 : vector<16xf32>
      %exp3A_699 = math.exp %mul3A_698 : vector<16xf32>
      %add3A_700 = arith.addf %add3A_666, %exp3A_699 : vector<16xf32>
      %mul3A_701 = arith.constant 2.000000e+00 : f32
      %mul3A_702 = vector.broadcast %mul3A_701 : f32 to vector<16xf32>
      %mul3A_703 = arith.mulf %exp3A_699, %mul3A_702 : vector<16xf32>
      %add3A_704 = arith.addf %add3A_670, %mul3A_703 : vector<16xf32>
      %mul3A_705 = arith.constant 1.000000e+00 : f32
      %mul3A_706 = vector.broadcast %mul3A_705 : f32 to vector<16xf32>
      %mul3A_707 = arith.mulf %exp3A_699, %mul3A_706 : vector<16xf32>
      %add3A_708 = arith.addf %add3A_674, %mul3A_707 : vector<16xf32>
      %mul3A_709 = arith.constant 5.000000e+00 : f32
      %mul3A_710 = vector.broadcast %mul3A_709 : f32 to vector<16xf32>
      %mul3A_711 = arith.mulf %exp3A_699, %mul3A_710 : vector<16xf32>
      %add3A_712 = arith.addf %add3A_678, %mul3A_711 : vector<16xf32>
      %add3A_713 = arith.constant 0 : i32
      %add3A_714 = vector.broadcast %add3A_713 : i32 to vector<16xi32>
      %add3A_715 = arith.addi %and3A_63, %add3A_714 : vector<16xi32>
      %shift_right_logical3A_716 = arith.constant 4 : i32
      %shift_right_logical3A_717 = vector.broadcast %shift_right_logical3A_716 : i32 to vector<16xi32>
      %shift_right_logical3A_718 = arith.shrui %add3A_715, %shift_right_logical3A_717 : vector<16xi32>
      %and3A_719 = arith.constant 15 : i32
      %and3A_720 = vector.broadcast %and3A_719 : i32 to vector<16xi32>
      %and3A_721 = arith.andi %add3A_715, %and3A_720 : vector<16xi32>
      %add3A_722 = arith.constant 8 : i32
      %add3A_723 = vector.broadcast %add3A_722 : i32 to vector<16xi32>
      %add3A_724 = arith.addi %add3A_723, %shift_right_logical3A_718 : vector<16xi32>
      %mul3A_725 = arith.constant 512 : i32
      %mul3A_726 = vector.broadcast %mul3A_725 : i32 to vector<16xi32>
      %mul3A_727 = arith.muli %add3A_724, %mul3A_726 : vector<16xi32>
      %add3A_728 = arith.addi %mul3A_727, %add3A_67 : vector<16xi32>
      %gather3A_729 = tpu.vector_load_idx %arg13[%add3A_728, %and3A_721] : memref<5120x16xf32, #tpu.memory_space<vmem>>[vector<16xi32>, vector<16xi32>], vector<16xf32>,
      %mul3A_730 = arith.constant 1.000000e+01 : f32
      %mul3A_731 = vector.broadcast %mul3A_730 : f32 to vector<16xf32>
      %mul3A_732 = arith.mulf %gather3A_729, %mul3A_731 : vector<16xf32>
      %exp3A_733 = math.exp %mul3A_732 : vector<16xf32>
      %add3A_734 = arith.addf %add3A_700, %exp3A_733 : vector<16xf32>
      %mul3A_735 = arith.constant -2.000000e+00 : f32
      %mul3A_736 = vector.broadcast %mul3A_735 : f32 to vector<16xf32>
      %mul3A_737 = arith.mulf %exp3A_733, %mul3A_736 : vector<16xf32>
      %add3A_738 = arith.addf %add3A_704, %mul3A_737 : vector<16xf32>
      %mul3A_739 = arith.constant 2.000000e+00 : f32
      %mul3A_740 = vector.broadcast %mul3A_739 : f32 to vector<16xf32>
      %mul3A_741 = arith.mulf %exp3A_733, %mul3A_740 : vector<16xf32>
      %add3A_742 = arith.addf %add3A_708, %mul3A_741 : vector<16xf32>
      %mul3A_743 = arith.constant 8.000000e+00 : f32
      %mul3A_744 = vector.broadcast %mul3A_743 : f32 to vector<16xf32>
      %mul3A_745 = arith.mulf %exp3A_733, %mul3A_744 : vector<16xf32>
      %add3A_746 = arith.addf %add3A_712, %mul3A_745 : vector<16xf32>
      %add3A_747 = arith.constant 1 : i32
      %add3A_748 = vector.broadcast %add3A_747 : i32 to vector<16xi32>
      %add3A_749 = arith.addi %and3A_63, %add3A_748 : vector<16xi32>
      %shift_right_logical3A_750 = arith.constant 4 : i32
      %shift_right_logical3A_751 = vector.broadcast %shift_right_logical3A_750 : i32 to vector<16xi32>
      %shift_right_logical3A_752 = arith.shrui %add3A_749, %shift_right_logical3A_751 : vector<16xi32>
      %and3A_753 = arith.constant 15 : i32
      %and3A_754 = vector.broadcast %and3A_753 : i32 to vector<16xi32>
      %and3A_755 = arith.andi %add3A_749, %and3A_754 : vector<16xi32>
      %add3A_756 = arith.constant 8 : i32
      %add3A_757 = vector.broadcast %add3A_756 : i32 to vector<16xi32>
      %add3A_758 = arith.addi %add3A_757, %shift_right_logical3A_752 : vector<16xi32>
      %mul3A_759 = arith.constant 512 : i32
      %mul3A_760 = vector.broadcast %mul3A_759 : i32 to vector<16xi32>
      %mul3A_761 = arith.muli %add3A_758, %mul3A_760 : vector<16xi32>
      %add3A_762 = arith.addi %mul3A_761, %add3A_67 : vector<16xi32>
      %gather3A_763 = tpu.vector_load_idx %arg13[%add3A_762, %and3A_755] : memref<5120x16xf32, #tpu.memory_space<vmem>>[vector<16xi32>, vector<16xi32>], vector<16xf32>,
      %mul3A_764 = arith.constant 1.000000e+01 : f32
      %mul3A_765 = vector.broadcast %mul3A_764 : f32 to vector<16xf32>
      %mul3A_766 = arith.mulf %gather3A_763, %mul3A_765 : vector<16xf32>
      %exp3A_767 = math.exp %mul3A_766 : vector<16xf32>
      %add3A_768 = arith.addf %add3A_734, %exp3A_767 : vector<16xf32>
      %mul3A_769 = arith.constant -1.000000e+00 : f32
      %mul3A_770 = vector.broadcast %mul3A_769 : f32 to vector<16xf32>
      %mul3A_771 = arith.mulf %exp3A_767, %mul3A_770 : vector<16xf32>
      %add3A_772 = arith.addf %add3A_738, %mul3A_771 : vector<16xf32>
      %mul3A_773 = arith.constant 2.000000e+00 : f32
      %mul3A_774 = vector.broadcast %mul3A_773 : f32 to vector<16xf32>
      %mul3A_775 = arith.mulf %exp3A_767, %mul3A_774 : vector<16xf32>
      %add3A_776 = arith.addf %add3A_742, %mul3A_775 : vector<16xf32>
      %mul3A_777 = arith.constant 5.000000e+00 : f32
      %mul3A_778 = vector.broadcast %mul3A_777 : f32 to vector<16xf32>
      %mul3A_779 = arith.mulf %exp3A_767, %mul3A_778 : vector<16xf32>
      %add3A_780 = arith.addf %add3A_746, %mul3A_779 : vector<16xf32>
      %add3A_781 = arith.constant 2 : i32
      %add3A_782 = vector.broadcast %add3A_781 : i32 to vector<16xi32>
      %add3A_783 = arith.addi %and3A_63, %add3A_782 : vector<16xi32>
      %shift_right_logical3A_784 = arith.constant 4 : i32
      %shift_right_logical3A_785 = vector.broadcast %shift_right_logical3A_784 : i32 to vector<16xi32>
      %shift_right_logical3A_786 = arith.shrui %add3A_783, %shift_right_logical3A_785 : vector<16xi32>
      %and3A_787 = arith.constant 15 : i32
      %and3A_788 = vector.broadcast %and3A_787 : i32 to vector<16xi32>
      %and3A_789 = arith.andi %add3A_783, %and3A_788 : vector<16xi32>
      %add3A_790 = arith.constant 8 : i32
      %add3A_791 = vector.broadcast %add3A_790 : i32 to vector<16xi32>
      %add3A_792 = arith.addi %add3A_791, %shift_right_logical3A_786 : vector<16xi32>
      %mul3A_793 = arith.constant 512 : i32
      %mul3A_794 = vector.broadcast %mul3A_793 : i32 to vector<16xi32>
      %mul3A_795 = arith.muli %add3A_792, %mul3A_794 : vector<16xi32>
      %add3A_796 = arith.addi %mul3A_795, %add3A_67 : vector<16xi32>
      %gather3A_797 = tpu.vector_load_idx %arg13[%add3A_796, %and3A_789] : memref<5120x16xf32, #tpu.memory_space<vmem>>[vector<16xi32>, vector<16xi32>], vector<16xf32>,
      %mul3A_798 = arith.constant 1.000000e+01 : f32
      %mul3A_799 = vector.broadcast %mul3A_798 : f32 to vector<16xf32>
      %mul3A_800 = arith.mulf %gather3A_797, %mul3A_799 : vector<16xf32>
      %exp3A_801 = math.exp %mul3A_800 : vector<16xf32>
      %add3A_802 = arith.addf %add3A_768, %exp3A_801 : vector<16xf32>
      %mul3A_803 = arith.constant 2.000000e+00 : f32
      %mul3A_804 = vector.broadcast %mul3A_803 : f32 to vector<16xf32>
      %mul3A_805 = arith.mulf %exp3A_801, %mul3A_804 : vector<16xf32>
      %add3A_806 = arith.addf %add3A_776, %mul3A_805 : vector<16xf32>
      %mul3A_807 = arith.constant 4.000000e+00 : f32
      %mul3A_808 = vector.broadcast %mul3A_807 : f32 to vector<16xf32>
      %mul3A_809 = arith.mulf %exp3A_801, %mul3A_808 : vector<16xf32>
      %add3A_810 = arith.addf %add3A_780, %mul3A_809 : vector<16xf32>
      %add3A_811 = arith.constant 3 : i32
      %add3A_812 = vector.broadcast %add3A_811 : i32 to vector<16xi32>
      %add3A_813 = arith.addi %and3A_63, %add3A_812 : vector<16xi32>
      %shift_right_logical3A_814 = arith.constant 4 : i32
      %shift_right_logical3A_815 = vector.broadcast %shift_right_logical3A_814 : i32 to vector<16xi32>
      %shift_right_logical3A_816 = arith.shrui %add3A_813, %shift_right_logical3A_815 : vector<16xi32>
      %and3A_817 = arith.constant 15 : i32
      %and3A_818 = vector.broadcast %and3A_817 : i32 to vector<16xi32>
      %and3A_819 = arith.andi %add3A_813, %and3A_818 : vector<16xi32>
      %add3A_820 = arith.constant 8 : i32
      %add3A_821 = vector.broadcast %add3A_820 : i32 to vector<16xi32>
      %add3A_822 = arith.addi %add3A_821, %shift_right_logical3A_816 : vector<16xi32>
      %mul3A_823 = arith.constant 512 : i32
      %mul3A_824 = vector.broadcast %mul3A_823 : i32 to vector<16xi32>
      %mul3A_825 = arith.muli %add3A_822, %mul3A_824 : vector<16xi32>
      %add3A_826 = arith.addi %mul3A_825, %add3A_67 : vector<16xi32>
      %gather3A_827 = tpu.vector_load_idx %arg13[%add3A_826, %and3A_819] : memref<5120x16xf32, #tpu.memory_space<vmem>>[vector<16xi32>, vector<16xi32>], vector<16xf32>,
      %mul3A_828 = arith.constant 1.000000e+01 : f32
      %mul3A_829 = vector.broadcast %mul3A_828 : f32 to vector<16xf32>
      %mul3A_830 = arith.mulf %gather3A_827, %mul3A_829 : vector<16xf32>
      %exp3A_831 = math.exp %mul3A_830 : vector<16xf32>
      %add3A_832 = arith.addf %add3A_802, %exp3A_831 : vector<16xf32>
      %mul3A_833 = arith.constant 1.000000e+00 : f32
      %mul3A_834 = vector.broadcast %mul3A_833 : f32 to vector<16xf32>
      %mul3A_835 = arith.mulf %exp3A_831, %mul3A_834 : vector<16xf32>
      %add3A_836 = arith.addf %add3A_772, %mul3A_835 : vector<16xf32>
      %mul3A_837 = arith.constant 2.000000e+00 : f32
      %mul3A_838 = vector.broadcast %mul3A_837 : f32 to vector<16xf32>
      %mul3A_839 = arith.mulf %exp3A_831, %mul3A_838 : vector<16xf32>
      %add3A_840 = arith.addf %add3A_806, %mul3A_839 : vector<16xf32>
      %mul3A_841 = arith.constant 5.000000e+00 : f32
      %mul3A_842 = vector.broadcast %mul3A_841 : f32 to vector<16xf32>
      %mul3A_843 = arith.mulf %exp3A_831, %mul3A_842 : vector<16xf32>
      %add3A_844 = arith.addf %add3A_810, %mul3A_843 : vector<16xf32>
      %add3A_845 = arith.constant 4 : i32
      %add3A_846 = vector.broadcast %add3A_845 : i32 to vector<16xi32>
      %add3A_847 = arith.addi %and3A_63, %add3A_846 : vector<16xi32>
      %shift_right_logical3A_848 = arith.constant 4 : i32
      %shift_right_logical3A_849 = vector.broadcast %shift_right_logical3A_848 : i32 to vector<16xi32>
      %shift_right_logical3A_850 = arith.shrui %add3A_847, %shift_right_logical3A_849 : vector<16xi32>
      %and3A_851 = arith.constant 15 : i32
      %and3A_852 = vector.broadcast %and3A_851 : i32 to vector<16xi32>
      %and3A_853 = arith.andi %add3A_847, %and3A_852 : vector<16xi32>
      %add3A_854 = arith.constant 8 : i32
      %add3A_855 = vector.broadcast %add3A_854 : i32 to vector<16xi32>
      %add3A_856 = arith.addi %add3A_855, %shift_right_logical3A_850 : vector<16xi32>
      %mul3A_857 = arith.constant 512 : i32
      %mul3A_858 = vector.broadcast %mul3A_857 : i32 to vector<16xi32>
      %mul3A_859 = arith.muli %add3A_856, %mul3A_858 : vector<16xi32>
      %add3A_860 = arith.addi %mul3A_859, %add3A_67 : vector<16xi32>
      %gather3A_861 = tpu.vector_load_idx %arg13[%add3A_860, %and3A_853] : memref<5120x16xf32, #tpu.memory_space<vmem>>[vector<16xi32>, vector<16xi32>], vector<16xf32>,
      %mul3A_862 = arith.constant 1.000000e+01 : f32
      %mul3A_863 = vector.broadcast %mul3A_862 : f32 to vector<16xf32>
      %mul3A_864 = arith.mulf %gather3A_861, %mul3A_863 : vector<16xf32>
      %exp3A_865 = math.exp %mul3A_864 : vector<16xf32>
      %add3A_866 = arith.addf %add3A_832, %exp3A_865 : vector<16xf32>
      %mul3A_867 = arith.constant 2.000000e+00 : f32
      %mul3A_868 = vector.broadcast %mul3A_867 : f32 to vector<16xf32>
      %mul3A_869 = arith.mulf %exp3A_865, %mul3A_868 : vector<16xf32>
      %add3A_870 = arith.addf %add3A_836, %mul3A_869 : vector<16xf32>
      %mul3A_871 = arith.constant 2.000000e+00 : f32
      %mul3A_872 = vector.broadcast %mul3A_871 : f32 to vector<16xf32>
      %mul3A_873 = arith.mulf %exp3A_865, %mul3A_872 : vector<16xf32>
      %add3A_874 = arith.addf %add3A_840, %mul3A_873 : vector<16xf32>
      %mul3A_875 = arith.constant 8.000000e+00 : f32
      %mul3A_876 = vector.broadcast %mul3A_875 : f32 to vector<16xf32>
      %mul3A_877 = arith.mulf %exp3A_865, %mul3A_876 : vector<16xf32>
      %add3A_878 = arith.addf %add3A_844, %mul3A_877 : vector<16xf32>
      %div3A_879 = arith.divf %add3A_870, %add3A_866 : vector<16xf32>
      %div3A_880 = arith.divf %add3A_874, %add3A_866 : vector<16xf32>
      %div3A_881 = arith.divf %add3A_878, %add3A_866 : vector<16xf32>
      %mul3A_882 = arith.mulf %div3A_879, %div3A_879 : vector<16xf32>
      %sub3A_883 = arith.subf %div3A_881, %mul3A_882 : vector<16xf32>
      %mul3A_884 = arith.mulf %div3A_880, %div3A_880 : vector<16xf32>
      %sub3A_885 = arith.subf %sub3A_883, %mul3A_884 : vector<16xf32>
      %mul3A_886 = arith.constant 2.500000e-01 : f32
      %mul3A_887 = vector.broadcast %mul3A_886 : f32 to vector<16xf32>
      %mul3A_888 = arith.mulf %sub3A_885, %mul3A_887 : vector<16xf32>
      %convert_element_type3A = arith.sitofp %and3A_57 : vector<16xi32> to vector<16xf32>
      %convert_element_type3A_889 = arith.sitofp %shift_right_logical3A_54 : vector<16xi32> to vector<16xf32>
      %add3A_890 = arith.addf %convert_element_type3A, %div3A_879 : vector<16xf32>
      %div3A_891 = arith.constant 5.110000e+02 : f32
      %div3A_892 = vector.broadcast %div3A_891 : f32 to vector<16xf32>
      %div3A_893 = arith.divf %add3A_890, %div3A_892 : vector<16xf32>
      %mul3A_894 = arith.constant 2.000000e+00 : f32
      %mul3A_895 = vector.broadcast %mul3A_894 : f32 to vector<16xf32>
      %mul3A_896 = arith.mulf %div3A_893, %mul3A_895 : vector<16xf32>
      %sub3A_897 = arith.constant 1.000000e+00 : f32
      %sub3A_898 = vector.broadcast %sub3A_897 : f32 to vector<16xf32>
      %sub3A_899 = arith.subf %mul3A_896, %sub3A_898 : vector<16xf32>
      %add3A_900 = arith.addf %convert_element_type3A_889, %div3A_880 : vector<16xf32>
      %div3A_901 = arith.constant 5.110000e+02 : f32
      %div3A_902 = vector.broadcast %div3A_901 : f32 to vector<16xf32>
      %div3A_903 = arith.divf %add3A_900, %div3A_902 : vector<16xf32>
      %mul3A_904 = arith.constant 2.000000e+00 : f32
      %mul3A_905 = vector.broadcast %mul3A_904 : f32 to vector<16xf32>
      %mul3A_906 = arith.mulf %div3A_903, %mul3A_905 : vector<16xf32>
      %sub3A_907 = arith.constant 1.000000e+00 : f32
      %sub3A_908 = vector.broadcast %sub3A_907 : f32 to vector<16xf32>
      %sub3A_909 = arith.subf %mul3A_906, %sub3A_908 : vector<16xf32>
      %add3A_910 = arith.constant 1.000000e+00 : f32
      %add3A_911 = vector.broadcast %add3A_910 : f32 to vector<16xf32>
      %add3A_912 = arith.addf %sub3A_899, %add3A_911 : vector<16xf32>
      %div3A_913 = arith.constant 2.000000e+00 : f32
      %div3A_914 = vector.broadcast %div3A_913 : f32 to vector<16xf32>
      %div3A_915 = arith.divf %add3A_912, %div3A_914 : vector<16xf32>
      %mul3A_916 = arith.constant 5.110000e+02 : f32
      %mul3A_917 = vector.broadcast %mul3A_916 : f32 to vector<16xf32>
      %mul3A_918 = arith.mulf %div3A_915, %mul3A_917 : vector<16xf32>
      %add3A_919 = arith.constant 1.000000e+00 : f32
      %add3A_920 = vector.broadcast %add3A_919 : f32 to vector<16xf32>
      %add3A_921 = arith.addf %sub3A_909, %add3A_920 : vector<16xf32>
      %div3A_922 = arith.constant 2.000000e+00 : f32
      %div3A_923 = vector.broadcast %div3A_922 : f32 to vector<16xf32>
      %div3A_924 = arith.divf %add3A_921, %div3A_923 : vector<16xf32>
      %mul3A_925 = arith.constant 5.110000e+02 : f32
      %mul3A_926 = vector.broadcast %mul3A_925 : f32 to vector<16xf32>
      %mul3A_927 = arith.mulf %div3A_924, %mul3A_926 : vector<16xf32>
      %convert_element_type3A_928 = arith.fptosi %mul3A_918 : vector<16xf32> to vector<16xi32>
      %convert_element_type3A_929 = arith.fptosi %mul3A_927 : vector<16xf32> to vector<16xi32>
      %convert_element_type3A_930 = arith.sitofp %convert_element_type3A_928 : vector<16xi32> to vector<16xf32>
      %sub3A_931 = arith.subf %mul3A_918, %convert_element_type3A_930 : vector<16xf32>
      %convert_element_type3A_932 = arith.sitofp %convert_element_type3A_929 : vector<16xi32> to vector<16xf32>
      %sub3A_933 = arith.subf %mul3A_927, %convert_element_type3A_932 : vector<16xf32>
      %sub3A_934 = arith.subi %convert_element_type3A_929, %shift_right_logical3A_54 : vector<16xi32>
      %add3A_935 = arith.constant 2 : i32
      %add3A_936 = vector.broadcast %add3A_935 : i32 to vector<16xi32>
      %add3A_937 = arith.addi %sub3A_934, %add3A_936 : vector<16xi32>
      %sub3A_938 = arith.subi %convert_element_type3A_928, %and3A_57 : vector<16xi32>
      %add3A_939 = arith.constant 2 : i32
      %add3A_940 = vector.broadcast %add3A_939 : i32 to vector<16xi32>
      %add3A_941 = arith.addi %sub3A_938, %add3A_940 : vector<16xi32>
      %add3A_942 = arith.addi %and3A_63, %add3A_941 : vector<16xi32>
      %shift_right_logical3A_943 = arith.constant 4 : i32
      %shift_right_logical3A_944 = vector.broadcast %shift_right_logical3A_943 : i32 to vector<16xi32>
      %shift_right_logical3A_945 = arith.shrui %add3A_942, %shift_right_logical3A_944 : vector<16xi32>
      %and3A_946 = arith.constant 15 : i32
      %and3A_947 = vector.broadcast %and3A_946 : i32 to vector<16xi32>
      %and3A_948 = arith.andi %add3A_942, %and3A_947 : vector<16xi32>
      %mul3A_949 = arith.constant 2 : i32
      %mul3A_950 = vector.broadcast %mul3A_949 : i32 to vector<16xi32>
      %mul3A_951 = arith.muli %add3A_937, %mul3A_950 : vector<16xi32>
      %add3A_952 = arith.addi %mul3A_951, %shift_right_logical3A_945 : vector<16xi32>
      %mul3A_953 = arith.constant 512 : i32
      %mul3A_954 = vector.broadcast %mul3A_953 : i32 to vector<16xi32>
      %mul3A_955 = arith.muli %add3A_952, %mul3A_954 : vector<16xi32>
      %add3A_956 = arith.addi %mul3A_955, %add3A_67 : vector<16xi32>
      %gather3A_957 = tpu.vector_load_idx %arg13[%add3A_956, %and3A_948] : memref<5120x16xf32, #tpu.memory_space<vmem>>[vector<16xi32>, vector<16xi32>], vector<16xf32>,
      %add3A_958 = arith.constant 1 : i32
      %add3A_959 = vector.broadcast %add3A_958 : i32 to vector<16xi32>
      %add3A_960 = arith.addi %add3A_942, %add3A_959 : vector<16xi32>
      %shift_right_logical3A_961 = arith.constant 4 : i32
      %shift_right_logical3A_962 = vector.broadcast %shift_right_logical3A_961 : i32 to vector<16xi32>
      %shift_right_logical3A_963 = arith.shrui %add3A_960, %shift_right_logical3A_962 : vector<16xi32>
      %and3A_964 = arith.constant 15 : i32
      %and3A_965 = vector.broadcast %and3A_964 : i32 to vector<16xi32>
      %and3A_966 = arith.andi %add3A_960, %and3A_965 : vector<16xi32>
      %mul3A_967 = arith.constant 2 : i32
      %mul3A_968 = vector.broadcast %mul3A_967 : i32 to vector<16xi32>
      %mul3A_969 = arith.muli %add3A_937, %mul3A_968 : vector<16xi32>
      %add3A_970 = arith.addi %mul3A_969, %shift_right_logical3A_963 : vector<16xi32>
      %mul3A_971 = arith.constant 512 : i32
      %mul3A_972 = vector.broadcast %mul3A_971 : i32 to vector<16xi32>
      %mul3A_973 = arith.muli %add3A_970, %mul3A_972 : vector<16xi32>
      %add3A_974 = arith.addi %mul3A_973, %add3A_67 : vector<16xi32>
      %gather3A_975 = tpu.vector_load_idx %arg13[%add3A_974, %and3A_966] : memref<5120x16xf32, #tpu.memory_space<vmem>>[vector<16xi32>, vector<16xi32>], vector<16xf32>,
      %add3A_976 = arith.constant 1 : i32
      %add3A_977 = vector.broadcast %add3A_976 : i32 to vector<16xi32>
      %add3A_978 = arith.addi %add3A_937, %add3A_977 : vector<16xi32>
      %shift_right_logical3A_979 = arith.constant 4 : i32
      %shift_right_logical3A_980 = vector.broadcast %shift_right_logical3A_979 : i32 to vector<16xi32>
      %shift_right_logical3A_981 = arith.shrui %add3A_942, %shift_right_logical3A_980 : vector<16xi32>
      %and3A_982 = arith.constant 15 : i32
      %and3A_983 = vector.broadcast %and3A_982 : i32 to vector<16xi32>
      %and3A_984 = arith.andi %add3A_942, %and3A_983 : vector<16xi32>
      %mul3A_985 = arith.constant 2 : i32
      %mul3A_986 = vector.broadcast %mul3A_985 : i32 to vector<16xi32>
      %mul3A_987 = arith.muli %add3A_978, %mul3A_986 : vector<16xi32>
      %add3A_988 = arith.addi %mul3A_987, %shift_right_logical3A_981 : vector<16xi32>
      %mul3A_989 = arith.constant 512 : i32
      %mul3A_990 = vector.broadcast %mul3A_989 : i32 to vector<16xi32>
      %mul3A_991 = arith.muli %add3A_988, %mul3A_990 : vector<16xi32>
      %add3A_992 = arith.addi %mul3A_991, %add3A_67 : vector<16xi32>
      %gather3A_993 = tpu.vector_load_idx %arg13[%add3A_992, %and3A_984] : memref<5120x16xf32, #tpu.memory_space<vmem>>[vector<16xi32>, vector<16xi32>], vector<16xf32>,
      %add3A_994 = arith.constant 1 : i32
      %add3A_995 = vector.broadcast %add3A_994 : i32 to vector<16xi32>
      %add3A_996 = arith.addi %add3A_937, %add3A_995 : vector<16xi32>
      %add3A_997 = arith.constant 1 : i32
      %add3A_998 = vector.broadcast %add3A_997 : i32 to vector<16xi32>
      %add3A_999 = arith.addi %add3A_942, %add3A_998 : vector<16xi32>
      %shift_right_logical3A_1000 = arith.constant 4 : i32
      %shift_right_logical3A_1001 = vector.broadcast %shift_right_logical3A_1000 : i32 to vector<16xi32>
      %shift_right_logical3A_1002 = arith.shrui %add3A_999, %shift_right_logical3A_1001 : vector<16xi32>
      %and3A_1003 = arith.constant 15 : i32
      %and3A_1004 = vector.broadcast %and3A_1003 : i32 to vector<16xi32>
      %and3A_1005 = arith.andi %add3A_999, %and3A_1004 : vector<16xi32>
      %mul3A_1006 = arith.constant 2 : i32
      %mul3A_1007 = vector.broadcast %mul3A_1006 : i32 to vector<16xi32>
      %mul3A_1008 = arith.muli %add3A_996, %mul3A_1007 : vector<16xi32>
      %add3A_1009 = arith.addi %mul3A_1008, %shift_right_logical3A_1002 : vector<16xi32>
      %mul3A_1010 = arith.constant 512 : i32
      %mul3A_1011 = vector.broadcast %mul3A_1010 : i32 to vector<16xi32>
      %mul3A_1012 = arith.muli %add3A_1009, %mul3A_1011 : vector<16xi32>
      %add3A_1013 = arith.addi %mul3A_1012, %add3A_67 : vector<16xi32>
      %gather3A_1014 = tpu.vector_load_idx %arg13[%add3A_1013, %and3A_1005] : memref<5120x16xf32, #tpu.memory_space<vmem>>[vector<16xi32>, vector<16xi32>], vector<16xf32>,
      %sub3A_1015 = arith.constant 1.000000e+00 : f32
      %sub3A_1016 = vector.broadcast %sub3A_1015 : f32 to vector<16xf32>
      %sub3A_1017 = arith.subf %sub3A_1016, %sub3A_931 : vector<16xf32>
      %mul3A_1018 = arith.mulf %gather3A_957, %sub3A_1017 : vector<16xf32>
      %sub3A_1019 = arith.constant 1.000000e+00 : f32
      %sub3A_1020 = vector.broadcast %sub3A_1019 : f32 to vector<16xf32>
      %sub3A_1021 = arith.subf %sub3A_1020, %sub3A_933 : vector<16xf32>
      %mul3A_1022 = arith.mulf %mul3A_1018, %sub3A_1021 : vector<16xf32>
      %mul3A_1023 = arith.mulf %gather3A_975, %sub3A_931 : vector<16xf32>
      %sub3A_1024 = arith.constant 1.000000e+00 : f32
      %sub3A_1025 = vector.broadcast %sub3A_1024 : f32 to vector<16xf32>
      %sub3A_1026 = arith.subf %sub3A_1025, %sub3A_933 : vector<16xf32>
      %mul3A_1027 = arith.mulf %mul3A_1023, %sub3A_1026 : vector<16xf32>
      %add3A_1028 = arith.addf %mul3A_1022, %mul3A_1027 : vector<16xf32>
      %sub3A_1029 = arith.constant 1.000000e+00 : f32
      %sub3A_1030 = vector.broadcast %sub3A_1029 : f32 to vector<16xf32>
      %sub3A_1031 = arith.subf %sub3A_1030, %sub3A_931 : vector<16xf32>
      %mul3A_1032 = arith.mulf %gather3A_993, %sub3A_1031 : vector<16xf32>
      %mul3A_1033 = arith.mulf %mul3A_1032, %sub3A_933 : vector<16xf32>
      %add3A_1034 = arith.addf %add3A_1028, %mul3A_1033 : vector<16xf32>
      %mul3A_1035 = arith.mulf %gather3A_1014, %sub3A_931 : vector<16xf32>
      %mul3A_1036 = arith.mulf %mul3A_1035, %sub3A_933 : vector<16xf32>
      %add3A_1037 = arith.addf %add3A_1034, %mul3A_1036 : vector<16xf32>
      %mul3A_1038 = arith.constant 16 : i32
      %mul3A_1039 = arith.muli %scan3A_48, %mul3A_1038 : i32
      %swap3A = arith.index_cast %mul3A_1039 : i32 to index
      %swap3A_1040 = tpu.vector_load %arg14[%swap3A] {strides = array<i32>} : memref<512xf32, #tpu.memory_space<vmem>>, vector<16xf32>,
      tpu.vector_store %arg14[%swap3A], %sub3A_899 {strides = array<i32>} : memref<512xf32, #tpu.memory_space<vmem>>, vector<16xf32>,
      %mul3A_1041 = arith.constant 16 : i32
      %mul3A_1042 = arith.muli %scan3A_48, %mul3A_1041 : i32
      %swap3A_1043 = arith.index_cast %mul3A_1042 : i32 to index
      %swap3A_1044 = tpu.vector_load %arg15[%swap3A_1043] {strides = array<i32>} : memref<512xf32, #tpu.memory_space<vmem>>, vector<16xf32>,
      tpu.vector_store %arg15[%swap3A_1043], %sub3A_909 {strides = array<i32>} : memref<512xf32, #tpu.memory_space<vmem>>, vector<16xf32>,
      %mul3A_1045 = arith.constant 16 : i32
      %mul3A_1046 = arith.muli %scan3A_48, %mul3A_1045 : i32
      %swap3A_1047 = arith.index_cast %mul3A_1046 : i32 to index
      %swap3A_1048 = tpu.vector_load %arg16[%swap3A_1047] {strides = array<i32>} : memref<512xf32, #tpu.memory_space<vmem>>, vector<16xf32>,
      tpu.vector_store %arg16[%swap3A_1047], %mul3A_888 {strides = array<i32>} : memref<512xf32, #tpu.memory_space<vmem>>, vector<16xf32>,
      %mul3A_1049 = arith.constant 16 : i32
      %mul3A_1050 = arith.muli %scan3A_48, %mul3A_1049 : i32
      %swap3A_1051 = arith.index_cast %mul3A_1050 : i32 to index
      %swap3A_1052 = tpu.vector_load %arg17[%swap3A_1051] {strides = array<i32>} : memref<512xf32, #tpu.memory_space<vmem>>, vector<16xf32>,
      tpu.vector_store %arg17[%swap3A_1051], %add3A_1037 {strides = array<i32>} : memref<512xf32, #tpu.memory_space<vmem>>, vector<16xf32>,
      %scan3A_1053 = arith.constant 0 : i32
      scf.yield %scan3A_1053 : i32
    }
    %scan3A_47 = arith.constant 32 : i32
    "tpu.region"() ({
      %run_scoped3A = tpu.sem_alloc : memref<!tpu.dma_semaphore, #tpu.memory_space<semaphore_mem>>
      %dma_start3A = tpu.memref_slice %arg5[%mul3A_18] : memref<16384xf32, #tpu.memory_space<hbm>> -> memref<512xf32, #tpu.memory_space<hbm>>
      %dma_start3A_48 = tpu.memref_slice %arg5[%mul3A_18] : memref<16384xf32, #tpu.memory_space<hbm>> -> memref<512xf32, #tpu.memory_space<hbm>>
      tpu.enqueue_dma source(%arg14 : memref<512xf32, #tpu.memory_space<vmem>>) target(%dma_start3A_48 : memref<512xf32, #tpu.memory_space<hbm>>) target_semaphore(%run_scoped3A : memref<!tpu.dma_semaphore, #tpu.memory_space<semaphore_mem>>)
      %dma_wait3A = tpu.memref_slice %arg5[%mul3A_18] : memref<16384xf32, #tpu.memory_space<hbm>> -> memref<512xf32, #tpu.memory_space<hbm>>
      %dma_wait3A_49 = tpu.memref_slice %arg5[%mul3A_18] : memref<16384xf32, #tpu.memory_space<hbm>> -> memref<512xf32, #tpu.memory_space<hbm>>
      tpu.wait_dma2 semaphore(%run_scoped3A : memref<!tpu.dma_semaphore, #tpu.memory_space<semaphore_mem>>) src(%arg14 : memref<512xf32, #tpu.memory_space<vmem>>) dst(%dma_wait3A_49 : memref<512xf32, #tpu.memory_space<hbm>>)
      tpu.yield
    }) : () -> ()
    "tpu.region"() ({
      %run_scoped3A = tpu.sem_alloc : memref<!tpu.dma_semaphore, #tpu.memory_space<semaphore_mem>>
      %dma_start3A = tpu.memref_slice %arg6[%mul3A_18] : memref<16384xf32, #tpu.memory_space<hbm>> -> memref<512xf32, #tpu.memory_space<hbm>>
      %dma_start3A_48 = tpu.memref_slice %arg6[%mul3A_18] : memref<16384xf32, #tpu.memory_space<hbm>> -> memref<512xf32, #tpu.memory_space<hbm>>
      tpu.enqueue_dma source(%arg15 : memref<512xf32, #tpu.memory_space<vmem>>) target(%dma_start3A_48 : memref<512xf32, #tpu.memory_space<hbm>>) target_semaphore(%run_scoped3A : memref<!tpu.dma_semaphore, #tpu.memory_space<semaphore_mem>>)
      %dma_wait3A = tpu.memref_slice %arg6[%mul3A_18] : memref<16384xf32, #tpu.memory_space<hbm>> -> memref<512xf32, #tpu.memory_space<hbm>>
      %dma_wait3A_49 = tpu.memref_slice %arg6[%mul3A_18] : memref<16384xf32, #tpu.memory_space<hbm>> -> memref<512xf32, #tpu.memory_space<hbm>>
      tpu.wait_dma2 semaphore(%run_scoped3A : memref<!tpu.dma_semaphore, #tpu.memory_space<semaphore_mem>>) src(%arg15 : memref<512xf32, #tpu.memory_space<vmem>>) dst(%dma_wait3A_49 : memref<512xf32, #tpu.memory_space<hbm>>)
      tpu.yield
    }) : () -> ()
    "tpu.region"() ({
      %run_scoped3A = tpu.sem_alloc : memref<!tpu.dma_semaphore, #tpu.memory_space<semaphore_mem>>
      %dma_start3A = tpu.memref_slice %arg7[%mul3A_18] : memref<16384xf32, #tpu.memory_space<hbm>> -> memref<512xf32, #tpu.memory_space<hbm>>
      %dma_start3A_48 = tpu.memref_slice %arg7[%mul3A_18] : memref<16384xf32, #tpu.memory_space<hbm>> -> memref<512xf32, #tpu.memory_space<hbm>>
      tpu.enqueue_dma source(%arg16 : memref<512xf32, #tpu.memory_space<vmem>>) target(%dma_start3A_48 : memref<512xf32, #tpu.memory_space<hbm>>) target_semaphore(%run_scoped3A : memref<!tpu.dma_semaphore, #tpu.memory_space<semaphore_mem>>)
      %dma_wait3A = tpu.memref_slice %arg7[%mul3A_18] : memref<16384xf32, #tpu.memory_space<hbm>> -> memref<512xf32, #tpu.memory_space<hbm>>
      %dma_wait3A_49 = tpu.memref_slice %arg7[%mul3A_18] : memref<16384xf32, #tpu.memory_space<hbm>> -> memref<512xf32, #tpu.memory_space<hbm>>
      tpu.wait_dma2 semaphore(%run_scoped3A : memref<!tpu.dma_semaphore, #tpu.memory_space<semaphore_mem>>) src(%arg16 : memref<512xf32, #tpu.memory_space<vmem>>) dst(%dma_wait3A_49 : memref<512xf32, #tpu.memory_space<hbm>>)
      tpu.yield
    }) : () -> ()
    "tpu.region"() ({
      %run_scoped3A = tpu.sem_alloc : memref<!tpu.dma_semaphore, #tpu.memory_space<semaphore_mem>>
      %dma_start3A = tpu.memref_slice %arg8[%mul3A_18] : memref<16384xf32, #tpu.memory_space<hbm>> -> memref<512xf32, #tpu.memory_space<hbm>>
      %dma_start3A_48 = tpu.memref_slice %arg8[%mul3A_18] : memref<16384xf32, #tpu.memory_space<hbm>> -> memref<512xf32, #tpu.memory_space<hbm>>
      tpu.enqueue_dma source(%arg17 : memref<512xf32, #tpu.memory_space<vmem>>) target(%dma_start3A_48 : memref<512xf32, #tpu.memory_space<hbm>>) target_semaphore(%run_scoped3A : memref<!tpu.dma_semaphore, #tpu.memory_space<semaphore_mem>>)
      %dma_wait3A = tpu.memref_slice %arg8[%mul3A_18] : memref<16384xf32, #tpu.memory_space<hbm>> -> memref<512xf32, #tpu.memory_space<hbm>>
      %dma_wait3A_49 = tpu.memref_slice %arg8[%mul3A_18] : memref<16384xf32, #tpu.memory_space<hbm>> -> memref<512xf32, #tpu.memory_space<hbm>>
      tpu.wait_dma2 semaphore(%run_scoped3A : memref<!tpu.dma_semaphore, #tpu.memory_space<semaphore_mem>>) src(%arg17 : memref<512xf32, #tpu.memory_space<vmem>>) dst(%dma_wait3A_49 : memref<512xf32, #tpu.memory_space<hbm>>)
      tpu.yield
    }) : () -> ()
    return
  }
}

#map = affine_map<(d0, d1) -> (0)>
module attributes {stable_mosaic.version = 14 : i64} {
  func.func @_compact_body(%arg0: i32, %arg1: i32, %arg2: memref<2097152xf32, #tpu.memory_space<hbm>>, %arg3: memref<262144xf32, #tpu.memory_space<hbm>>, %arg4: memref<262144xi32, #tpu.memory_space<hbm>>, %arg5: memref<8192xf32, #tpu.memory_space<vmem>>, %arg6: memref<16640xf32, #tpu.memory_space<vmem>>, %arg7: memref<16640xi32, #tpu.memory_space<vmem>>, %arg8: memref<16x16xi32, #tpu.memory_space<vmem_shared>>, %arg9: memref<16xi32, #tpu.memory_space<vmem>>, %arg10: memref<256xf32, #tpu.memory_space<vmem>>, %arg11: memref<!tpu.dma_semaphore, #tpu.memory_space<semaphore_mem>>) attributes {dimension_semantics = [#tpu.dimension_semantics<core_parallel>, #tpu.dimension_semantics<subcore_parallel>], iteration_bounds = array<i64: 2, 16>, scalar_prefetch = 0 : i64, scratch_operands = 7 : i64, tpu.core_type = #tpu.core_type<sc_vector_subcore>, window_params = [{transform_indices = #map}, {transform_indices = #map}, {transform_indices = #map}]} {
    %mul3A = arith.constant 4 : i32
    %mul3A_0 = arith.muli %arg0, %mul3A : i32
    %jit3A = arith.constant 4 : i32
    %div3A = arith.divsi %arg1, %jit3A : i32
    %sign3A = arith.constant 0 : i32
    %sign3A_1 = arith.cmpi sgt, %arg1, %sign3A : i32
    %sign3A_2 = arith.extui %sign3A_1 : i1 to i32
    %sign3A_3 = arith.constant 0 : i32
    %sign3A_4 = arith.cmpi slt, %arg1, %sign3A_3 : i32
    %sign3A_5 = arith.extui %sign3A_4 : i1 to i32
    %sign3A_6 = arith.subi %sign3A_2, %sign3A_5 : i32
    %sign3A_7 = arith.constant 0 : i32
    %sign3A_8 = arith.cmpi sgt, %jit3A, %sign3A_7 : i32
    %sign3A_9 = arith.extui %sign3A_8 : i1 to i32
    %sign3A_10 = arith.constant 0 : i32
    %sign3A_11 = arith.cmpi slt, %jit3A, %sign3A_10 : i32
    %sign3A_12 = arith.extui %sign3A_11 : i1 to i32
    %sign3A_13 = arith.subi %sign3A_9, %sign3A_12 : i32
    %ne3A = arith.cmpi ne, %sign3A_6, %sign3A_13 : i32
    %rem3A = arith.remsi %arg1, %jit3A : i32
    %ne3A_14 = arith.constant 0 : i32
    %ne3A_15 = arith.cmpi ne, %rem3A, %ne3A_14 : i32
    %and3A = arith.andi %ne3A, %ne3A_15 : i1
    %sub3A = arith.constant 1 : i32
    %sub3A_16 = arith.subi %div3A, %sub3A : i32
    %select_n3A = arith.select %and3A, %sub3A_16, %div3A : i32
    %add3A = arith.addi %mul3A_0, %select_n3A : i32
    %jit3A_17 = arith.constant 4 : i32
    %eq3A = arith.constant 0 : i32
    %eq3A_18 = arith.cmpi eq, %jit3A_17, %eq3A : i32
    %jit3A_19 = arith.constant 1 : i32
    %select_n3A_20 = arith.select %eq3A_18, %jit3A_19, %jit3A_17 : i32
    %rem3A_21 = arith.remsi %arg1, %select_n3A_20 : i32
    %ne3A_22 = arith.constant 0 : i32
    %ne3A_23 = arith.cmpi ne, %rem3A_21, %ne3A_22 : i32
    %lt3A = arith.constant 0 : i32
    %lt3A_24 = arith.cmpi slt, %rem3A_21, %lt3A : i32
    %lt3A_25 = arith.constant 0 : i32
    %lt3A_26 = arith.cmpi slt, %select_n3A_20, %lt3A_25 : i32
    %ne3A_27 = arith.xori %lt3A_24, %lt3A_26 : i1
    %and3A_28 = arith.andi %ne3A_27, %ne3A_23 : i1
    %add3A_29 = arith.addi %rem3A_21, %select_n3A_20 : i32
    %select_n3A_30 = arith.select %and3A_28, %add3A_29, %rem3A_21 : i32
    %mul3A_31 = arith.constant 262144 : i32
    %mul3A_32 = arith.muli %add3A, %mul3A_31 : i32
    %mul3A_33 = arith.constant 65536 : i32
    %mul3A_34 = arith.muli %select_n3A_30, %mul3A_33 : i32
    %add3A_35 = arith.addi %mul3A_32, %mul3A_34 : i32
    %mul3A_36 = arith.constant 65536 : i32
    %mul3A_37 = arith.muli %select_n3A_30, %mul3A_36 : i32
    %iota3A = tpu.iota {dimensions = array<i32: 0>} : vector<16xi32>
    %scan3A = arith.constant 0 : i32
    %scan3A_38 = arith.constant 0 : i32
    %scan3A_39 = arith.constant 8 : i32
    %scan3A_40 = arith.addi %scan3A_38, %scan3A_39 : i32
    %scan3A_41 = arith.constant 1 : i32
    %scan3A_42 = scf.for %scan3A_347 = %scan3A_38 to %scan3A_40 step %scan3A_41 iter_args(%scan3A_348 = %scan3A) -> (i32)  : i32 {
      %mul3A_349 = arith.constant 8192 : i32
      %mul3A_350 = arith.muli %scan3A_347, %mul3A_349 : i32
      %add3A_351 = arith.addi %add3A_35, %mul3A_350 : i32
      "tpu.region"() ({
        %run_scoped3A = tpu.sem_alloc : memref<!tpu.dma_semaphore, #tpu.memory_space<semaphore_mem>>
        %dma_start3A = tpu.memref_slice %arg2[%add3A_351] : memref<2097152xf32, #tpu.memory_space<hbm>> -> memref<8192xf32, #tpu.memory_space<hbm>>
        %dma_start3A_358 = tpu.memref_slice %arg2[%add3A_351] : memref<2097152xf32, #tpu.memory_space<hbm>> -> memref<8192xf32, #tpu.memory_space<hbm>>
        tpu.enqueue_dma source(%dma_start3A_358 : memref<8192xf32, #tpu.memory_space<hbm>>) target(%arg5 : memref<8192xf32, #tpu.memory_space<vmem>>) target_semaphore(%run_scoped3A : memref<!tpu.dma_semaphore, #tpu.memory_space<semaphore_mem>>)
        %dma_wait3A = tpu.memref_slice %arg2[%add3A_351] : memref<2097152xf32, #tpu.memory_space<hbm>> -> memref<8192xf32, #tpu.memory_space<hbm>>
        %dma_wait3A_359 = tpu.memref_slice %arg2[%add3A_351] : memref<2097152xf32, #tpu.memory_space<hbm>> -> memref<8192xf32, #tpu.memory_space<hbm>>
        tpu.wait_dma2 semaphore(%run_scoped3A : memref<!tpu.dma_semaphore, #tpu.memory_space<semaphore_mem>>) src(%dma_wait3A_359 : memref<8192xf32, #tpu.memory_space<hbm>>) dst(%arg5 : memref<8192xf32, #tpu.memory_space<vmem>>)
        tpu.yield
      }) : () -> ()
      %scan3A_352 = arith.constant 0 : i32
      %scan3A_353 = arith.constant 512 : i32
      %scan3A_354 = arith.addi %scan3A_352, %scan3A_353 : i32
      %scan3A_355 = arith.constant 1 : i32
      %scan3A_356 = scf.for %scan3A_358 = %scan3A_352 to %scan3A_354 step %scan3A_355 iter_args(%scan3A_359 = %scan3A_348) -> (i32)  : i32 {
        %mul3A_360 = arith.constant 16 : i32
        %mul3A_361 = arith.muli %scan3A_358, %mul3A_360 : i32
        %get3A_362 = arith.index_cast %mul3A_361 : i32 to index
        %get3A_363 = tpu.vector_load %arg5[%get3A_362] {strides = array<i32>} : memref<8192xf32, #tpu.memory_space<vmem>>, vector<16xf32>,
        %gt3A = arith.constant 0.000000e+00 : f32
        %gt3A_364 = vector.broadcast %gt3A : f32 to vector<16xf32>
        %gt3A_365 = arith.cmpf ogt, %get3A_363, %gt3A_364 : vector<16xf32>
        %lt3A_366 = arith.constant 16368 : i32
        %lt3A_367 = arith.cmpi slt, %scan3A_359, %lt3A_366 : i32
        %and3A_368 = vector.broadcast %lt3A_367 : i1 to vector<16xi1>
        %and3A_369 = arith.andi %gt3A_365, %and3A_368 : vector<16xi1>
        %mul3A_370 = arith.constant 8192 : i32
        %mul3A_371 = arith.muli %scan3A_347, %mul3A_370 : i32
        %add3A_372 = arith.addi %mul3A_37, %mul3A_371 : i32
        %mul3A_373 = arith.constant 16 : i32
        %mul3A_374 = arith.muli %scan3A_358, %mul3A_373 : i32
        %add3A_375 = arith.addi %add3A_372, %mul3A_374 : i32
        %add3A_376 = vector.broadcast %add3A_375 : i32 to vector<16xi32>
        %add3A_377 = arith.addi %add3A_376, %iota3A : vector<16xi32>
        %swap3A_378 = arith.index_cast %scan3A_359 : i32 to index
        %swap3A_379 = tpu.vector_load %arg6[%swap3A_378] masked %and3A_369 {strides = array<i32>} : memref<16640xf32, #tpu.memory_space<vmem>>, vector<16xf32>, vector<16xi1>
        tpu.vector_store %arg6[%swap3A_378], %get3A_363 masked %and3A_369 {strides = array<i32>} : memref<16640xf32, #tpu.memory_space<vmem>>, vector<16xf32>, vector<16xi1>
        %swap3A_380 = arith.index_cast %scan3A_359 : i32 to index
        %swap3A_381 = tpu.vector_load %arg7[%swap3A_380] masked %and3A_369 {strides = array<i32>} : memref<16640xi32, #tpu.memory_space<vmem>>, vector<16xi32>, vector<16xi1>
        tpu.vector_store %arg7[%swap3A_380], %add3A_377 masked %and3A_369 {strides = array<i32>} : memref<16640xi32, #tpu.memory_space<vmem>>, vector<16xi32>, vector<16xi1>
        %all_reduce_population_count3A = tpu.all_reduce %and3A_369 {dim = 0 : i64, kind = #tpu.reduction_kind<sum>} : vector<16xi1> -> vector<16xi32>
        %slice3A = vector.extract_strided_slice %all_reduce_population_count3A {offsets = [0], sizes = [1], strides = [1]} : vector<16xi32> to vector<1xi32>
        %squeeze3A = vector.extract %slice3A[0] : i32 from vector<1xi32>
        %add3A_382 = arith.addi %scan3A_359, %squeeze3A : i32
        scf.yield %add3A_382 : i32
      }
      %scan3A_357 = arith.constant 512 : i32
      scf.yield %scan3A_356 : i32
    }
    %scan3A_43 = arith.constant 8 : i32
    %broadcast_in_dim3A = arith.constant 0.000000e+00 : f32
    %broadcast_in_dim3A_44 = vector.broadcast %broadcast_in_dim3A : f32 to vector<16xf32>
    %add3A_45 = arith.constant 0 : i32
    %add3A_46 = arith.addi %scan3A_42, %add3A_45 : i32
    %swap3A = arith.index_cast %add3A_46 : i32 to index
    %swap3A_47 = tpu.vector_load %arg6[%swap3A] {strides = array<i32>} : memref<16640xf32, #tpu.memory_space<vmem>>, vector<16xf32>,
    tpu.vector_store %arg6[%swap3A], %broadcast_in_dim3A_44 {strides = array<i32>} : memref<16640xf32, #tpu.memory_space<vmem>>, vector<16xf32>,
    %swap3A_48 = arith.constant 0 : index
    %swap3A_49 = tpu.vector_load %arg10[%swap3A_48] {strides = array<i32>} : memref<256xf32, #tpu.memory_space<vmem>>, vector<16xf32>,
    tpu.vector_store %arg10[%swap3A_48], %broadcast_in_dim3A_44 {strides = array<i32>} : memref<256xf32, #tpu.memory_space<vmem>>, vector<16xf32>,
    %add3A_50 = arith.constant 16 : i32
    %add3A_51 = arith.addi %scan3A_42, %add3A_50 : i32
    %swap3A_52 = arith.index_cast %add3A_51 : i32 to index
    %swap3A_53 = tpu.vector_load %arg6[%swap3A_52] {strides = array<i32>} : memref<16640xf32, #tpu.memory_space<vmem>>, vector<16xf32>,
    tpu.vector_store %arg6[%swap3A_52], %broadcast_in_dim3A_44 {strides = array<i32>} : memref<16640xf32, #tpu.memory_space<vmem>>, vector<16xf32>,
    %swap3A_54 = arith.constant 16 : index
    %swap3A_55 = tpu.vector_load %arg10[%swap3A_54] {strides = array<i32>} : memref<256xf32, #tpu.memory_space<vmem>>, vector<16xf32>,
    tpu.vector_store %arg10[%swap3A_54], %broadcast_in_dim3A_44 {strides = array<i32>} : memref<256xf32, #tpu.memory_space<vmem>>, vector<16xf32>,
    %add3A_56 = arith.constant 32 : i32
    %add3A_57 = arith.addi %scan3A_42, %add3A_56 : i32
    %swap3A_58 = arith.index_cast %add3A_57 : i32 to index
    %swap3A_59 = tpu.vector_load %arg6[%swap3A_58] {strides = array<i32>} : memref<16640xf32, #tpu.memory_space<vmem>>, vector<16xf32>,
    tpu.vector_store %arg6[%swap3A_58], %broadcast_in_dim3A_44 {strides = array<i32>} : memref<16640xf32, #tpu.memory_space<vmem>>, vector<16xf32>,
    %swap3A_60 = arith.constant 32 : index
    %swap3A_61 = tpu.vector_load %arg10[%swap3A_60] {strides = array<i32>} : memref<256xf32, #tpu.memory_space<vmem>>, vector<16xf32>,
    tpu.vector_store %arg10[%swap3A_60], %broadcast_in_dim3A_44 {strides = array<i32>} : memref<256xf32, #tpu.memory_space<vmem>>, vector<16xf32>,
    %add3A_62 = arith.constant 48 : i32
    %add3A_63 = arith.addi %scan3A_42, %add3A_62 : i32
    %swap3A_64 = arith.index_cast %add3A_63 : i32 to index
    %swap3A_65 = tpu.vector_load %arg6[%swap3A_64] {strides = array<i32>} : memref<16640xf32, #tpu.memory_space<vmem>>, vector<16xf32>,
    tpu.vector_store %arg6[%swap3A_64], %broadcast_in_dim3A_44 {strides = array<i32>} : memref<16640xf32, #tpu.memory_space<vmem>>, vector<16xf32>,
    %swap3A_66 = arith.constant 48 : index
    %swap3A_67 = tpu.vector_load %arg10[%swap3A_66] {strides = array<i32>} : memref<256xf32, #tpu.memory_space<vmem>>, vector<16xf32>,
    tpu.vector_store %arg10[%swap3A_66], %broadcast_in_dim3A_44 {strides = array<i32>} : memref<256xf32, #tpu.memory_space<vmem>>, vector<16xf32>,
    %add3A_68 = arith.constant 64 : i32
    %add3A_69 = arith.addi %scan3A_42, %add3A_68 : i32
    %swap3A_70 = arith.index_cast %add3A_69 : i32 to index
    %swap3A_71 = tpu.vector_load %arg6[%swap3A_70] {strides = array<i32>} : memref<16640xf32, #tpu.memory_space<vmem>>, vector<16xf32>,
    tpu.vector_store %arg6[%swap3A_70], %broadcast_in_dim3A_44 {strides = array<i32>} : memref<16640xf32, #tpu.memory_space<vmem>>, vector<16xf32>,
    %swap3A_72 = arith.constant 64 : index
    %swap3A_73 = tpu.vector_load %arg10[%swap3A_72] {strides = array<i32>} : memref<256xf32, #tpu.memory_space<vmem>>, vector<16xf32>,
    tpu.vector_store %arg10[%swap3A_72], %broadcast_in_dim3A_44 {strides = array<i32>} : memref<256xf32, #tpu.memory_space<vmem>>, vector<16xf32>,
    %add3A_74 = arith.constant 80 : i32
    %add3A_75 = arith.addi %scan3A_42, %add3A_74 : i32
    %swap3A_76 = arith.index_cast %add3A_75 : i32 to index
    %swap3A_77 = tpu.vector_load %arg6[%swap3A_76] {strides = array<i32>} : memref<16640xf32, #tpu.memory_space<vmem>>, vector<16xf32>,
    tpu.vector_store %arg6[%swap3A_76], %broadcast_in_dim3A_44 {strides = array<i32>} : memref<16640xf32, #tpu.memory_space<vmem>>, vector<16xf32>,
    %swap3A_78 = arith.constant 80 : index
    %swap3A_79 = tpu.vector_load %arg10[%swap3A_78] {strides = array<i32>} : memref<256xf32, #tpu.memory_space<vmem>>, vector<16xf32>,
    tpu.vector_store %arg10[%swap3A_78], %broadcast_in_dim3A_44 {strides = array<i32>} : memref<256xf32, #tpu.memory_space<vmem>>, vector<16xf32>,
    %add3A_80 = arith.constant 96 : i32
    %add3A_81 = arith.addi %scan3A_42, %add3A_80 : i32
    %swap3A_82 = arith.index_cast %add3A_81 : i32 to index
    %swap3A_83 = tpu.vector_load %arg6[%swap3A_82] {strides = array<i32>} : memref<16640xf32, #tpu.memory_space<vmem>>, vector<16xf32>,
    tpu.vector_store %arg6[%swap3A_82], %broadcast_in_dim3A_44 {strides = array<i32>} : memref<16640xf32, #tpu.memory_space<vmem>>, vector<16xf32>,
    %swap3A_84 = arith.constant 96 : index
    %swap3A_85 = tpu.vector_load %arg10[%swap3A_84] {strides = array<i32>} : memref<256xf32, #tpu.memory_space<vmem>>, vector<16xf32>,
    tpu.vector_store %arg10[%swap3A_84], %broadcast_in_dim3A_44 {strides = array<i32>} : memref<256xf32, #tpu.memory_space<vmem>>, vector<16xf32>,
    %add3A_86 = arith.constant 112 : i32
    %add3A_87 = arith.addi %scan3A_42, %add3A_86 : i32
    %swap3A_88 = arith.index_cast %add3A_87 : i32 to index
    %swap3A_89 = tpu.vector_load %arg6[%swap3A_88] {strides = array<i32>} : memref<16640xf32, #tpu.memory_space<vmem>>, vector<16xf32>,
    tpu.vector_store %arg6[%swap3A_88], %broadcast_in_dim3A_44 {strides = array<i32>} : memref<16640xf32, #tpu.memory_space<vmem>>, vector<16xf32>,
    %swap3A_90 = arith.constant 112 : index
    %swap3A_91 = tpu.vector_load %arg10[%swap3A_90] {strides = array<i32>} : memref<256xf32, #tpu.memory_space<vmem>>, vector<16xf32>,
    tpu.vector_store %arg10[%swap3A_90], %broadcast_in_dim3A_44 {strides = array<i32>} : memref<256xf32, #tpu.memory_space<vmem>>, vector<16xf32>,
    %add3A_92 = arith.constant 128 : i32
    %add3A_93 = arith.addi %scan3A_42, %add3A_92 : i32
    %swap3A_94 = arith.index_cast %add3A_93 : i32 to index
    %swap3A_95 = tpu.vector_load %arg6[%swap3A_94] {strides = array<i32>} : memref<16640xf32, #tpu.memory_space<vmem>>, vector<16xf32>,
    tpu.vector_store %arg6[%swap3A_94], %broadcast_in_dim3A_44 {strides = array<i32>} : memref<16640xf32, #tpu.memory_space<vmem>>, vector<16xf32>,
    %swap3A_96 = arith.constant 128 : index
    %swap3A_97 = tpu.vector_load %arg10[%swap3A_96] {strides = array<i32>} : memref<256xf32, #tpu.memory_space<vmem>>, vector<16xf32>,
    tpu.vector_store %arg10[%swap3A_96], %broadcast_in_dim3A_44 {strides = array<i32>} : memref<256xf32, #tpu.memory_space<vmem>>, vector<16xf32>,
    %add3A_98 = arith.constant 144 : i32
    %add3A_99 = arith.addi %scan3A_42, %add3A_98 : i32
    %swap3A_100 = arith.index_cast %add3A_99 : i32 to index
    %swap3A_101 = tpu.vector_load %arg6[%swap3A_100] {strides = array<i32>} : memref<16640xf32, #tpu.memory_space<vmem>>, vector<16xf32>,
    tpu.vector_store %arg6[%swap3A_100], %broadcast_in_dim3A_44 {strides = array<i32>} : memref<16640xf32, #tpu.memory_space<vmem>>, vector<16xf32>,
    %swap3A_102 = arith.constant 144 : index
    %swap3A_103 = tpu.vector_load %arg10[%swap3A_102] {strides = array<i32>} : memref<256xf32, #tpu.memory_space<vmem>>, vector<16xf32>,
    tpu.vector_store %arg10[%swap3A_102], %broadcast_in_dim3A_44 {strides = array<i32>} : memref<256xf32, #tpu.memory_space<vmem>>, vector<16xf32>,
    %add3A_104 = arith.constant 160 : i32
    %add3A_105 = arith.addi %scan3A_42, %add3A_104 : i32
    %swap3A_106 = arith.index_cast %add3A_105 : i32 to index
    %swap3A_107 = tpu.vector_load %arg6[%swap3A_106] {strides = array<i32>} : memref<16640xf32, #tpu.memory_space<vmem>>, vector<16xf32>,
    tpu.vector_store %arg6[%swap3A_106], %broadcast_in_dim3A_44 {strides = array<i32>} : memref<16640xf32, #tpu.memory_space<vmem>>, vector<16xf32>,
    %swap3A_108 = arith.constant 160 : index
    %swap3A_109 = tpu.vector_load %arg10[%swap3A_108] {strides = array<i32>} : memref<256xf32, #tpu.memory_space<vmem>>, vector<16xf32>,
    tpu.vector_store %arg10[%swap3A_108], %broadcast_in_dim3A_44 {strides = array<i32>} : memref<256xf32, #tpu.memory_space<vmem>>, vector<16xf32>,
    %add3A_110 = arith.constant 176 : i32
    %add3A_111 = arith.addi %scan3A_42, %add3A_110 : i32
    %swap3A_112 = arith.index_cast %add3A_111 : i32 to index
    %swap3A_113 = tpu.vector_load %arg6[%swap3A_112] {strides = array<i32>} : memref<16640xf32, #tpu.memory_space<vmem>>, vector<16xf32>,
    tpu.vector_store %arg6[%swap3A_112], %broadcast_in_dim3A_44 {strides = array<i32>} : memref<16640xf32, #tpu.memory_space<vmem>>, vector<16xf32>,
    %swap3A_114 = arith.constant 176 : index
    %swap3A_115 = tpu.vector_load %arg10[%swap3A_114] {strides = array<i32>} : memref<256xf32, #tpu.memory_space<vmem>>, vector<16xf32>,
    tpu.vector_store %arg10[%swap3A_114], %broadcast_in_dim3A_44 {strides = array<i32>} : memref<256xf32, #tpu.memory_space<vmem>>, vector<16xf32>,
    %add3A_116 = arith.constant 192 : i32
    %add3A_117 = arith.addi %scan3A_42, %add3A_116 : i32
    %swap3A_118 = arith.index_cast %add3A_117 : i32 to index
    %swap3A_119 = tpu.vector_load %arg6[%swap3A_118] {strides = array<i32>} : memref<16640xf32, #tpu.memory_space<vmem>>, vector<16xf32>,
    tpu.vector_store %arg6[%swap3A_118], %broadcast_in_dim3A_44 {strides = array<i32>} : memref<16640xf32, #tpu.memory_space<vmem>>, vector<16xf32>,
    %swap3A_120 = arith.constant 192 : index
    %swap3A_121 = tpu.vector_load %arg10[%swap3A_120] {strides = array<i32>} : memref<256xf32, #tpu.memory_space<vmem>>, vector<16xf32>,
    tpu.vector_store %arg10[%swap3A_120], %broadcast_in_dim3A_44 {strides = array<i32>} : memref<256xf32, #tpu.memory_space<vmem>>, vector<16xf32>,
    %add3A_122 = arith.constant 208 : i32
    %add3A_123 = arith.addi %scan3A_42, %add3A_122 : i32
    %swap3A_124 = arith.index_cast %add3A_123 : i32 to index
    %swap3A_125 = tpu.vector_load %arg6[%swap3A_124] {strides = array<i32>} : memref<16640xf32, #tpu.memory_space<vmem>>, vector<16xf32>,
    tpu.vector_store %arg6[%swap3A_124], %broadcast_in_dim3A_44 {strides = array<i32>} : memref<16640xf32, #tpu.memory_space<vmem>>, vector<16xf32>,
    %swap3A_126 = arith.constant 208 : index
    %swap3A_127 = tpu.vector_load %arg10[%swap3A_126] {strides = array<i32>} : memref<256xf32, #tpu.memory_space<vmem>>, vector<16xf32>,
    tpu.vector_store %arg10[%swap3A_126], %broadcast_in_dim3A_44 {strides = array<i32>} : memref<256xf32, #tpu.memory_space<vmem>>, vector<16xf32>,
    %add3A_128 = arith.constant 224 : i32
    %add3A_129 = arith.addi %scan3A_42, %add3A_128 : i32
    %swap3A_130 = arith.index_cast %add3A_129 : i32 to index
    %swap3A_131 = tpu.vector_load %arg6[%swap3A_130] {strides = array<i32>} : memref<16640xf32, #tpu.memory_space<vmem>>, vector<16xf32>,
    tpu.vector_store %arg6[%swap3A_130], %broadcast_in_dim3A_44 {strides = array<i32>} : memref<16640xf32, #tpu.memory_space<vmem>>, vector<16xf32>,
    %swap3A_132 = arith.constant 224 : index
    %swap3A_133 = tpu.vector_load %arg10[%swap3A_132] {strides = array<i32>} : memref<256xf32, #tpu.memory_space<vmem>>, vector<16xf32>,
    tpu.vector_store %arg10[%swap3A_132], %broadcast_in_dim3A_44 {strides = array<i32>} : memref<256xf32, #tpu.memory_space<vmem>>, vector<16xf32>,
    %add3A_134 = arith.constant 240 : i32
    %add3A_135 = arith.addi %scan3A_42, %add3A_134 : i32
    %swap3A_136 = arith.index_cast %add3A_135 : i32 to index
    %swap3A_137 = tpu.vector_load %arg6[%swap3A_136] {strides = array<i32>} : memref<16640xf32, #tpu.memory_space<vmem>>, vector<16xf32>,
    tpu.vector_store %arg6[%swap3A_136], %broadcast_in_dim3A_44 {strides = array<i32>} : memref<16640xf32, #tpu.memory_space<vmem>>, vector<16xf32>,
    %swap3A_138 = arith.constant 240 : index
    %swap3A_139 = tpu.vector_load %arg10[%swap3A_138] {strides = array<i32>} : memref<256xf32, #tpu.memory_space<vmem>>, vector<16xf32>,
    tpu.vector_store %arg10[%swap3A_138], %broadcast_in_dim3A_44 {strides = array<i32>} : memref<256xf32, #tpu.memory_space<vmem>>, vector<16xf32>,
    %add3A_140 = arith.constant 255 : i32
    %add3A_141 = arith.addi %scan3A_42, %add3A_140 : i32
    %and3A_142 = arith.constant -256 : i32
    %and3A_143 = arith.andi %add3A_141, %and3A_142 : i32
    %broadcast_in_dim3A_144 = arith.constant 0 : i32
    %broadcast_in_dim3A_145 = vector.broadcast %broadcast_in_dim3A_144 : i32 to vector<16xi32>
    %add3A_146 = vector.broadcast %and3A_143 : i32 to vector<16xi32>
    %add3A_147 = arith.addi %broadcast_in_dim3A_145, %add3A_146 : vector<16xi32>
    %swap3A_148 = arith.constant 0 : index
    %swap3A_149 = tpu.vector_load %arg9[%swap3A_148] {strides = array<i32>} : memref<16xi32, #tpu.memory_space<vmem>>, vector<16xi32>,
    tpu.vector_store %arg9[%swap3A_148], %add3A_147 {strides = array<i32>} : memref<16xi32, #tpu.memory_space<vmem>>, vector<16xi32>,
    "tpu.region"() ({
      %run_scoped3A = tpu.sem_alloc : memref<!tpu.dma_semaphore, #tpu.memory_space<semaphore_mem>>
      %dma_start3A = arith.constant 0 : i32
      %dma_start3A_347 = tpu.memref_slice %arg8[%arg1, %dma_start3A] : memref<16x16xi32, #tpu.memory_space<vmem_shared>> -> memref<1x16xi32, #tpu.memory_space<vmem_shared>>
      %dma_start3A_348 = tpu.memref_squeeze %dma_start3A_347 : memref<1x16xi32, #tpu.memory_space<vmem_shared>> -> memref<16xi32, #tpu.memory_space<vmem_shared>>
      %dma_start3A_349 = arith.constant 0 : i32
      %dma_start3A_350 = tpu.memref_slice %arg8[%arg1, %dma_start3A_349] : memref<16x16xi32, #tpu.memory_space<vmem_shared>> -> memref<1x16xi32, #tpu.memory_space<vmem_shared>>
      %dma_start3A_351 = tpu.memref_squeeze %dma_start3A_350 : memref<1x16xi32, #tpu.memory_space<vmem_shared>> -> memref<16xi32, #tpu.memory_space<vmem_shared>>
      tpu.enqueue_dma source(%arg9 : memref<16xi32, #tpu.memory_space<vmem>>) target(%dma_start3A_351 : memref<16xi32, #tpu.memory_space<vmem_shared>>) target_semaphore(%run_scoped3A : memref<!tpu.dma_semaphore, #tpu.memory_space<semaphore_mem>>)
      %dma_wait3A = arith.constant 0 : i32
      %dma_wait3A_352 = tpu.memref_slice %arg8[%arg1, %dma_wait3A] : memref<16x16xi32, #tpu.memory_space<vmem_shared>> -> memref<1x16xi32, #tpu.memory_space<vmem_shared>>
      %dma_wait3A_353 = tpu.memref_squeeze %dma_wait3A_352 : memref<1x16xi32, #tpu.memory_space<vmem_shared>> -> memref<16xi32, #tpu.memory_space<vmem_shared>>
      %dma_wait3A_354 = arith.constant 0 : i32
      %dma_wait3A_355 = tpu.memref_slice %arg8[%arg1, %dma_wait3A_354] : memref<16x16xi32, #tpu.memory_space<vmem_shared>> -> memref<1x16xi32, #tpu.memory_space<vmem_shared>>
      %dma_wait3A_356 = tpu.memref_squeeze %dma_wait3A_355 : memref<1x16xi32, #tpu.memory_space<vmem_shared>> -> memref<16xi32, #tpu.memory_space<vmem_shared>>
      tpu.wait_dma2 semaphore(%run_scoped3A : memref<!tpu.dma_semaphore, #tpu.memory_space<semaphore_mem>>) src(%arg9 : memref<16xi32, #tpu.memory_space<vmem>>) dst(%dma_wait3A_356 : memref<16xi32, #tpu.memory_space<vmem_shared>>)
      tpu.yield
    }) : () -> ()
    %barrier3A = arith.constant 0 : index
    tpu.barrier barrier_id(%barrier3A)
    %jit3A_150 = arith.constant 4 : i32
    %div3A_151 = arith.divsi %arg1, %jit3A_150 : i32
    %sign3A_152 = arith.constant 0 : i32
    %sign3A_153 = arith.cmpi sgt, %arg1, %sign3A_152 : i32
    %sign3A_154 = arith.extui %sign3A_153 : i1 to i32
    %sign3A_155 = arith.constant 0 : i32
    %sign3A_156 = arith.cmpi slt, %arg1, %sign3A_155 : i32
    %sign3A_157 = arith.extui %sign3A_156 : i1 to i32
    %sign3A_158 = arith.subi %sign3A_154, %sign3A_157 : i32
    %sign3A_159 = arith.constant 0 : i32
    %sign3A_160 = arith.cmpi sgt, %jit3A_150, %sign3A_159 : i32
    %sign3A_161 = arith.extui %sign3A_160 : i1 to i32
    %sign3A_162 = arith.constant 0 : i32
    %sign3A_163 = arith.cmpi slt, %jit3A_150, %sign3A_162 : i32
    %sign3A_164 = arith.extui %sign3A_163 : i1 to i32
    %sign3A_165 = arith.subi %sign3A_161, %sign3A_164 : i32
    %ne3A_166 = arith.cmpi ne, %sign3A_158, %sign3A_165 : i32
    %rem3A_167 = arith.remsi %arg1, %jit3A_150 : i32
    %ne3A_168 = arith.constant 0 : i32
    %ne3A_169 = arith.cmpi ne, %rem3A_167, %ne3A_168 : i32
    %and3A_170 = arith.andi %ne3A_166, %ne3A_169 : i1
    %sub3A_171 = arith.constant 1 : i32
    %sub3A_172 = arith.subi %div3A_151, %sub3A_171 : i32
    %select_n3A_173 = arith.select %and3A_170, %sub3A_172, %div3A_151 : i32
    %mul3A_174 = arith.constant 4 : i32
    %mul3A_175 = arith.muli %select_n3A_173, %mul3A_174 : i32
    %add3A_176 = arith.constant 0 : i32
    %add3A_177 = arith.addi %mul3A_175, %add3A_176 : i32
    "tpu.region"() ({
      %run_scoped3A = tpu.sem_alloc : memref<!tpu.dma_semaphore, #tpu.memory_space<semaphore_mem>>
      %dma_start3A = arith.constant 0 : i32
      %dma_start3A_347 = tpu.memref_slice %arg8[%add3A_177, %dma_start3A] : memref<16x16xi32, #tpu.memory_space<vmem_shared>> -> memref<1x16xi32, #tpu.memory_space<vmem_shared>>
      %dma_start3A_348 = tpu.memref_squeeze %dma_start3A_347 : memref<1x16xi32, #tpu.memory_space<vmem_shared>> -> memref<16xi32, #tpu.memory_space<vmem_shared>>
      %dma_start3A_349 = arith.constant 0 : i32
      %dma_start3A_350 = tpu.memref_slice %arg8[%add3A_177, %dma_start3A_349] : memref<16x16xi32, #tpu.memory_space<vmem_shared>> -> memref<1x16xi32, #tpu.memory_space<vmem_shared>>
      %dma_start3A_351 = tpu.memref_squeeze %dma_start3A_350 : memref<1x16xi32, #tpu.memory_space<vmem_shared>> -> memref<16xi32, #tpu.memory_space<vmem_shared>>
      tpu.enqueue_dma source(%dma_start3A_351 : memref<16xi32, #tpu.memory_space<vmem_shared>>) target(%arg9 : memref<16xi32, #tpu.memory_space<vmem>>) target_semaphore(%run_scoped3A : memref<!tpu.dma_semaphore, #tpu.memory_space<semaphore_mem>>)
      %dma_wait3A = arith.constant 0 : i32
      %dma_wait3A_352 = tpu.memref_slice %arg8[%add3A_177, %dma_wait3A] : memref<16x16xi32, #tpu.memory_space<vmem_shared>> -> memref<1x16xi32, #tpu.memory_space<vmem_shared>>
      %dma_wait3A_353 = tpu.memref_squeeze %dma_wait3A_352 : memref<1x16xi32, #tpu.memory_space<vmem_shared>> -> memref<16xi32, #tpu.memory_space<vmem_shared>>
      %dma_wait3A_354 = arith.constant 0 : i32
      %dma_wait3A_355 = tpu.memref_slice %arg8[%add3A_177, %dma_wait3A_354] : memref<16x16xi32, #tpu.memory_space<vmem_shared>> -> memref<1x16xi32, #tpu.memory_space<vmem_shared>>
      %dma_wait3A_356 = tpu.memref_squeeze %dma_wait3A_355 : memref<1x16xi32, #tpu.memory_space<vmem_shared>> -> memref<16xi32, #tpu.memory_space<vmem_shared>>
      tpu.wait_dma2 semaphore(%run_scoped3A : memref<!tpu.dma_semaphore, #tpu.memory_space<semaphore_mem>>) src(%dma_wait3A_356 : memref<16xi32, #tpu.memory_space<vmem_shared>>) dst(%arg9 : memref<16xi32, #tpu.memory_space<vmem>>)
      tpu.yield
    }) : () -> ()
    %get3A = arith.constant 0 : index
    %get3A_178 = tpu.vector_load %arg9[%get3A] {strides = array<i32>} : memref<16xi32, #tpu.memory_space<vmem>>, vector<16xi32>,
    %reduce_max3A = arith.constant true
    %reduce_max3A_179 = vector.broadcast %reduce_max3A : i1 to vector<16xi1>
    %reduce_max3A_180 = arith.constant -2147483648 : i32
    %reduce_max3A_181 = vector.broadcast %reduce_max3A_180 : i32 to vector<16xi32>
    %reduce_max3A_182 = arith.xori %get3A_178, %reduce_max3A_181 : vector<16xi32>
    %reduce_max3A_183 = tpu.scan <max>, %reduce_max3A_182 masked %reduce_max3A_179 : vector<16xi32>, vector<16xi1> -> vector<16xi32>
    %reduce_max3A_184 = arith.xori %reduce_max3A_183, %reduce_max3A_181 : vector<16xi32>
    %reduce_max3A_185 = vector.extract %reduce_max3A_184[15] : i32 from vector<16xi32>
    %lt3A_186 = arith.constant 0 : i32
    %lt3A_187 = arith.cmpi slt, %lt3A_186, %select_n3A_30 : i32
    %jit3A_188 = arith.constant 0 : i32
    %select_n3A_189 = arith.select %lt3A_187, %reduce_max3A_185, %jit3A_188 : i32
    %add3A_190 = arith.constant 0 : i32
    %add3A_191 = arith.addi %add3A_190, %select_n3A_189 : i32
    %add3A_192 = arith.constant 0 : i32
    %add3A_193 = arith.addi %add3A_192, %reduce_max3A_185 : i32
    %jit3A_194 = arith.constant 4 : i32
    %div3A_195 = arith.divsi %arg1, %jit3A_194 : i32
    %sign3A_196 = arith.constant 0 : i32
    %sign3A_197 = arith.cmpi sgt, %arg1, %sign3A_196 : i32
    %sign3A_198 = arith.extui %sign3A_197 : i1 to i32
    %sign3A_199 = arith.constant 0 : i32
    %sign3A_200 = arith.cmpi slt, %arg1, %sign3A_199 : i32
    %sign3A_201 = arith.extui %sign3A_200 : i1 to i32
    %sign3A_202 = arith.subi %sign3A_198, %sign3A_201 : i32
    %sign3A_203 = arith.constant 0 : i32
    %sign3A_204 = arith.cmpi sgt, %jit3A_194, %sign3A_203 : i32
    %sign3A_205 = arith.extui %sign3A_204 : i1 to i32
    %sign3A_206 = arith.constant 0 : i32
    %sign3A_207 = arith.cmpi slt, %jit3A_194, %sign3A_206 : i32
    %sign3A_208 = arith.extui %sign3A_207 : i1 to i32
    %sign3A_209 = arith.subi %sign3A_205, %sign3A_208 : i32
    %ne3A_210 = arith.cmpi ne, %sign3A_202, %sign3A_209 : i32
    %rem3A_211 = arith.remsi %arg1, %jit3A_194 : i32
    %ne3A_212 = arith.constant 0 : i32
    %ne3A_213 = arith.cmpi ne, %rem3A_211, %ne3A_212 : i32
    %and3A_214 = arith.andi %ne3A_210, %ne3A_213 : i1
    %sub3A_215 = arith.constant 1 : i32
    %sub3A_216 = arith.subi %div3A_195, %sub3A_215 : i32
    %select_n3A_217 = arith.select %and3A_214, %sub3A_216, %div3A_195 : i32
    %mul3A_218 = arith.constant 4 : i32
    %mul3A_219 = arith.muli %select_n3A_217, %mul3A_218 : i32
    %add3A_220 = arith.constant 1 : i32
    %add3A_221 = arith.addi %mul3A_219, %add3A_220 : i32
    "tpu.region"() ({
      %run_scoped3A = tpu.sem_alloc : memref<!tpu.dma_semaphore, #tpu.memory_space<semaphore_mem>>
      %dma_start3A = arith.constant 0 : i32
      %dma_start3A_347 = tpu.memref_slice %arg8[%add3A_221, %dma_start3A] : memref<16x16xi32, #tpu.memory_space<vmem_shared>> -> memref<1x16xi32, #tpu.memory_space<vmem_shared>>
      %dma_start3A_348 = tpu.memref_squeeze %dma_start3A_347 : memref<1x16xi32, #tpu.memory_space<vmem_shared>> -> memref<16xi32, #tpu.memory_space<vmem_shared>>
      %dma_start3A_349 = arith.constant 0 : i32
      %dma_start3A_350 = tpu.memref_slice %arg8[%add3A_221, %dma_start3A_349] : memref<16x16xi32, #tpu.memory_space<vmem_shared>> -> memref<1x16xi32, #tpu.memory_space<vmem_shared>>
      %dma_start3A_351 = tpu.memref_squeeze %dma_start3A_350 : memref<1x16xi32, #tpu.memory_space<vmem_shared>> -> memref<16xi32, #tpu.memory_space<vmem_shared>>
      tpu.enqueue_dma source(%dma_start3A_351 : memref<16xi32, #tpu.memory_space<vmem_shared>>) target(%arg9 : memref<16xi32, #tpu.memory_space<vmem>>) target_semaphore(%run_scoped3A : memref<!tpu.dma_semaphore, #tpu.memory_space<semaphore_mem>>)
      %dma_wait3A = arith.constant 0 : i32
      %dma_wait3A_352 = tpu.memref_slice %arg8[%add3A_221, %dma_wait3A] : memref<16x16xi32, #tpu.memory_space<vmem_shared>> -> memref<1x16xi32, #tpu.memory_space<vmem_shared>>
      %dma_wait3A_353 = tpu.memref_squeeze %dma_wait3A_352 : memref<1x16xi32, #tpu.memory_space<vmem_shared>> -> memref<16xi32, #tpu.memory_space<vmem_shared>>
      %dma_wait3A_354 = arith.constant 0 : i32
      %dma_wait3A_355 = tpu.memref_slice %arg8[%add3A_221, %dma_wait3A_354] : memref<16x16xi32, #tpu.memory_space<vmem_shared>> -> memref<1x16xi32, #tpu.memory_space<vmem_shared>>
      %dma_wait3A_356 = tpu.memref_squeeze %dma_wait3A_355 : memref<1x16xi32, #tpu.memory_space<vmem_shared>> -> memref<16xi32, #tpu.memory_space<vmem_shared>>
      tpu.wait_dma2 semaphore(%run_scoped3A : memref<!tpu.dma_semaphore, #tpu.memory_space<semaphore_mem>>) src(%dma_wait3A_356 : memref<16xi32, #tpu.memory_space<vmem_shared>>) dst(%arg9 : memref<16xi32, #tpu.memory_space<vmem>>)
      tpu.yield
    }) : () -> ()
    %get3A_222 = arith.constant 0 : index
    %get3A_223 = tpu.vector_load %arg9[%get3A_222] {strides = array<i32>} : memref<16xi32, #tpu.memory_space<vmem>>, vector<16xi32>,
    %reduce_max3A_224 = arith.constant true
    %reduce_max3A_225 = vector.broadcast %reduce_max3A_224 : i1 to vector<16xi1>
    %reduce_max3A_226 = arith.constant -2147483648 : i32
    %reduce_max3A_227 = vector.broadcast %reduce_max3A_226 : i32 to vector<16xi32>
    %reduce_max3A_228 = arith.xori %get3A_223, %reduce_max3A_227 : vector<16xi32>
    %reduce_max3A_229 = tpu.scan <max>, %reduce_max3A_228 masked %reduce_max3A_225 : vector<16xi32>, vector<16xi1> -> vector<16xi32>
    %reduce_max3A_230 = arith.xori %reduce_max3A_229, %reduce_max3A_227 : vector<16xi32>
    %reduce_max3A_231 = vector.extract %reduce_max3A_230[15] : i32 from vector<16xi32>
    %lt3A_232 = arith.constant 1 : i32
    %lt3A_233 = arith.cmpi slt, %lt3A_232, %select_n3A_30 : i32
    %jit3A_234 = arith.constant 0 : i32
    %select_n3A_235 = arith.select %lt3A_233, %reduce_max3A_231, %jit3A_234 : i32
    %add3A_236 = arith.addi %add3A_191, %select_n3A_235 : i32
    %add3A_237 = arith.addi %add3A_193, %reduce_max3A_231 : i32
    %jit3A_238 = arith.constant 4 : i32
    %div3A_239 = arith.divsi %arg1, %jit3A_238 : i32
    %sign3A_240 = arith.constant 0 : i32
    %sign3A_241 = arith.cmpi sgt, %arg1, %sign3A_240 : i32
    %sign3A_242 = arith.extui %sign3A_241 : i1 to i32
    %sign3A_243 = arith.constant 0 : i32
    %sign3A_244 = arith.cmpi slt, %arg1, %sign3A_243 : i32
    %sign3A_245 = arith.extui %sign3A_244 : i1 to i32
    %sign3A_246 = arith.subi %sign3A_242, %sign3A_245 : i32
    %sign3A_247 = arith.constant 0 : i32
    %sign3A_248 = arith.cmpi sgt, %jit3A_238, %sign3A_247 : i32
    %sign3A_249 = arith.extui %sign3A_248 : i1 to i32
    %sign3A_250 = arith.constant 0 : i32
    %sign3A_251 = arith.cmpi slt, %jit3A_238, %sign3A_250 : i32
    %sign3A_252 = arith.extui %sign3A_251 : i1 to i32
    %sign3A_253 = arith.subi %sign3A_249, %sign3A_252 : i32
    %ne3A_254 = arith.cmpi ne, %sign3A_246, %sign3A_253 : i32
    %rem3A_255 = arith.remsi %arg1, %jit3A_238 : i32
    %ne3A_256 = arith.constant 0 : i32
    %ne3A_257 = arith.cmpi ne, %rem3A_255, %ne3A_256 : i32
    %and3A_258 = arith.andi %ne3A_254, %ne3A_257 : i1
    %sub3A_259 = arith.constant 1 : i32
    %sub3A_260 = arith.subi %div3A_239, %sub3A_259 : i32
    %select_n3A_261 = arith.select %and3A_258, %sub3A_260, %div3A_239 : i32
    %mul3A_262 = arith.constant 4 : i32
    %mul3A_263 = arith.muli %select_n3A_261, %mul3A_262 : i32
    %add3A_264 = arith.constant 2 : i32
    %add3A_265 = arith.addi %mul3A_263, %add3A_264 : i32
    "tpu.region"() ({
      %run_scoped3A = tpu.sem_alloc : memref<!tpu.dma_semaphore, #tpu.memory_space<semaphore_mem>>
      %dma_start3A = arith.constant 0 : i32
      %dma_start3A_347 = tpu.memref_slice %arg8[%add3A_265, %dma_start3A] : memref<16x16xi32, #tpu.memory_space<vmem_shared>> -> memref<1x16xi32, #tpu.memory_space<vmem_shared>>
      %dma_start3A_348 = tpu.memref_squeeze %dma_start3A_347 : memref<1x16xi32, #tpu.memory_space<vmem_shared>> -> memref<16xi32, #tpu.memory_space<vmem_shared>>
      %dma_start3A_349 = arith.constant 0 : i32
      %dma_start3A_350 = tpu.memref_slice %arg8[%add3A_265, %dma_start3A_349] : memref<16x16xi32, #tpu.memory_space<vmem_shared>> -> memref<1x16xi32, #tpu.memory_space<vmem_shared>>
      %dma_start3A_351 = tpu.memref_squeeze %dma_start3A_350 : memref<1x16xi32, #tpu.memory_space<vmem_shared>> -> memref<16xi32, #tpu.memory_space<vmem_shared>>
      tpu.enqueue_dma source(%dma_start3A_351 : memref<16xi32, #tpu.memory_space<vmem_shared>>) target(%arg9 : memref<16xi32, #tpu.memory_space<vmem>>) target_semaphore(%run_scoped3A : memref<!tpu.dma_semaphore, #tpu.memory_space<semaphore_mem>>)
      %dma_wait3A = arith.constant 0 : i32
      %dma_wait3A_352 = tpu.memref_slice %arg8[%add3A_265, %dma_wait3A] : memref<16x16xi32, #tpu.memory_space<vmem_shared>> -> memref<1x16xi32, #tpu.memory_space<vmem_shared>>
      %dma_wait3A_353 = tpu.memref_squeeze %dma_wait3A_352 : memref<1x16xi32, #tpu.memory_space<vmem_shared>> -> memref<16xi32, #tpu.memory_space<vmem_shared>>
      %dma_wait3A_354 = arith.constant 0 : i32
      %dma_wait3A_355 = tpu.memref_slice %arg8[%add3A_265, %dma_wait3A_354] : memref<16x16xi32, #tpu.memory_space<vmem_shared>> -> memref<1x16xi32, #tpu.memory_space<vmem_shared>>
      %dma_wait3A_356 = tpu.memref_squeeze %dma_wait3A_355 : memref<1x16xi32, #tpu.memory_space<vmem_shared>> -> memref<16xi32, #tpu.memory_space<vmem_shared>>
      tpu.wait_dma2 semaphore(%run_scoped3A : memref<!tpu.dma_semaphore, #tpu.memory_space<semaphore_mem>>) src(%dma_wait3A_356 : memref<16xi32, #tpu.memory_space<vmem_shared>>) dst(%arg9 : memref<16xi32, #tpu.memory_space<vmem>>)
      tpu.yield
    }) : () -> ()
    %get3A_266 = arith.constant 0 : index
    %get3A_267 = tpu.vector_load %arg9[%get3A_266] {strides = array<i32>} : memref<16xi32, #tpu.memory_space<vmem>>, vector<16xi32>,
    %reduce_max3A_268 = arith.constant true
    %reduce_max3A_269 = vector.broadcast %reduce_max3A_268 : i1 to vector<16xi1>
    %reduce_max3A_270 = arith.constant -2147483648 : i32
    %reduce_max3A_271 = vector.broadcast %reduce_max3A_270 : i32 to vector<16xi32>
    %reduce_max3A_272 = arith.xori %get3A_267, %reduce_max3A_271 : vector<16xi32>
    %reduce_max3A_273 = tpu.scan <max>, %reduce_max3A_272 masked %reduce_max3A_269 : vector<16xi32>, vector<16xi1> -> vector<16xi32>
    %reduce_max3A_274 = arith.xori %reduce_max3A_273, %reduce_max3A_271 : vector<16xi32>
    %reduce_max3A_275 = vector.extract %reduce_max3A_274[15] : i32 from vector<16xi32>
    %lt3A_276 = arith.constant 2 : i32
    %lt3A_277 = arith.cmpi slt, %lt3A_276, %select_n3A_30 : i32
    %jit3A_278 = arith.constant 0 : i32
    %select_n3A_279 = arith.select %lt3A_277, %reduce_max3A_275, %jit3A_278 : i32
    %add3A_280 = arith.addi %add3A_236, %select_n3A_279 : i32
    %add3A_281 = arith.addi %add3A_237, %reduce_max3A_275 : i32
    %jit3A_282 = arith.constant 4 : i32
    %div3A_283 = arith.divsi %arg1, %jit3A_282 : i32
    %sign3A_284 = arith.constant 0 : i32
    %sign3A_285 = arith.cmpi sgt, %arg1, %sign3A_284 : i32
    %sign3A_286 = arith.extui %sign3A_285 : i1 to i32
    %sign3A_287 = arith.constant 0 : i32
    %sign3A_288 = arith.cmpi slt, %arg1, %sign3A_287 : i32
    %sign3A_289 = arith.extui %sign3A_288 : i1 to i32
    %sign3A_290 = arith.subi %sign3A_286, %sign3A_289 : i32
    %sign3A_291 = arith.constant 0 : i32
    %sign3A_292 = arith.cmpi sgt, %jit3A_282, %sign3A_291 : i32
    %sign3A_293 = arith.extui %sign3A_292 : i1 to i32
    %sign3A_294 = arith.constant 0 : i32
    %sign3A_295 = arith.cmpi slt, %jit3A_282, %sign3A_294 : i32
    %sign3A_296 = arith.extui %sign3A_295 : i1 to i32
    %sign3A_297 = arith.subi %sign3A_293, %sign3A_296 : i32
    %ne3A_298 = arith.cmpi ne, %sign3A_290, %sign3A_297 : i32
    %rem3A_299 = arith.remsi %arg1, %jit3A_282 : i32
    %ne3A_300 = arith.constant 0 : i32
    %ne3A_301 = arith.cmpi ne, %rem3A_299, %ne3A_300 : i32
    %and3A_302 = arith.andi %ne3A_298, %ne3A_301 : i1
    %sub3A_303 = arith.constant 1 : i32
    %sub3A_304 = arith.subi %div3A_283, %sub3A_303 : i32
    %select_n3A_305 = arith.select %and3A_302, %sub3A_304, %div3A_283 : i32
    %mul3A_306 = arith.constant 4 : i32
    %mul3A_307 = arith.muli %select_n3A_305, %mul3A_306 : i32
    %add3A_308 = arith.constant 3 : i32
    %add3A_309 = arith.addi %mul3A_307, %add3A_308 : i32
    "tpu.region"() ({
      %run_scoped3A = tpu.sem_alloc : memref<!tpu.dma_semaphore, #tpu.memory_space<semaphore_mem>>
      %dma_start3A = arith.constant 0 : i32
      %dma_start3A_347 = tpu.memref_slice %arg8[%add3A_309, %dma_start3A] : memref<16x16xi32, #tpu.memory_space<vmem_shared>> -> memref<1x16xi32, #tpu.memory_space<vmem_shared>>
      %dma_start3A_348 = tpu.memref_squeeze %dma_start3A_347 : memref<1x16xi32, #tpu.memory_space<vmem_shared>> -> memref<16xi32, #tpu.memory_space<vmem_shared>>
      %dma_start3A_349 = arith.constant 0 : i32
      %dma_start3A_350 = tpu.memref_slice %arg8[%add3A_309, %dma_start3A_349] : memref<16x16xi32, #tpu.memory_space<vmem_shared>> -> memref<1x16xi32, #tpu.memory_space<vmem_shared>>
      %dma_start3A_351 = tpu.memref_squeeze %dma_start3A_350 : memref<1x16xi32, #tpu.memory_space<vmem_shared>> -> memref<16xi32, #tpu.memory_space<vmem_shared>>
      tpu.enqueue_dma source(%dma_start3A_351 : memref<16xi32, #tpu.memory_space<vmem_shared>>) target(%arg9 : memref<16xi32, #tpu.memory_space<vmem>>) target_semaphore(%run_scoped3A : memref<!tpu.dma_semaphore, #tpu.memory_space<semaphore_mem>>)
      %dma_wait3A = arith.constant 0 : i32
      %dma_wait3A_352 = tpu.memref_slice %arg8[%add3A_309, %dma_wait3A] : memref<16x16xi32, #tpu.memory_space<vmem_shared>> -> memref<1x16xi32, #tpu.memory_space<vmem_shared>>
      %dma_wait3A_353 = tpu.memref_squeeze %dma_wait3A_352 : memref<1x16xi32, #tpu.memory_space<vmem_shared>> -> memref<16xi32, #tpu.memory_space<vmem_shared>>
      %dma_wait3A_354 = arith.constant 0 : i32
      %dma_wait3A_355 = tpu.memref_slice %arg8[%add3A_309, %dma_wait3A_354] : memref<16x16xi32, #tpu.memory_space<vmem_shared>> -> memref<1x16xi32, #tpu.memory_space<vmem_shared>>
      %dma_wait3A_356 = tpu.memref_squeeze %dma_wait3A_355 : memref<1x16xi32, #tpu.memory_space<vmem_shared>> -> memref<16xi32, #tpu.memory_space<vmem_shared>>
      tpu.wait_dma2 semaphore(%run_scoped3A : memref<!tpu.dma_semaphore, #tpu.memory_space<semaphore_mem>>) src(%dma_wait3A_356 : memref<16xi32, #tpu.memory_space<vmem_shared>>) dst(%arg9 : memref<16xi32, #tpu.memory_space<vmem>>)
      tpu.yield
    }) : () -> ()
    %get3A_310 = arith.constant 0 : index
    %get3A_311 = tpu.vector_load %arg9[%get3A_310] {strides = array<i32>} : memref<16xi32, #tpu.memory_space<vmem>>, vector<16xi32>,
    %reduce_max3A_312 = arith.constant true
    %reduce_max3A_313 = vector.broadcast %reduce_max3A_312 : i1 to vector<16xi1>
    %reduce_max3A_314 = arith.constant -2147483648 : i32
    %reduce_max3A_315 = vector.broadcast %reduce_max3A_314 : i32 to vector<16xi32>
    %reduce_max3A_316 = arith.xori %get3A_311, %reduce_max3A_315 : vector<16xi32>
    %reduce_max3A_317 = tpu.scan <max>, %reduce_max3A_316 masked %reduce_max3A_313 : vector<16xi32>, vector<16xi1> -> vector<16xi32>
    %reduce_max3A_318 = arith.xori %reduce_max3A_317, %reduce_max3A_315 : vector<16xi32>
    %reduce_max3A_319 = vector.extract %reduce_max3A_318[15] : i32 from vector<16xi32>
    %lt3A_320 = arith.constant 3 : i32
    %lt3A_321 = arith.cmpi slt, %lt3A_320, %select_n3A_30 : i32
    %jit3A_322 = arith.constant 0 : i32
    %select_n3A_323 = arith.select %lt3A_321, %reduce_max3A_319, %jit3A_322 : i32
    %add3A_324 = arith.addi %add3A_280, %select_n3A_323 : i32
    %add3A_325 = arith.addi %add3A_281, %reduce_max3A_319 : i32
    %mul3A_326 = arith.constant 32768 : i32
    %mul3A_327 = arith.muli %add3A, %mul3A_326 : i32
    %add3A_328 = arith.addi %mul3A_327, %add3A_324 : i32
    %multiple_of3A = tpu.assume_multiple %add3A_328, 256 : i32
    %sub3A_329 = arith.constant 32768 : i32
    %sub3A_330 = arith.subi %sub3A_329, %add3A_324 : i32
    %max3A = arith.constant 0 : i32
    %max3A_331 = arith.maxsi %sub3A_330, %max3A : i32
    %min3A = arith.minsi %and3A_143, %max3A_331 : i32
    %shift_right_logical3A = arith.constant 8 : i32
    %shift_right_logical3A_332 = arith.shrui %min3A, %shift_right_logical3A : i32
    %while3A = arith.constant 0 : i32
    %while3A_333 = arith.constant 0 : i32
    %while3A_334 = arith.subi %shift_right_logical3A_332, %while3A : i32
    %while3A_335 = arith.addi %while3A, %while3A_334 : i32
    %while3A_336 = arith.constant 1 : i32
    %while3A_337 = arith.divsi %while3A_334, %while3A_336 : i32
    %while3A_338 = arith.muli %while3A_337, %while3A_336 : i32
    %while3A_339 = arith.addi %while3A, %while3A_338 : i32
    %while3A_340 = arith.constant 1 : i32
    %while3A_341 = scf.for %while3A_347 = %while3A to %while3A_339 step %while3A_340 iter_args(%while3A_348 = %while3A_333) -> (i32)  : i32 {
      %mul3A_349 = arith.constant 256 : i32
      %mul3A_350 = arith.muli %while3A_347, %mul3A_349 : i32
      %mul3A_351 = arith.constant 256 : i32
      %mul3A_352 = arith.muli %while3A_347, %mul3A_351 : i32
      %add3A_353 = arith.addi %multiple_of3A, %mul3A_352 : i32
      "tpu.region"() ({
        %run_scoped3A = tpu.sem_alloc : memref<!tpu.dma_semaphore, #tpu.memory_space<semaphore_mem>>
        %dma_start3A = tpu.memref_slice %arg6[%mul3A_350] : memref<16640xf32, #tpu.memory_space<vmem>> -> memref<256xf32, #tpu.memory_space<vmem>>
        %dma_start3A_360 = tpu.memref_slice %arg3[%add3A_353] : memref<262144xf32, #tpu.memory_space<hbm>> -> memref<256xf32, #tpu.memory_space<hbm>>
        %dma_start3A_361 = tpu.memref_slice %arg3[%add3A_353] : memref<262144xf32, #tpu.memory_space<hbm>> -> memref<256xf32, #tpu.memory_space<hbm>>
        %dma_start3A_362 = tpu.memref_slice %arg6[%mul3A_350] : memref<16640xf32, #tpu.memory_space<vmem>> -> memref<256xf32, #tpu.memory_space<vmem>>
        tpu.enqueue_dma source(%dma_start3A_362 : memref<256xf32, #tpu.memory_space<vmem>>) target(%dma_start3A_361 : memref<256xf32, #tpu.memory_space<hbm>>) target_semaphore(%run_scoped3A : memref<!tpu.dma_semaphore, #tpu.memory_space<semaphore_mem>>)
        %dma_wait3A = tpu.memref_slice %arg6[%mul3A_350] : memref<16640xf32, #tpu.memory_space<vmem>> -> memref<256xf32, #tpu.memory_space<vmem>>
        %dma_wait3A_363 = tpu.memref_slice %arg3[%add3A_353] : memref<262144xf32, #tpu.memory_space<hbm>> -> memref<256xf32, #tpu.memory_space<hbm>>
        %dma_wait3A_364 = tpu.memref_slice %arg3[%add3A_353] : memref<262144xf32, #tpu.memory_space<hbm>> -> memref<256xf32, #tpu.memory_space<hbm>>
        %dma_wait3A_365 = tpu.memref_slice %arg6[%mul3A_350] : memref<16640xf32, #tpu.memory_space<vmem>> -> memref<256xf32, #tpu.memory_space<vmem>>
        tpu.wait_dma2 semaphore(%run_scoped3A : memref<!tpu.dma_semaphore, #tpu.memory_space<semaphore_mem>>) src(%dma_wait3A_365 : memref<256xf32, #tpu.memory_space<vmem>>) dst(%dma_wait3A_364 : memref<256xf32, #tpu.memory_space<hbm>>)
        tpu.yield
      }) : () -> ()
      %mul3A_354 = arith.constant 256 : i32
      %mul3A_355 = arith.muli %while3A_347, %mul3A_354 : i32
      %mul3A_356 = arith.constant 256 : i32
      %mul3A_357 = arith.muli %while3A_347, %mul3A_356 : i32
      %add3A_358 = arith.addi %multiple_of3A, %mul3A_357 : i32
      "tpu.region"() ({
        %run_scoped3A = tpu.sem_alloc : memref<!tpu.dma_semaphore, #tpu.memory_space<semaphore_mem>>
        %dma_start3A = tpu.memref_slice %arg7[%mul3A_355] : memref<16640xi32, #tpu.memory_space<vmem>> -> memref<256xi32, #tpu.memory_space<vmem>>
        %dma_start3A_360 = tpu.memref_slice %arg4[%add3A_358] : memref<262144xi32, #tpu.memory_space<hbm>> -> memref<256xi32, #tpu.memory_space<hbm>>
        %dma_start3A_361 = tpu.memref_slice %arg4[%add3A_358] : memref<262144xi32, #tpu.memory_space<hbm>> -> memref<256xi32, #tpu.memory_space<hbm>>
        %dma_start3A_362 = tpu.memref_slice %arg7[%mul3A_355] : memref<16640xi32, #tpu.memory_space<vmem>> -> memref<256xi32, #tpu.memory_space<vmem>>
        tpu.enqueue_dma source(%dma_start3A_362 : memref<256xi32, #tpu.memory_space<vmem>>) target(%dma_start3A_361 : memref<256xi32, #tpu.memory_space<hbm>>) target_semaphore(%run_scoped3A : memref<!tpu.dma_semaphore, #tpu.memory_space<semaphore_mem>>)
        %dma_wait3A = tpu.memref_slice %arg7[%mul3A_355] : memref<16640xi32, #tpu.memory_space<vmem>> -> memref<256xi32, #tpu.memory_space<vmem>>
        %dma_wait3A_363 = tpu.memref_slice %arg4[%add3A_358] : memref<262144xi32, #tpu.memory_space<hbm>> -> memref<256xi32, #tpu.memory_space<hbm>>
        %dma_wait3A_364 = tpu.memref_slice %arg4[%add3A_358] : memref<262144xi32, #tpu.memory_space<hbm>> -> memref<256xi32, #tpu.memory_space<hbm>>
        %dma_wait3A_365 = tpu.memref_slice %arg7[%mul3A_355] : memref<16640xi32, #tpu.memory_space<vmem>> -> memref<256xi32, #tpu.memory_space<vmem>>
        tpu.wait_dma2 semaphore(%run_scoped3A : memref<!tpu.dma_semaphore, #tpu.memory_space<semaphore_mem>>) src(%dma_wait3A_365 : memref<256xi32, #tpu.memory_space<vmem>>) dst(%dma_wait3A_364 : memref<256xi32, #tpu.memory_space<hbm>>)
        tpu.yield
      }) : () -> ()
      %while3A_359 = arith.constant 0 : i32
      scf.yield %while3A_359 : i32
    }
    %while3A_342 = arith.constant 1 : i32
    %while3A_343 = scf.for %while3A_347 = %while3A_339 to %while3A_335 step %while3A_342 iter_args(%while3A_348 = %while3A_341) -> (i32)  : i32 {
      %mul3A_349 = arith.constant 256 : i32
      %mul3A_350 = arith.muli %while3A_347, %mul3A_349 : i32
      %mul3A_351 = arith.constant 256 : i32
      %mul3A_352 = arith.muli %while3A_347, %mul3A_351 : i32
      %add3A_353 = arith.addi %multiple_of3A, %mul3A_352 : i32
      "tpu.region"() ({
        %run_scoped3A = tpu.sem_alloc : memref<!tpu.dma_semaphore, #tpu.memory_space<semaphore_mem>>
        %dma_start3A = tpu.memref_slice %arg6[%mul3A_350] : memref<16640xf32, #tpu.memory_space<vmem>> -> memref<256xf32, #tpu.memory_space<vmem>>
        %dma_start3A_360 = tpu.memref_slice %arg3[%add3A_353] : memref<262144xf32, #tpu.memory_space<hbm>> -> memref<256xf32, #tpu.memory_space<hbm>>
        %dma_start3A_361 = tpu.memref_slice %arg3[%add3A_353] : memref<262144xf32, #tpu.memory_space<hbm>> -> memref<256xf32, #tpu.memory_space<hbm>>
        %dma_start3A_362 = tpu.memref_slice %arg6[%mul3A_350] : memref<16640xf32, #tpu.memory_space<vmem>> -> memref<256xf32, #tpu.memory_space<vmem>>
        tpu.enqueue_dma source(%dma_start3A_362 : memref<256xf32, #tpu.memory_space<vmem>>) target(%dma_start3A_361 : memref<256xf32, #tpu.memory_space<hbm>>) target_semaphore(%run_scoped3A : memref<!tpu.dma_semaphore, #tpu.memory_space<semaphore_mem>>)
        %dma_wait3A = tpu.memref_slice %arg6[%mul3A_350] : memref<16640xf32, #tpu.memory_space<vmem>> -> memref<256xf32, #tpu.memory_space<vmem>>
        %dma_wait3A_363 = tpu.memref_slice %arg3[%add3A_353] : memref<262144xf32, #tpu.memory_space<hbm>> -> memref<256xf32, #tpu.memory_space<hbm>>
        %dma_wait3A_364 = tpu.memref_slice %arg3[%add3A_353] : memref<262144xf32, #tpu.memory_space<hbm>> -> memref<256xf32, #tpu.memory_space<hbm>>
        %dma_wait3A_365 = tpu.memref_slice %arg6[%mul3A_350] : memref<16640xf32, #tpu.memory_space<vmem>> -> memref<256xf32, #tpu.memory_space<vmem>>
        tpu.wait_dma2 semaphore(%run_scoped3A : memref<!tpu.dma_semaphore, #tpu.memory_space<semaphore_mem>>) src(%dma_wait3A_365 : memref<256xf32, #tpu.memory_space<vmem>>) dst(%dma_wait3A_364 : memref<256xf32, #tpu.memory_space<hbm>>)
        tpu.yield
      }) : () -> ()
      %mul3A_354 = arith.constant 256 : i32
      %mul3A_355 = arith.muli %while3A_347, %mul3A_354 : i32
      %mul3A_356 = arith.constant 256 : i32
      %mul3A_357 = arith.muli %while3A_347, %mul3A_356 : i32
      %add3A_358 = arith.addi %multiple_of3A, %mul3A_357 : i32
      "tpu.region"() ({
        %run_scoped3A = tpu.sem_alloc : memref<!tpu.dma_semaphore, #tpu.memory_space<semaphore_mem>>
        %dma_start3A = tpu.memref_slice %arg7[%mul3A_355] : memref<16640xi32, #tpu.memory_space<vmem>> -> memref<256xi32, #tpu.memory_space<vmem>>
        %dma_start3A_360 = tpu.memref_slice %arg4[%add3A_358] : memref<262144xi32, #tpu.memory_space<hbm>> -> memref<256xi32, #tpu.memory_space<hbm>>
        %dma_start3A_361 = tpu.memref_slice %arg4[%add3A_358] : memref<262144xi32, #tpu.memory_space<hbm>> -> memref<256xi32, #tpu.memory_space<hbm>>
        %dma_start3A_362 = tpu.memref_slice %arg7[%mul3A_355] : memref<16640xi32, #tpu.memory_space<vmem>> -> memref<256xi32, #tpu.memory_space<vmem>>
        tpu.enqueue_dma source(%dma_start3A_362 : memref<256xi32, #tpu.memory_space<vmem>>) target(%dma_start3A_361 : memref<256xi32, #tpu.memory_space<hbm>>) target_semaphore(%run_scoped3A : memref<!tpu.dma_semaphore, #tpu.memory_space<semaphore_mem>>)
        %dma_wait3A = tpu.memref_slice %arg7[%mul3A_355] : memref<16640xi32, #tpu.memory_space<vmem>> -> memref<256xi32, #tpu.memory_space<vmem>>
        %dma_wait3A_363 = tpu.memref_slice %arg4[%add3A_358] : memref<262144xi32, #tpu.memory_space<hbm>> -> memref<256xi32, #tpu.memory_space<hbm>>
        %dma_wait3A_364 = tpu.memref_slice %arg4[%add3A_358] : memref<262144xi32, #tpu.memory_space<hbm>> -> memref<256xi32, #tpu.memory_space<hbm>>
        %dma_wait3A_365 = tpu.memref_slice %arg7[%mul3A_355] : memref<16640xi32, #tpu.memory_space<vmem>> -> memref<256xi32, #tpu.memory_space<vmem>>
        tpu.wait_dma2 semaphore(%run_scoped3A : memref<!tpu.dma_semaphore, #tpu.memory_space<semaphore_mem>>) src(%dma_wait3A_365 : memref<256xi32, #tpu.memory_space<vmem>>) dst(%dma_wait3A_364 : memref<256xi32, #tpu.memory_space<hbm>>)
        tpu.yield
      }) : () -> ()
      %while3A_359 = arith.constant 0 : i32
      scf.yield %while3A_359 : i32
    }
    %eq3A_344 = arith.constant 3 : i32
    %eq3A_345 = arith.cmpi eq, %select_n3A_30, %eq3A_344 : i32
    %convert_element_type3A = arith.extui %eq3A_345 : i1 to i32
    %cond3A = arith.constant 0 : i32
    %cond3A_346 = arith.cmpi ne, %convert_element_type3A, %cond3A : i32
    scf.if %cond3A_346 {
      %mul3A_347 = arith.constant 32768 : i32
      %mul3A_348 = arith.muli %add3A, %mul3A_347 : i32
      %add3A_349 = arith.addi %mul3A_348, %add3A_325 : i32
      %multiple_of3A_350 = tpu.assume_multiple %add3A_349, 256 : i32
      %sub3A_351 = arith.constant 32768 : i32
      %sub3A_352 = arith.subi %sub3A_351, %add3A_325 : i32
      %shift_right_logical3A_353 = arith.constant 8 : i32
      %shift_right_logical3A_354 = arith.shrui %sub3A_352, %shift_right_logical3A_353 : i32
      %while3A_355 = arith.constant 0 : i32
      %while3A_356 = arith.constant 0 : i32
      %while3A_357 = arith.subi %shift_right_logical3A_354, %while3A_355 : i32
      %while3A_358 = arith.addi %while3A_355, %while3A_357 : i32
      %while3A_359 = arith.constant 1 : i32
      %while3A_360 = arith.divsi %while3A_357, %while3A_359 : i32
      %while3A_361 = arith.muli %while3A_360, %while3A_359 : i32
      %while3A_362 = arith.addi %while3A_355, %while3A_361 : i32
      %while3A_363 = arith.constant 1 : i32
      %while3A_364 = scf.for %while3A_367 = %while3A_355 to %while3A_362 step %while3A_363 iter_args(%while3A_368 = %while3A_356) -> (i32)  : i32 {
        %mul3A_369 = arith.constant 256 : i32
        %mul3A_370 = arith.muli %while3A_367, %mul3A_369 : i32
        %add3A_371 = arith.addi %multiple_of3A_350, %mul3A_370 : i32
        "tpu.region"() ({
          %run_scoped3A = tpu.sem_alloc : memref<!tpu.dma_semaphore, #tpu.memory_space<semaphore_mem>>
          %dma_start3A = tpu.memref_slice %arg3[%add3A_371] : memref<262144xf32, #tpu.memory_space<hbm>> -> memref<256xf32, #tpu.memory_space<hbm>>
          %dma_start3A_373 = tpu.memref_slice %arg3[%add3A_371] : memref<262144xf32, #tpu.memory_space<hbm>> -> memref<256xf32, #tpu.memory_space<hbm>>
          tpu.enqueue_dma source(%arg10 : memref<256xf32, #tpu.memory_space<vmem>>) target(%dma_start3A_373 : memref<256xf32, #tpu.memory_space<hbm>>) target_semaphore(%run_scoped3A : memref<!tpu.dma_semaphore, #tpu.memory_space<semaphore_mem>>)
          %dma_wait3A = tpu.memref_slice %arg3[%add3A_371] : memref<262144xf32, #tpu.memory_space<hbm>> -> memref<256xf32, #tpu.memory_space<hbm>>
          %dma_wait3A_374 = tpu.memref_slice %arg3[%add3A_371] : memref<262144xf32, #tpu.memory_space<hbm>> -> memref<256xf32, #tpu.memory_space<hbm>>
          tpu.wait_dma2 semaphore(%run_scoped3A : memref<!tpu.dma_semaphore, #tpu.memory_space<semaphore_mem>>) src(%arg10 : memref<256xf32, #tpu.memory_space<vmem>>) dst(%dma_wait3A_374 : memref<256xf32, #tpu.memory_space<hbm>>)
          tpu.yield
        }) : () -> ()
        %while3A_372 = arith.constant 0 : i32
        scf.yield %while3A_372 : i32
      }
      %while3A_365 = arith.constant 1 : i32
      %while3A_366 = scf.for %while3A_367 = %while3A_362 to %while3A_358 step %while3A_365 iter_args(%while3A_368 = %while3A_364) -> (i32)  : i32 {
        %mul3A_369 = arith.constant 256 : i32
        %mul3A_370 = arith.muli %while3A_367, %mul3A_369 : i32
        %add3A_371 = arith.addi %multiple_of3A_350, %mul3A_370 : i32
        "tpu.region"() ({
          %run_scoped3A = tpu.sem_alloc : memref<!tpu.dma_semaphore, #tpu.memory_space<semaphore_mem>>
          %dma_start3A = tpu.memref_slice %arg3[%add3A_371] : memref<262144xf32, #tpu.memory_space<hbm>> -> memref<256xf32, #tpu.memory_space<hbm>>
          %dma_start3A_373 = tpu.memref_slice %arg3[%add3A_371] : memref<262144xf32, #tpu.memory_space<hbm>> -> memref<256xf32, #tpu.memory_space<hbm>>
          tpu.enqueue_dma source(%arg10 : memref<256xf32, #tpu.memory_space<vmem>>) target(%dma_start3A_373 : memref<256xf32, #tpu.memory_space<hbm>>) target_semaphore(%run_scoped3A : memref<!tpu.dma_semaphore, #tpu.memory_space<semaphore_mem>>)
          %dma_wait3A = tpu.memref_slice %arg3[%add3A_371] : memref<262144xf32, #tpu.memory_space<hbm>> -> memref<256xf32, #tpu.memory_space<hbm>>
          %dma_wait3A_374 = tpu.memref_slice %arg3[%add3A_371] : memref<262144xf32, #tpu.memory_space<hbm>> -> memref<256xf32, #tpu.memory_space<hbm>>
          tpu.wait_dma2 semaphore(%run_scoped3A : memref<!tpu.dma_semaphore, #tpu.memory_space<semaphore_mem>>) src(%arg10 : memref<256xf32, #tpu.memory_space<vmem>>) dst(%dma_wait3A_374 : memref<256xf32, #tpu.memory_space<hbm>>)
          tpu.yield
        }) : () -> ()
        %while3A_372 = arith.constant 0 : i32
        scf.yield %while3A_372 : i32
      }
    } else {
    }
    return
  }
}

module attributes {stable_mosaic.version = 14 : i64} {
  func.func @_nms_body(%arg0: i32, %arg1: memref<1x1x512x512xf32, #tpu.memory_space<vmem>>, %arg2: memref<1x512x512xf32, #tpu.memory_space<vmem>>) attributes {dimension_semantics = [#tpu.dimension_semantics<arbitrary>], iteration_bounds = array<i64: 8>, scalar_prefetch = 0 : i64, scratch_operands = 0 : i64, tpu.core_type = #tpu.core_type<tc>, window_params = [{transform_indices = @transform_0, window_bounds = array<i64: 1, 1, 512, 512>}, {transform_indices = @transform_1, window_bounds = array<i64: 1, 512, 512>}]} {
    %get3A = arith.constant 0 : index
    %get3A_0 = arith.constant 0 : index
    %get3A_1 = arith.constant 0 : index
    %get3A_2 = arith.constant 0 : index
    %get3A_3 = vector.load %arg1[%get3A, %get3A_0, %get3A_1, %get3A_2] : memref<1x1x512x512xf32, #tpu.memory_space<vmem>>, vector<1x1x512x512xf32>
    %get3A_4 = vector.shape_cast %get3A_3 : vector<1x1x512x512xf32> to vector<512x512xf32>
    %broadcast_in_dim3A = arith.constant 0.000000e+00 : f32
    %broadcast_in_dim3A_5 = vector.broadcast %broadcast_in_dim3A : f32 to vector<512x512xf32>
    %broadcast_in_dim3A_6 = arith.constant 1.000000e+00 : f32
    %broadcast_in_dim3A_7 = vector.broadcast %broadcast_in_dim3A_6 : f32 to vector<512x512xf32>
    %broadcast_in_dim3A_8 = arith.constant 0xFF800000 : f32
    %broadcast_in_dim3A_9 = vector.broadcast %broadcast_in_dim3A_8 : f32 to vector<2x512xf32>
    %slice3A = vector.extract_strided_slice %get3A_4 {offsets = [1, 0], sizes = [511, 512], strides = [1, 1]} : vector<512x512xf32> to vector<511x512xf32>
    %slice3A_10 = vector.extract_strided_slice %broadcast_in_dim3A_9 {offsets = [0, 0], sizes = [1, 512], strides = [1, 1]} : vector<2x512xf32> to vector<1x512xf32>
    %concatenate3A = tpu.concatenate %slice3A, %slice3A_10 in 0 : vector<511x512xf32>, vector<1x512xf32> -> vector<512x512xf32>
    %slice3A_11 = vector.extract_strided_slice %broadcast_in_dim3A_9 {offsets = [0, 0], sizes = [1, 512], strides = [1, 1]} : vector<2x512xf32> to vector<1x512xf32>
    %slice3A_12 = vector.extract_strided_slice %get3A_4 {offsets = [0, 0], sizes = [511, 512], strides = [1, 1]} : vector<512x512xf32> to vector<511x512xf32>
    %concatenate3A_13 = tpu.concatenate %slice3A_11, %slice3A_12 in 0 : vector<1x512xf32>, vector<511x512xf32> -> vector<512x512xf32>
    %max3A = arith.maximumf %concatenate3A, %concatenate3A_13 : vector<512x512xf32>
    %slice3A_14 = vector.extract_strided_slice %get3A_4 {offsets = [2, 0], sizes = [510, 512], strides = [1, 1]} : vector<512x512xf32> to vector<510x512xf32>
    %concatenate3A_15 = tpu.concatenate %slice3A_14, %broadcast_in_dim3A_9 in 0 : vector<510x512xf32>, vector<2x512xf32> -> vector<512x512xf32>
    %slice3A_16 = vector.extract_strided_slice %get3A_4 {offsets = [0, 0], sizes = [510, 512], strides = [1, 1]} : vector<512x512xf32> to vector<510x512xf32>
    %concatenate3A_17 = tpu.concatenate %broadcast_in_dim3A_9, %slice3A_16 in 0 : vector<2x512xf32>, vector<510x512xf32> -> vector<512x512xf32>
    %max3A_18 = arith.maximumf %concatenate3A_15, %concatenate3A_17 : vector<512x512xf32>
    %max3A_19 = arith.maximumf %max3A, %max3A_18 : vector<512x512xf32>
    %max3A_20 = arith.maximumf %get3A_4, %max3A_19 : vector<512x512xf32>
    %broadcast_in_dim3A_21 = arith.constant 0xFF800000 : f32
    %broadcast_in_dim3A_22 = vector.broadcast %broadcast_in_dim3A_21 : f32 to vector<512x2xf32>
    %slice3A_23 = vector.extract_strided_slice %max3A_20 {offsets = [0, 1], sizes = [512, 511], strides = [1, 1]} : vector<512x512xf32> to vector<512x511xf32>
    %slice3A_24 = vector.extract_strided_slice %broadcast_in_dim3A_22 {offsets = [0, 0], sizes = [512, 1], strides = [1, 1]} : vector<512x2xf32> to vector<512x1xf32>
    %concatenate3A_25 = tpu.concatenate %slice3A_23, %slice3A_24 in 1 : vector<512x511xf32>, vector<512x1xf32> -> vector<512x512xf32>
    %slice3A_26 = vector.extract_strided_slice %broadcast_in_dim3A_22 {offsets = [0, 0], sizes = [512, 1], strides = [1, 1]} : vector<512x2xf32> to vector<512x1xf32>
    %slice3A_27 = vector.extract_strided_slice %max3A_20 {offsets = [0, 0], sizes = [512, 511], strides = [1, 1]} : vector<512x512xf32> to vector<512x511xf32>
    %concatenate3A_28 = tpu.concatenate %slice3A_26, %slice3A_27 in 1 : vector<512x1xf32>, vector<512x511xf32> -> vector<512x512xf32>
    %max3A_29 = arith.maximumf %concatenate3A_25, %concatenate3A_28 : vector<512x512xf32>
    %slice3A_30 = vector.extract_strided_slice %max3A_20 {offsets = [0, 2], sizes = [512, 510], strides = [1, 1]} : vector<512x512xf32> to vector<512x510xf32>
    %concatenate3A_31 = tpu.concatenate %slice3A_30, %broadcast_in_dim3A_22 in 1 : vector<512x510xf32>, vector<512x2xf32> -> vector<512x512xf32>
    %slice3A_32 = vector.extract_strided_slice %max3A_20 {offsets = [0, 0], sizes = [512, 510], strides = [1, 1]} : vector<512x512xf32> to vector<512x510xf32>
    %concatenate3A_33 = tpu.concatenate %broadcast_in_dim3A_22, %slice3A_32 in 1 : vector<512x2xf32>, vector<512x510xf32> -> vector<512x512xf32>
    %max3A_34 = arith.maximumf %concatenate3A_31, %concatenate3A_33 : vector<512x512xf32>
    %max3A_35 = arith.maximumf %max3A_29, %max3A_34 : vector<512x512xf32>
    %max3A_36 = arith.maximumf %max3A_20, %max3A_35 : vector<512x512xf32>
    %eq3A = arith.cmpf oeq, %get3A_4, %max3A_36 : vector<512x512xf32>
    %select_n3A = arith.select %eq3A, %broadcast_in_dim3A_7, %broadcast_in_dim3A_5 : vector<512x512xi1>, vector<512x512xf32>
    %broadcast_in_dim3A_37 = arith.constant 0xFF800000 : f32
    %broadcast_in_dim3A_38 = vector.broadcast %broadcast_in_dim3A_37 : f32 to vector<2x512xf32>
    %slice3A_39 = vector.extract_strided_slice %select_n3A {offsets = [1, 0], sizes = [511, 512], strides = [1, 1]} : vector<512x512xf32> to vector<511x512xf32>
    %slice3A_40 = vector.extract_strided_slice %broadcast_in_dim3A_38 {offsets = [0, 0], sizes = [1, 512], strides = [1, 1]} : vector<2x512xf32> to vector<1x512xf32>
    %concatenate3A_41 = tpu.concatenate %slice3A_39, %slice3A_40 in 0 : vector<511x512xf32>, vector<1x512xf32> -> vector<512x512xf32>
    %slice3A_42 = vector.extract_strided_slice %broadcast_in_dim3A_38 {offsets = [0, 0], sizes = [1, 512], strides = [1, 1]} : vector<2x512xf32> to vector<1x512xf32>
    %slice3A_43 = vector.extract_strided_slice %select_n3A {offsets = [0, 0], sizes = [511, 512], strides = [1, 1]} : vector<512x512xf32> to vector<511x512xf32>
    %concatenate3A_44 = tpu.concatenate %slice3A_42, %slice3A_43 in 0 : vector<1x512xf32>, vector<511x512xf32> -> vector<512x512xf32>
    %max3A_45 = arith.maximumf %concatenate3A_41, %concatenate3A_44 : vector<512x512xf32>
    %slice3A_46 = vector.extract_strided_slice %select_n3A {offsets = [2, 0], sizes = [510, 512], strides = [1, 1]} : vector<512x512xf32> to vector<510x512xf32>
    %concatenate3A_47 = tpu.concatenate %slice3A_46, %broadcast_in_dim3A_38 in 0 : vector<510x512xf32>, vector<2x512xf32> -> vector<512x512xf32>
    %slice3A_48 = vector.extract_strided_slice %select_n3A {offsets = [0, 0], sizes = [510, 512], strides = [1, 1]} : vector<512x512xf32> to vector<510x512xf32>
    %concatenate3A_49 = tpu.concatenate %broadcast_in_dim3A_38, %slice3A_48 in 0 : vector<2x512xf32>, vector<510x512xf32> -> vector<512x512xf32>
    %max3A_50 = arith.maximumf %concatenate3A_47, %concatenate3A_49 : vector<512x512xf32>
    %max3A_51 = arith.maximumf %max3A_45, %max3A_50 : vector<512x512xf32>
    %max3A_52 = arith.maximumf %select_n3A, %max3A_51 : vector<512x512xf32>
    %broadcast_in_dim3A_53 = arith.constant 0xFF800000 : f32
    %broadcast_in_dim3A_54 = vector.broadcast %broadcast_in_dim3A_53 : f32 to vector<512x2xf32>
    %slice3A_55 = vector.extract_strided_slice %max3A_52 {offsets = [0, 1], sizes = [512, 511], strides = [1, 1]} : vector<512x512xf32> to vector<512x511xf32>
    %slice3A_56 = vector.extract_strided_slice %broadcast_in_dim3A_54 {offsets = [0, 0], sizes = [512, 1], strides = [1, 1]} : vector<512x2xf32> to vector<512x1xf32>
    %concatenate3A_57 = tpu.concatenate %slice3A_55, %slice3A_56 in 1 : vector<512x511xf32>, vector<512x1xf32> -> vector<512x512xf32>
    %slice3A_58 = vector.extract_strided_slice %broadcast_in_dim3A_54 {offsets = [0, 0], sizes = [512, 1], strides = [1, 1]} : vector<512x2xf32> to vector<512x1xf32>
    %slice3A_59 = vector.extract_strided_slice %max3A_52 {offsets = [0, 0], sizes = [512, 511], strides = [1, 1]} : vector<512x512xf32> to vector<512x511xf32>
    %concatenate3A_60 = tpu.concatenate %slice3A_58, %slice3A_59 in 1 : vector<512x1xf32>, vector<512x511xf32> -> vector<512x512xf32>
    %max3A_61 = arith.maximumf %concatenate3A_57, %concatenate3A_60 : vector<512x512xf32>
    %slice3A_62 = vector.extract_strided_slice %max3A_52 {offsets = [0, 2], sizes = [512, 510], strides = [1, 1]} : vector<512x512xf32> to vector<512x510xf32>
    %concatenate3A_63 = tpu.concatenate %slice3A_62, %broadcast_in_dim3A_54 in 1 : vector<512x510xf32>, vector<512x2xf32> -> vector<512x512xf32>
    %slice3A_64 = vector.extract_strided_slice %max3A_52 {offsets = [0, 0], sizes = [512, 510], strides = [1, 1]} : vector<512x512xf32> to vector<512x510xf32>
    %concatenate3A_65 = tpu.concatenate %broadcast_in_dim3A_54, %slice3A_64 in 1 : vector<512x2xf32>, vector<512x510xf32> -> vector<512x512xf32>
    %max3A_66 = arith.maximumf %concatenate3A_63, %concatenate3A_65 : vector<512x512xf32>
    %max3A_67 = arith.maximumf %max3A_61, %max3A_66 : vector<512x512xf32>
    %max3A_68 = arith.maximumf %max3A_52, %max3A_67 : vector<512x512xf32>
    %gt3A = arith.constant 0.000000e+00 : f32
    %gt3A_69 = vector.broadcast %gt3A : f32 to vector<512x512xf32>
    %gt3A_70 = arith.cmpf ogt, %max3A_68, %gt3A_69 : vector<512x512xf32>
    %select_n3A_71 = arith.select %gt3A_70, %broadcast_in_dim3A_5, %get3A_4 : vector<512x512xi1>, vector<512x512xf32>
    %broadcast_in_dim3A_72 = arith.constant 0xFF800000 : f32
    %broadcast_in_dim3A_73 = vector.broadcast %broadcast_in_dim3A_72 : f32 to vector<2x512xf32>
    %slice3A_74 = vector.extract_strided_slice %select_n3A_71 {offsets = [1, 0], sizes = [511, 512], strides = [1, 1]} : vector<512x512xf32> to vector<511x512xf32>
    %slice3A_75 = vector.extract_strided_slice %broadcast_in_dim3A_73 {offsets = [0, 0], sizes = [1, 512], strides = [1, 1]} : vector<2x512xf32> to vector<1x512xf32>
    %concatenate3A_76 = tpu.concatenate %slice3A_74, %slice3A_75 in 0 : vector<511x512xf32>, vector<1x512xf32> -> vector<512x512xf32>
    %slice3A_77 = vector.extract_strided_slice %broadcast_in_dim3A_73 {offsets = [0, 0], sizes = [1, 512], strides = [1, 1]} : vector<2x512xf32> to vector<1x512xf32>
    %slice3A_78 = vector.extract_strided_slice %select_n3A_71 {offsets = [0, 0], sizes = [511, 512], strides = [1, 1]} : vector<512x512xf32> to vector<511x512xf32>
    %concatenate3A_79 = tpu.concatenate %slice3A_77, %slice3A_78 in 0 : vector<1x512xf32>, vector<511x512xf32> -> vector<512x512xf32>
    %max3A_80 = arith.maximumf %concatenate3A_76, %concatenate3A_79 : vector<512x512xf32>
    %slice3A_81 = vector.extract_strided_slice %select_n3A_71 {offsets = [2, 0], sizes = [510, 512], strides = [1, 1]} : vector<512x512xf32> to vector<510x512xf32>
    %concatenate3A_82 = tpu.concatenate %slice3A_81, %broadcast_in_dim3A_73 in 0 : vector<510x512xf32>, vector<2x512xf32> -> vector<512x512xf32>
    %slice3A_83 = vector.extract_strided_slice %select_n3A_71 {offsets = [0, 0], sizes = [510, 512], strides = [1, 1]} : vector<512x512xf32> to vector<510x512xf32>
    %concatenate3A_84 = tpu.concatenate %broadcast_in_dim3A_73, %slice3A_83 in 0 : vector<2x512xf32>, vector<510x512xf32> -> vector<512x512xf32>
    %max3A_85 = arith.maximumf %concatenate3A_82, %concatenate3A_84 : vector<512x512xf32>
    %max3A_86 = arith.maximumf %max3A_80, %max3A_85 : vector<512x512xf32>
    %max3A_87 = arith.maximumf %select_n3A_71, %max3A_86 : vector<512x512xf32>
    %broadcast_in_dim3A_88 = arith.constant 0xFF800000 : f32
    %broadcast_in_dim3A_89 = vector.broadcast %broadcast_in_dim3A_88 : f32 to vector<512x2xf32>
    %slice3A_90 = vector.extract_strided_slice %max3A_87 {offsets = [0, 1], sizes = [512, 511], strides = [1, 1]} : vector<512x512xf32> to vector<512x511xf32>
    %slice3A_91 = vector.extract_strided_slice %broadcast_in_dim3A_89 {offsets = [0, 0], sizes = [512, 1], strides = [1, 1]} : vector<512x2xf32> to vector<512x1xf32>
    %concatenate3A_92 = tpu.concatenate %slice3A_90, %slice3A_91 in 1 : vector<512x511xf32>, vector<512x1xf32> -> vector<512x512xf32>
    %slice3A_93 = vector.extract_strided_slice %broadcast_in_dim3A_89 {offsets = [0, 0], sizes = [512, 1], strides = [1, 1]} : vector<512x2xf32> to vector<512x1xf32>
    %slice3A_94 = vector.extract_strided_slice %max3A_87 {offsets = [0, 0], sizes = [512, 511], strides = [1, 1]} : vector<512x512xf32> to vector<512x511xf32>
    %concatenate3A_95 = tpu.concatenate %slice3A_93, %slice3A_94 in 1 : vector<512x1xf32>, vector<512x511xf32> -> vector<512x512xf32>
    %max3A_96 = arith.maximumf %concatenate3A_92, %concatenate3A_95 : vector<512x512xf32>
    %slice3A_97 = vector.extract_strided_slice %max3A_87 {offsets = [0, 2], sizes = [512, 510], strides = [1, 1]} : vector<512x512xf32> to vector<512x510xf32>
    %concatenate3A_98 = tpu.concatenate %slice3A_97, %broadcast_in_dim3A_89 in 1 : vector<512x510xf32>, vector<512x2xf32> -> vector<512x512xf32>
    %slice3A_99 = vector.extract_strided_slice %max3A_87 {offsets = [0, 0], sizes = [512, 510], strides = [1, 1]} : vector<512x512xf32> to vector<512x510xf32>
    %concatenate3A_100 = tpu.concatenate %broadcast_in_dim3A_89, %slice3A_99 in 1 : vector<512x2xf32>, vector<512x510xf32> -> vector<512x512xf32>
    %max3A_101 = arith.maximumf %concatenate3A_98, %concatenate3A_100 : vector<512x512xf32>
    %max3A_102 = arith.maximumf %max3A_96, %max3A_101 : vector<512x512xf32>
    %max3A_103 = arith.maximumf %max3A_87, %max3A_102 : vector<512x512xf32>
    %eq3A_104 = arith.cmpf oeq, %select_n3A_71, %max3A_103 : vector<512x512xf32>
    %not3A = arith.constant dense<true> : vector<512x512xi1>
    %not3A_105 = arith.xori %gt3A_70, %not3A : vector<512x512xi1>
    %and3A = arith.andi %eq3A_104, %not3A_105 : vector<512x512xi1>
    %or3A = arith.ori %eq3A, %and3A : vector<512x512xi1>
    %select_n3A_106 = arith.select %or3A, %broadcast_in_dim3A_7, %broadcast_in_dim3A_5 : vector<512x512xi1>, vector<512x512xf32>
    %broadcast_in_dim3A_107 = arith.constant 0xFF800000 : f32
    %broadcast_in_dim3A_108 = vector.broadcast %broadcast_in_dim3A_107 : f32 to vector<2x512xf32>
    %slice3A_109 = vector.extract_strided_slice %select_n3A_106 {offsets = [1, 0], sizes = [511, 512], strides = [1, 1]} : vector<512x512xf32> to vector<511x512xf32>
    %slice3A_110 = vector.extract_strided_slice %broadcast_in_dim3A_108 {offsets = [0, 0], sizes = [1, 512], strides = [1, 1]} : vector<2x512xf32> to vector<1x512xf32>
    %concatenate3A_111 = tpu.concatenate %slice3A_109, %slice3A_110 in 0 : vector<511x512xf32>, vector<1x512xf32> -> vector<512x512xf32>
    %slice3A_112 = vector.extract_strided_slice %broadcast_in_dim3A_108 {offsets = [0, 0], sizes = [1, 512], strides = [1, 1]} : vector<2x512xf32> to vector<1x512xf32>
    %slice3A_113 = vector.extract_strided_slice %select_n3A_106 {offsets = [0, 0], sizes = [511, 512], strides = [1, 1]} : vector<512x512xf32> to vector<511x512xf32>
    %concatenate3A_114 = tpu.concatenate %slice3A_112, %slice3A_113 in 0 : vector<1x512xf32>, vector<511x512xf32> -> vector<512x512xf32>
    %max3A_115 = arith.maximumf %concatenate3A_111, %concatenate3A_114 : vector<512x512xf32>
    %slice3A_116 = vector.extract_strided_slice %select_n3A_106 {offsets = [2, 0], sizes = [510, 512], strides = [1, 1]} : vector<512x512xf32> to vector<510x512xf32>
    %concatenate3A_117 = tpu.concatenate %slice3A_116, %broadcast_in_dim3A_108 in 0 : vector<510x512xf32>, vector<2x512xf32> -> vector<512x512xf32>
    %slice3A_118 = vector.extract_strided_slice %select_n3A_106 {offsets = [0, 0], sizes = [510, 512], strides = [1, 1]} : vector<512x512xf32> to vector<510x512xf32>
    %concatenate3A_119 = tpu.concatenate %broadcast_in_dim3A_108, %slice3A_118 in 0 : vector<2x512xf32>, vector<510x512xf32> -> vector<512x512xf32>
    %max3A_120 = arith.maximumf %concatenate3A_117, %concatenate3A_119 : vector<512x512xf32>
    %max3A_121 = arith.maximumf %max3A_115, %max3A_120 : vector<512x512xf32>
    %max3A_122 = arith.maximumf %select_n3A_106, %max3A_121 : vector<512x512xf32>
    %broadcast_in_dim3A_123 = arith.constant 0xFF800000 : f32
    %broadcast_in_dim3A_124 = vector.broadcast %broadcast_in_dim3A_123 : f32 to vector<512x2xf32>
    %slice3A_125 = vector.extract_strided_slice %max3A_122 {offsets = [0, 1], sizes = [512, 511], strides = [1, 1]} : vector<512x512xf32> to vector<512x511xf32>
    %slice3A_126 = vector.extract_strided_slice %broadcast_in_dim3A_124 {offsets = [0, 0], sizes = [512, 1], strides = [1, 1]} : vector<512x2xf32> to vector<512x1xf32>
    %concatenate3A_127 = tpu.concatenate %slice3A_125, %slice3A_126 in 1 : vector<512x511xf32>, vector<512x1xf32> -> vector<512x512xf32>
    %slice3A_128 = vector.extract_strided_slice %broadcast_in_dim3A_124 {offsets = [0, 0], sizes = [512, 1], strides = [1, 1]} : vector<512x2xf32> to vector<512x1xf32>
    %slice3A_129 = vector.extract_strided_slice %max3A_122 {offsets = [0, 0], sizes = [512, 511], strides = [1, 1]} : vector<512x512xf32> to vector<512x511xf32>
    %concatenate3A_130 = tpu.concatenate %slice3A_128, %slice3A_129 in 1 : vector<512x1xf32>, vector<512x511xf32> -> vector<512x512xf32>
    %max3A_131 = arith.maximumf %concatenate3A_127, %concatenate3A_130 : vector<512x512xf32>
    %slice3A_132 = vector.extract_strided_slice %max3A_122 {offsets = [0, 2], sizes = [512, 510], strides = [1, 1]} : vector<512x512xf32> to vector<512x510xf32>
    %concatenate3A_133 = tpu.concatenate %slice3A_132, %broadcast_in_dim3A_124 in 1 : vector<512x510xf32>, vector<512x2xf32> -> vector<512x512xf32>
    %slice3A_134 = vector.extract_strided_slice %max3A_122 {offsets = [0, 0], sizes = [512, 510], strides = [1, 1]} : vector<512x512xf32> to vector<512x510xf32>
    %concatenate3A_135 = tpu.concatenate %broadcast_in_dim3A_124, %slice3A_134 in 1 : vector<512x2xf32>, vector<512x510xf32> -> vector<512x512xf32>
    %max3A_136 = arith.maximumf %concatenate3A_133, %concatenate3A_135 : vector<512x512xf32>
    %max3A_137 = arith.maximumf %max3A_131, %max3A_136 : vector<512x512xf32>
    %max3A_138 = arith.maximumf %max3A_122, %max3A_137 : vector<512x512xf32>
    %gt3A_139 = arith.constant 0.000000e+00 : f32
    %gt3A_140 = vector.broadcast %gt3A_139 : f32 to vector<512x512xf32>
    %gt3A_141 = arith.cmpf ogt, %max3A_138, %gt3A_140 : vector<512x512xf32>
    %select_n3A_142 = arith.select %gt3A_141, %broadcast_in_dim3A_5, %get3A_4 : vector<512x512xi1>, vector<512x512xf32>
    %broadcast_in_dim3A_143 = arith.constant 0xFF800000 : f32
    %broadcast_in_dim3A_144 = vector.broadcast %broadcast_in_dim3A_143 : f32 to vector<2x512xf32>
    %slice3A_145 = vector.extract_strided_slice %select_n3A_142 {offsets = [1, 0], sizes = [511, 512], strides = [1, 1]} : vector<512x512xf32> to vector<511x512xf32>
    %slice3A_146 = vector.extract_strided_slice %broadcast_in_dim3A_144 {offsets = [0, 0], sizes = [1, 512], strides = [1, 1]} : vector<2x512xf32> to vector<1x512xf32>
    %concatenate3A_147 = tpu.concatenate %slice3A_145, %slice3A_146 in 0 : vector<511x512xf32>, vector<1x512xf32> -> vector<512x512xf32>
    %slice3A_148 = vector.extract_strided_slice %broadcast_in_dim3A_144 {offsets = [0, 0], sizes = [1, 512], strides = [1, 1]} : vector<2x512xf32> to vector<1x512xf32>
    %slice3A_149 = vector.extract_strided_slice %select_n3A_142 {offsets = [0, 0], sizes = [511, 512], strides = [1, 1]} : vector<512x512xf32> to vector<511x512xf32>
    %concatenate3A_150 = tpu.concatenate %slice3A_148, %slice3A_149 in 0 : vector<1x512xf32>, vector<511x512xf32> -> vector<512x512xf32>
    %max3A_151 = arith.maximumf %concatenate3A_147, %concatenate3A_150 : vector<512x512xf32>
    %slice3A_152 = vector.extract_strided_slice %select_n3A_142 {offsets = [2, 0], sizes = [510, 512], strides = [1, 1]} : vector<512x512xf32> to vector<510x512xf32>
    %concatenate3A_153 = tpu.concatenate %slice3A_152, %broadcast_in_dim3A_144 in 0 : vector<510x512xf32>, vector<2x512xf32> -> vector<512x512xf32>
    %slice3A_154 = vector.extract_strided_slice %select_n3A_142 {offsets = [0, 0], sizes = [510, 512], strides = [1, 1]} : vector<512x512xf32> to vector<510x512xf32>
    %concatenate3A_155 = tpu.concatenate %broadcast_in_dim3A_144, %slice3A_154 in 0 : vector<2x512xf32>, vector<510x512xf32> -> vector<512x512xf32>
    %max3A_156 = arith.maximumf %concatenate3A_153, %concatenate3A_155 : vector<512x512xf32>
    %max3A_157 = arith.maximumf %max3A_151, %max3A_156 : vector<512x512xf32>
    %max3A_158 = arith.maximumf %select_n3A_142, %max3A_157 : vector<512x512xf32>
    %broadcast_in_dim3A_159 = arith.constant 0xFF800000 : f32
    %broadcast_in_dim3A_160 = vector.broadcast %broadcast_in_dim3A_159 : f32 to vector<512x2xf32>
    %slice3A_161 = vector.extract_strided_slice %max3A_158 {offsets = [0, 1], sizes = [512, 511], strides = [1, 1]} : vector<512x512xf32> to vector<512x511xf32>
    %slice3A_162 = vector.extract_strided_slice %broadcast_in_dim3A_160 {offsets = [0, 0], sizes = [512, 1], strides = [1, 1]} : vector<512x2xf32> to vector<512x1xf32>
    %concatenate3A_163 = tpu.concatenate %slice3A_161, %slice3A_162 in 1 : vector<512x511xf32>, vector<512x1xf32> -> vector<512x512xf32>
    %slice3A_164 = vector.extract_strided_slice %broadcast_in_dim3A_160 {offsets = [0, 0], sizes = [512, 1], strides = [1, 1]} : vector<512x2xf32> to vector<512x1xf32>
    %slice3A_165 = vector.extract_strided_slice %max3A_158 {offsets = [0, 0], sizes = [512, 511], strides = [1, 1]} : vector<512x512xf32> to vector<512x511xf32>
    %concatenate3A_166 = tpu.concatenate %slice3A_164, %slice3A_165 in 1 : vector<512x1xf32>, vector<512x511xf32> -> vector<512x512xf32>
    %max3A_167 = arith.maximumf %concatenate3A_163, %concatenate3A_166 : vector<512x512xf32>
    %slice3A_168 = vector.extract_strided_slice %max3A_158 {offsets = [0, 2], sizes = [512, 510], strides = [1, 1]} : vector<512x512xf32> to vector<512x510xf32>
    %concatenate3A_169 = tpu.concatenate %slice3A_168, %broadcast_in_dim3A_160 in 1 : vector<512x510xf32>, vector<512x2xf32> -> vector<512x512xf32>
    %slice3A_170 = vector.extract_strided_slice %max3A_158 {offsets = [0, 0], sizes = [512, 510], strides = [1, 1]} : vector<512x512xf32> to vector<512x510xf32>
    %concatenate3A_171 = tpu.concatenate %broadcast_in_dim3A_160, %slice3A_170 in 1 : vector<512x2xf32>, vector<512x510xf32> -> vector<512x512xf32>
    %max3A_172 = arith.maximumf %concatenate3A_169, %concatenate3A_171 : vector<512x512xf32>
    %max3A_173 = arith.maximumf %max3A_167, %max3A_172 : vector<512x512xf32>
    %max3A_174 = arith.maximumf %max3A_158, %max3A_173 : vector<512x512xf32>
    %eq3A_175 = arith.cmpf oeq, %select_n3A_142, %max3A_174 : vector<512x512xf32>
    %not3A_176 = arith.constant dense<true> : vector<512x512xi1>
    %not3A_177 = arith.xori %gt3A_141, %not3A_176 : vector<512x512xi1>
    %and3A_178 = arith.andi %eq3A_175, %not3A_177 : vector<512x512xi1>
    %or3A_179 = arith.ori %or3A, %and3A_178 : vector<512x512xi1>
    %select_n3A_180 = arith.select %or3A_179, %get3A_4, %broadcast_in_dim3A_5 : vector<512x512xi1>, vector<512x512xf32>
    %iota3A = tpu.iota {dimensions = array<i32: 0>} : vector<512x512xi32>
    %iota3A_181 = tpu.iota {dimensions = array<i32: 1>} : vector<512x512xi32>
    %ge3A = arith.constant 2 : i32
    %ge3A_182 = vector.broadcast %ge3A : i32 to vector<512x512xi32>
    %ge3A_183 = arith.cmpi sge, %iota3A, %ge3A_182 : vector<512x512xi32>
    %lt3A = arith.constant 510 : i32
    %lt3A_184 = vector.broadcast %lt3A : i32 to vector<512x512xi32>
    %lt3A_185 = arith.cmpi slt, %iota3A, %lt3A_184 : vector<512x512xi32>
    %and3A_186 = arith.andi %ge3A_183, %lt3A_185 : vector<512x512xi1>
    %ge3A_187 = arith.constant 2 : i32
    %ge3A_188 = vector.broadcast %ge3A_187 : i32 to vector<512x512xi32>
    %ge3A_189 = arith.cmpi sge, %iota3A_181, %ge3A_188 : vector<512x512xi32>
    %and3A_190 = arith.andi %and3A_186, %ge3A_189 : vector<512x512xi1>
    %lt3A_191 = arith.constant 510 : i32
    %lt3A_192 = vector.broadcast %lt3A_191 : i32 to vector<512x512xi32>
    %lt3A_193 = arith.cmpi slt, %iota3A_181, %lt3A_192 : vector<512x512xi32>
    %and3A_194 = arith.andi %and3A_190, %lt3A_193 : vector<512x512xi1>
    %select_n3A_195 = arith.select %and3A_194, %select_n3A_180, %broadcast_in_dim3A_5 : vector<512x512xi1>, vector<512x512xf32>
    %swap3A = arith.constant 0 : index
    %swap3A_196 = arith.constant 0 : index
    %swap3A_197 = arith.constant 0 : index
    %swap3A_198 = vector.load %arg2[%swap3A, %swap3A_196, %swap3A_197] : memref<1x512x512xf32, #tpu.memory_space<vmem>>, vector<1x512x512xf32>
    %swap3A_199 = vector.shape_cast %swap3A_198 : vector<1x512x512xf32> to vector<512x512xf32>
    %swap3A_200 = vector.shape_cast %select_n3A_195 : vector<512x512xf32> to vector<1x512x512xf32>
    tpu.vector_store %arg2[%swap3A, %swap3A_196, %swap3A_197], %swap3A_200 {strides = array<i32>} : memref<1x512x512xf32, #tpu.memory_space<vmem>>, vector<1x512x512xf32>,
    return
  }
  func.func @transform_0(%arg0: i32) -> (i32, i32, i32, i32) {
    %c0_i32 = arith.constant 0 : i32
    %c0_i32_0 = arith.constant 0 : i32
    %c0_i32_1 = arith.constant 0 : i32
    %c0_i32_2 = arith.constant 0 : i32
    return %arg0, %c0_i32, %c0_i32_0, %c0_i32_1 : i32, i32, i32, i32
  }
  func.func @transform_1(%arg0: i32) -> (i32, i32, i32) {
    %c0_i32 = arith.constant 0 : i32
    %c0_i32_0 = arith.constant 0 : i32
    %c0_i32_1 = arith.constant 0 : i32
    return %arg0, %c0_i32, %c0_i32_0 : i32, i32, i32
  }
}

</mosaic_0001>

<sc_bundles>
// kernel: kernel.5.cloned.1.call-start
scs
__scs_entry_jumppad:
0x0: {  	(pc) =	sbr.rel $0x88, $3  }
0x1: {  	(tag) =	ssettag $0x0;
	lr =	simm.s32 $0x1  }
0x2: {  	[smem:$0x3FA0] =	sst lr;
	_ =	strace $0xD0000000  }
0x3: {  	_ = 	snop  }
0x4: {  	_ = 	snop  }
0x5: {  	_ = 	snop  }
0x6: {  	_ = 	snop  }
0x7: {  	_ = 	snop  }
__scs_overlays_trampoline_lowered:
0x8: {  	[smem:$0x3FAF] =	sst s0  }
0x9: {  	[smem:$0x3FB0] =	sst s1  }
0xa: {  	[smem:$0x3FB1] =	sst s2  }
0xb: {  	[smem:$0x3FB2] =	sst s3  }
0xc: {  	[smem:$0x3FB3] =	sst s4  }
0xd: {  	[smem:$0x3FB4] =	sst s5  }
0xe: {  	[smem:$0x3FB5] =	sst s6  }
0xf: {  	[smem:$0x3FB6] =	sst s7  }
0x10: {  	[smem:$0x3FB7] =	sst s8  }
0x11: {  	[smem:$0x3FB8] =	sst s9;
	s0 =	simm.s32 @!p0 $0x0  }
0x12: {  	s1 =	sld [smem:$0x3F9E];
	s0 =	simm.s32 @p0 $0x1  }
0x13: {  	[smem:$0x3FB9] =	sst s0;
	s0 =	simm.s32 @!p1 $0x0  }
0x14: {  	s2 =	sld [smem:$0x3F9D];
	s0 =	simm.s32 @p1 $0x1  }
0x15: {  	[smem:$0x3FBA] =	sst s0;
	s0 =	simm.s32 @!p2 $0x0  }
0x16: {  	s3 =	sld [smem:$0x3FDB];
	s0 =	simm.s32 @p2 $0x1  }
0x17: {  	s4 =	simm.s32 $0x1BF5;
	[smem:$0x3FBC] =	sst s0  }
0x18: {  	s0 =	sld [smem:$0x3F9F];
	_ =	swait.ge [sflag:s4], $0x0  }
0x19: {  	s7 =	sld [smem:$0x3FA0]  }
0x1a: {  	s8 =	sadd.s32 $0xFFFFE003, lr  }
0x1b: {  	s9 =	sadd.s32 $0xFFFFFEF7, lr;
	s5 =	simm.s32 $0xFFFFFFFF;
	p2 =	slt.u32 s8, $0xFFFFF086  }
0x1c: {  	p1 =	slt.u32 s9, $0xF7A;
	s5 =	simm.s32 @!p2 $0x0  }
0x1d: {  	s5 =	simm.s32 @p1 $0x1;
	p0 =	seq.s32 s7, s2  }
0x1e: {  	s7 =	smul.u32 @!p0 $0xF7A, s2;
	p2 =	seq.s32 @!p0 s5, $0x0  }
0x1f: {  	s9 =	smul.u32 $0xF7A, s1;
	s8 =	simm.s32 @!p0 $0x1BF5;
	p2 =	por !p2, p0  }
0x20: {  	[sflag:s8] =	ssyncset.s32 @!p0 $0xFFFFF086;
	s6 =	sadd.s32 @!p0 s3, s7;
	s7 =	simm.s32 @!p0 $0x108  }
0x21: {  	s3 =	sadd.s32 s3, s9;
	s6 =	sadd.s32 @!p0 $0x88, s6;
	s7 =	simm.s32 @p2 $0x1082  }
0x22: {  	[simem:s7], [sflag:s8] =	dma.local @!p0 [hbm:s6], $0xF7A  }
0x23: {  	s9 =	sor.u32 $0xD0000000, s2;
	s6 =	simm.s32 $0x108;
	_ =	swait.ge @!p0 [sflag:s8], $0x0  }
0x24: {  	s3 =	sadd.s32 $0x88, s3;
	s6 =	simm.s32 @!p1 $0x1082;
	[sflag:s4] =	ssyncset.s32 $0xFFFFF086  }
0x25: {  	[simem:s6], [sflag:s4] =	dma.local [hbm:s3], $0xF7A  }
0x26: {  	[smem:$0x3FA0] =	sst s1;
	(tag) =	ssettag s2;
	_ =	strace s9  }
0x27: {  	s1 =	sld [smem:$0x3FB0]  }
0x28: {  	s2 =	sld [smem:$0x3FB1]  }
0x29: {  	s4 =	sld [smem:$0x3FB3]  }
0x2a: {  	p0 =	seq.s32 s5, $0x0;
	s5 =	sld [smem:$0x3FB4]  }
0x2b: {  	s6 =	sld [smem:$0x3FB5]  }
0x2c: {  	s7 =	sld [smem:$0x3FB6]  }
0x2d: {  	s3 =	simm.s32 $0x108;
	s8 =	sld [smem:$0x3FB7]  }
0x2e: {  	s3 =	simm.s32 @!p0 $0x1082;
	s9 =	sld [smem:$0x3FB8]  }
0x2f: {  	lr =	sadd.s32 s0, s3;
	s0 =	sld [smem:$0x3FAF]  }
0x30: {  	s3 =	sld [smem:$0x3FB2]  }
0x31: {  	[smem:$0x3FBB] =	sst s10  }
0x32: {  	s10 =	sld [smem:$0x3FB9];
	_ =	sdelay $0x3  }
0x33: {  	p0 =	seq.s32 s10, $0x1;
	s10 =	sld [smem:$0x3FBB];
	_ =	sdelay $0x3  }
0x34: {  	[smem:$0x3FBB] =	sst s10  }
0x35: {  	s10 =	sld [smem:$0x3FBA];
	_ =	sdelay $0x3  }
0x36: {  	p1 =	seq.s32 s10, $0x1;
	s10 =	sld [smem:$0x3FBB];
	_ =	sdelay $0x3  }
0x37: {  	[smem:$0x3FBB] =	sst s10  }
0x38: {  	s10 =	sld [smem:$0x3FBC]  }
0x39: {  	_ = 	snop;
	(pc) =	sbr.ind lr, $3  }
0x3a: {  	_ = 	snop  }
0x3b: {  	_ = 	snop  }
0x3c: {  	p2 =	seq.s32 s10, $0x1;
	s10 =	sld [smem:$0x3FBB]  }
0x3d: {  	_ =	shalt  }
0x3e: {  	_ =	shalt  }
0x3f: {  	_ =	shalt  }
0x40: {  	_ =	shalt  }
0x41: {  	_ =	shalt  }
0x42: {  	_ =	shalt  }
0x43: {  	_ =	shalt  }
0x44: {  	_ =	shalt  }
0x45: {  	_ =	shalt  }
0x46: {  	_ =	shalt  }
0x47: {  	_ =	shalt  }
0x48: {  	_ =	shalt  }
0x49: {  	_ =	shalt  }
0x4a: {  	_ =	shalt  }
0x4b: {  	_ =	shalt  }
0x4c: {  	_ =	shalt  }
0x4d: {  	_ =	shalt  }
0x4e: {  	_ =	shalt  }
0x4f: {  	_ =	shalt  }
0x50: {  	_ =	shalt  }
0x51: {  	_ =	shalt  }
0x52: {  	_ =	shalt  }
0x53: {  	_ =	shalt  }
0x54: {  	_ =	shalt  }
0x55: {  	_ =	shalt  }
0x56: {  	_ =	shalt  }
0x57: {  	_ =	shalt  }
0x58: {  	_ =	shalt  }
0x59: {  	_ =	shalt  }
0x5a: {  	_ =	shalt  }
0x5b: {  	_ =	shalt  }
0x5c: {  	_ =	shalt  }
0x5d: {  	_ =	shalt  }
0x5e: {  	_ =	shalt  }
0x5f: {  	_ =	shalt  }
0x60: {  	_ =	shalt  }
0x61: {  	_ =	shalt  }
0x62: {  	_ =	shalt  }
0x63: {  	_ =	shalt  }
0x64: {  	_ =	shalt  }
0x65: {  	_ =	shalt  }
0x66: {  	_ =	shalt  }
0x67: {  	_ =	shalt  }
0x68: {  	_ =	shalt  }
0x69: {  	_ =	shalt  }
0x6a: {  	_ =	shalt  }
0x6b: {  	_ =	shalt  }
0x6c: {  	_ =	shalt  }
0x6d: {  	_ =	shalt  }
0x6e: {  	_ =	shalt  }
0x6f: {  	_ =	shalt  }
0x70: {  	_ =	shalt  }
0x71: {  	_ =	shalt  }
0x72: {  	_ =	shalt  }
0x73: {  	_ =	shalt  }
0x74: {  	_ =	shalt  }
0x75: {  	_ =	shalt  }
0x76: {  	_ =	shalt  }
0x77: {  	_ =	shalt  }
0x78: {  	_ =	shalt  }
0x79: {  	_ =	shalt  }
0x7a: {  	_ =	shalt  }
0x7b: {  	_ =	shalt  }
0x7c: {  	_ =	shalt  }
0x7d: {  	_ =	shalt  }
0x7e: {  	_ =	shalt  }
0x7f: {  	_ =	shalt  }
0x80: {  	_ =	shalt  }
0x81: {  	_ =	shalt  }
0x82: {  	_ =	shalt  }
0x83: {  	_ =	shalt  }
0x84: {  	_ =	shalt  }
0x85: {  	_ =	shalt  }
0x86: {  	_ =	shalt  }
0x87: {  	_ =	shalt  }
.Lfunc_end0:
.L_simem_size_0:
called_computation_lowered:
.L_overlay_start_0:
0x88: {  	s2 =	sld [smem:$0x3FD9]  }
0x89: {  	s3 =	sld [smem:$0x3FFE];
	_ =	sdelay $0x1  }
0x8a: {  	s1 =	srdreg.scid  }
0x8b: {  	s0 =	sand.u32 $0x1, s1  }
0x8c: {  	s16 =	sshll.u32 s0, $0xA;
	s2 =	sadd.s32 s3, s2  }
0x8d: {  	s2 =	sadd.s32 s2, s16  }
0x8e: {  	[smem:$0x3FC7] =	sst s2  }
0x8f: {  	_ = 	snop  }
0x90: {  	(tm) =	ssettm $0x1  }
0x91: {  	s17 =	sld [smem:$0x3FFB];
	_ =	sdelay $0x3  }
0x92: {  	_ =	strace s17  }
0x93: {  	s2 =	sld [smem:$0x3FFC];
	_ =	sdelay $0x3  }
0x94: {  	_ =	strace s2  }
0x95: {  	s2 =	sld [smem:$0x3FFD];
	_ =	sdelay $0x3  }
0x96: {  	_ =	strace s2  }
0x97: {  	_ =	strace $0x8FFFFFFF  }
0x98: {  	s18 =	sld [smem:$0x3FDB];
	_ =	sdelay $0x1  }
0x99: {  	s19 =	simm.s32 $_scs_section_size  }
0x9a: {  	s4 =	simm.s32 $_size__tile_overlayer_lowered;
	s5 =	simm.s32 $_tile_overlayer_lowered  }
0x9b: {  	s22 =	simm.s32 $0x1BFF;
	s21 =	sshll.u32 s5, $0x1;
	s2 =	sadd.s32 s19, s18  }
0x9c: {  	s6 =	simm.s32 $0x0;
	s20 =	sshll.u32 s4, $0x1;
	s4 =	sadd.s32 s21, s2  }
0x9d: {  	[timem:s6], [sflag:s22] =	dma.local [hbm:s4], s20  }
0x9e: {  	_ =	swait.ge [sflag:s22], s20  }
0x9f: {  	s3 =	ssub.s32 $0x0, s20;
	[sflag:s22] =	ssyncset.done $0x0  }
0xa0: {  	[sflag:s22] =	ssyncadd.s32 s3;
	_ =	sdelay $0x1  }
0xa1: {  	s23 =	simm.s32 $0x1B8B  }
0xa2: {  	_ =	swait.ge [sflag:s23], $0x1  }
0xa3: {  	[sflag:s23] =	ssyncset.done $0x0  }
0xa4: {  	s25 =	simm.s32 $0x1B8E;
	s24 =	sld [smem:$0x3FFE];
	[sflag:s23] =	ssyncadd.s32 $0xFFFFFFFF  }
0xa5: {  	s26 =	simm.s32 $execute0_lowered;
	[smem:$0x3FD2] =	sst s25  }
0xa6: {  	s4 =	sshll.u32 s26, $0x1;
	_ =	strace $0x80000046;
	[dreg:$0x1] =	wrdreg $0xFFFFFFFF  }
0xa7: {  	s28 =	simm.s32 $_size_execute0_lowered;
	s2 =	sadd.s32 s2, s4;
	[dreg:$0x0] =	wrdreg $0x0  }
0xa8: {  	s4 =	sshll.u32 s28, $0x1;
	[dreg:$0x2] =	wrdreg s2  }
0xa9: {  	[dreg:$0x3] =	wrdreg s4  }
0xaa: {  	[dreg:$0x4] =	wrdreg $0xC0  }
0xab: {  	_ =	task [dreg:s6], $0x5FFFF  }
0xac: {  	[dreg:$0x1] =	wrdreg $0xFFFFFFFF  }
0xad: {  	[dreg:$0x0] =	wrdreg $0x60  }
0xae: {  	[dreg:$0x2] =	wrdreg s24  }
0xaf: {  	[dreg:$0x3] =	wrdreg $0xA2000  }
0xb0: {  	[dreg:$0x4] =	wrdreg $0x9  }
0xb1: {  	_ =	task.clear_ibuf [dreg:s6], $0x5FFFF;
	_ =	strace $0x90000046  }
0xb2: {  	s29 =	simm.s32 $0x9;
	_ =	strace $0x80000048  }
0xb3: {  	_ =	swait.ge [sflag:s29], $0x1  }
0xb4: {  	[sflag:s29] =	ssyncadd.s32 $0xFFFFFFFF  }
0xb5: {  	_ =	strace $0x90000048  }
0xb6: {  	_ =	sfence  }
0xb7: {  	s30 =	sld [smem:$0x0];
	_ =	sdelay $0x2  }
0xb8: {  	s31 =	sshll.u32 s1, $0xD;
	s1 =	sshrl.u32 s1, $0x2  }
0xb9: {  	s3 =	sand.u32 $0x4000, s31;
	s1 =	sadd.s32 s1, s30  }
0xba: {  	s0 =	sor.u32 s3, s0;
	s1 =	sshll.u32 s1, $0x11  }
0xbb: {  	s0 =	sor.u32 s1, s0  }
0xbc: {  	s0 =	sadd.s32 $0x8F2B, s0  }
0xbd: {  	[sflag:s0] =	ssyncadd.remote.s32 $0x1  }
0xbe: {  	_ =	sfence.sel $0xFFFF  }
0xbf: {  	[dreg:$0x0] =	wrdreg $0xFFFFFFFF;
	(pc) =	sbr.abs _section_cstart, $3  }
0xc0: {  	[dreg:$0x1] =	wrdreg $0xFFFFFFFF  }
0xc1: {  	_ =	task.clear_ibuf [dreg:s6], $0x2FFFF;
	_ =	strace $0x9FFFFFFF  }
0xc2: {  	(tm) =	ssettm $0x7FFFFFFF  }
0xc3: {  	_ =	shalt  }
tec
execute0_lowered:
.L_overlay_start_1:
0x0: {  	(tag) =	ssettag $0x1  }
0x1: {  	s1 =	rddreg [dreg:$0x0]  }
0x2: {  	s9 =	rddreg [dreg:$0x1];
	s2 =	simm.s32 $0x0;
	s5 =	srdreg.scid  }
0x3: {  	s3 =	stileid.u32;
	s16 =	simm.s32 $0xA210;
	s18 =	simm.s32 $0x0  }
0x4: {  	[smem:$0x7FF] =	sst s2;
	s4 =	sadd.s32 $0x40000, s1;
	s14 =	sand.u32 $0x1, s5  }
0x5: {  	s5 =	sadd.s32 $0x48000, s1;
	s15 =	sshrl.u32 s3, $0x2;
	s17 =	sand.u32 $0x3, s3  }
0x6: {  	s30 =	sshll.u32 s3, $0x4;
	_ =	strace $0x80000047;
	s6 =	ssub.s32 $0x2, s14  }
0x7: {  	s8 =	sshll.u32 s15, $0x12;
	s10 =	sshll.u32 s14, $0x14;
	s31 =	sshll.u32 s15, $0x6  }
0x8: {  	s14 =	sshll.u32 s14, $0x11;
	s15 =	sshll.u32 s15, $0xF;
	p0 =	seq.s32 s17, $0x3  }
0x9: {  	p1 =	sgt.u32 s17, $0x1;
	p2 =	seq.s32 s17, $0x0;
	p3 =	sne.s32 s17, $0x3  }
.Ltmp0:
0xa: {  	s7 =	sshrl.u32 s6, $0x1;
	s29 =	sor.u32 s8, s10;
	(pc) =	sbr.rel .LBB2_1-.Ltmp0, $4  }
0xb: {  	s8 =	sadd.s32 s30, s9;
	s9 =	sadd.s32 s31, s9;
	s14 =	sor.u32 s15, s14  }
0xc: {  	s15 =	simm.s32 $0x1;
	s13 =	ssub.s32 s6, s7;
	s6 =	sshll.u32 s17, $0x10  }
0xd: {  	s10 =	sadd.s32 $0x10, s9;
	s11 =	sadd.s32 $0x20, s9;
	s12 =	sadd.s32 $0x30, s9  }
0xe: {  	vm0 =	vmxor vm0, vm0;
	v0 =	vlaneseq.u32;
	v1 =	vimm.f32 $0.0e+00;
	s17 =	simm.s32 $0xA220;
	s7 =	sor.u32 s6, s29;
	s13 =	smax.u32 s13, $0x1  }
.LBB2_13:
0xf: {  	[sflag:s15] =	ssyncset.done $0x0  }
0x10: {  	[sflag:s15] =	ssyncadd.s32 $0xFFFFFF00  }
.LBB2_14:
0x11: {  	s18 =	sadd.s32 $0x1, s18  }
0x12: {  	p4 =	sne.s32 s18, s13  }
.Ltmp1:
0x13: {  	_ = 	snop;
	(pc) =	sbr.rel @!p4 .LBB2_15-.Ltmp1, $1  }
0x14: {  	_ =	sdelay $0x3  }
.LBB2_1:
0x15: {  	s20 =	smov.u32 s6;
	s19 =	simm.s32 $0x0;
	s21 =	simm.s32 $0x0  }
.LBB2_2:
0x16: {  	s22 =	sshll.u32 s21, $0xD  }
0x17: {  	s22 =	sadd.s32 s7, s22  }
0x18: {  	s22 =	sshrl.u32 s22, $0x3  }
0x19: {  	s23 =	simm.s32 $0x0;
	s22 =	sadd.s32 s1, s22  }
0x1a: {  	[tilespmem:s23], [sflag:$0x1] =	stream.linear.gather [hbm4b:s22+s23], $0x2000, $0x38;
	[tilespmem:$0xA320] =	vst v63  }
0x1b: {  	_ =	swait.ge [sflag:s15], $0x2000  }
0x1c: {  	[sflag:s15] =	ssyncset.done $0x0  }
0x1d: {  	s30 =	simm.s32 $0x0;
	[sflag:s15] =	ssyncadd.s32 $0xFFFFE000  }
0x1e: {  	v2 =	vld [tilespmem:s30+$0x0];
	_ =	sdelay $0x3  }
0x1f: {  	p4 =	slt.s32 s19, $0x3FF0;
	vm1 =	vmmov vm0  }
0x20: {  	vm1 =	vmneg @p4 vm1;
	vm2 =	vgt.f32 v2, $0.0e+00  }
0x21: {  	vm1 =	vmand vm1, vm2  }
0x22: {  	v3 =	vmpcnt.ones.xlane vm1;
	_ =	sdelay $0x1  }
0x23: {  	(v2sf) =	vpush v3, $0x0;
	_ =	sdelay $0xb  }
0x24: {  	[tilespmem:s19+$0x2000] =	vst.msk vm1, v2;
	v3 =	vor.u32 s20, v0  }
0x25: {  	s31 =	simm.s32 $0x10;
	[tilespmem:s19+$0x6100] =	vst.msk vm1, v3  }
0x26: {  	v2 =	vld [tilespmem:s31+$0x0]  }
0x27: {  	s23 =	simm.s32 $0x80;
	s22 =	smov.u32 s20;
	s24 =	spop (v2sf)  }
.LBB2_3:
0x28: {  	s19 =	sadd.s32 s19, s24  }
0x29: {  	s22 =	sadd.s32 $0x10, s22;
	s24 =	smov.u32 s23;
	s25 =	sadd.s32 $0x40, s23  }
0x2a: {  	p4 =	sne.s32 s23, $0x7FC0;
	vm2 =	vmmov vm0;
	p5 =	slt.s32 s19, $0x3FF0  }
0x2b: {  	vm1 =	vgt.f32 v2, $0.0e+00;
	vm2 =	vmneg @p5 vm2  }
0x2c: {  	vm1 =	vmand vm2, vm1  }
0x2d: {  	v3 =	vor.u32 s22, v0;
	[tilespmem:s19+$0x2000] =	vst.msk vm1, v2;
	v2 =	vmpcnt.ones.xlane vm1  }
0x2e: {  	[tilespmem:s19+$0x6100] =	vst.msk vm1, v3  }
0x2f: {  	(v2sf) =	vpush v2, $0x0;
	_ =	sdelay $0xa  }
.Ltmp2:
0x30: {  	(pc) =	sbr.rel @p4 .LBB2_3-.Ltmp2, $3  }
0x31: {  	s23 =	sshra.s32 s24, $0x2  }
0x32: {  	v2 =	vld [tilespmem:s23+$0x0];
	_ =	sdelay $0x1  }
0x33: {  	s23 =	smov.u32 s25;
	s24 =	spop (v2sf)  }
0x34: {  	s19 =	sadd.s32 s19, s24  }
0x35: {  	vm1 =	vmmov vm0;
	p4 =	slt.s32 s19, $0x3FF0  }
0x36: {  	vm2 =	vgt.f32 v2, $0.0e+00;
	vm1 =	vmneg @p4 vm1  }
0x37: {  	vm1 =	vmand vm1, vm2  }
0x38: {  	v3 =	vmpcnt.ones.xlane vm1;
	_ =	sdelay $0x1  }
0x39: {  	(v2sf) =	vpush v3, $0x0;
	_ =	sdelay $0x9  }
0x3a: {  	s21 =	sadd.s32 $0x1, s21  }
0x3b: {  	p4 =	sne.s32 s21, $0x8  }
.Ltmp3:
0x3c: {  	_ = 	snop;
	(pc) =	sbr.rel @p4 .LBB2_2-.Ltmp3, $4  }
0x3d: {  	_ = 	snop  }
0x3e: {  	s22 =	sadd.s32 $0x10, s22  }
0x3f: {  	[tilespmem:s19+$0x2000] =	vst.msk vm1, v2;
	v3 =	vor.u32 s22, v0;
	s31 =	spop (v2sf)  }
0x40: {  	s20 =	sadd.s32 $0x2000, s20;
	[tilespmem:s19+$0x6100] =	vst.msk vm1, v3;
	s19 =	sadd.s32 s19, s31  }
0x41: {  	[tilespmem:s19+$0x2000] =	vst v1  }
0x42: {  	[tilespmem:$0xA220] =	vst v1  }
0x43: {  	[tilespmem:s19+$0x2010] =	vst v1  }
0x44: {  	[tilespmem:$0xA230] =	vst v1  }
0x45: {  	[tilespmem:s19+$0x2020] =	vst v1  }
0x46: {  	[tilespmem:$0xA240] =	vst v1  }
0x47: {  	[tilespmem:s19+$0x2030] =	vst v1  }
0x48: {  	[tilespmem:$0xA250] =	vst v1  }
0x49: {  	[tilespmem:s19+$0x2040] =	vst v1  }
0x4a: {  	[tilespmem:$0xA260] =	vst v1  }
0x4b: {  	[tilespmem:s19+$0x2050] =	vst v1  }
0x4c: {  	[tilespmem:$0xA270] =	vst v1  }
0x4d: {  	[tilespmem:s19+$0x2060] =	vst v1  }
0x4e: {  	[tilespmem:$0xA280] =	vst v1  }
0x4f: {  	[tilespmem:s19+$0x2070] =	vst v1  }
0x50: {  	[tilespmem:$0xA290] =	vst v1  }
0x51: {  	[tilespmem:s19+$0x2080] =	vst v1  }
0x52: {  	[tilespmem:$0xA2A0] =	vst v1  }
0x53: {  	[tilespmem:s19+$0x2090] =	vst v1  }
0x54: {  	[tilespmem:$0xA2B0] =	vst v1  }
0x55: {  	[tilespmem:s19+$0x20A0] =	vst v1  }
0x56: {  	[tilespmem:$0xA2C0] =	vst v1  }
0x57: {  	[tilespmem:s19+$0x20B0] =	vst v1  }
0x58: {  	[tilespmem:$0xA2D0] =	vst v1  }
0x59: {  	[tilespmem:s19+$0x20C0] =	vst v1  }
0x5a: {  	[tilespmem:$0xA2E0] =	vst v1  }
0x5b: {  	[tilespmem:s19+$0x20D0] =	vst v1  }
0x5c: {  	[tilespmem:$0xA2F0] =	vst v1  }
0x5d: {  	[tilespmem:s19+$0x20E0] =	vst v1  }
0x5e: {  	s20 =	sadd.s32 $0xFF, s19;
	[tilespmem:$0xA300] =	vst v1  }
0x5f: {  	s25 =	sand.u32 $0xFFFFFF00, s20;
	[tilespmem:s19+$0x20F0] =	vst v1  }
0x60: {  	v2 =	vmov s25;
	[tilespmem:$0xA310] =	vst v1  }
0x61: {  	[tilespmem:$0xA210] =	vst v2  }
0x62: {  	[spmem:s8] =	stream.linear.scatter [tilespmem:s16], [sflag:$0x1], $0x10, $0x38;
	[tilespmem:$0xA320] =	vst v63  }
0x63: {  	_ =	swait.ge [sflag:s15], $0x10  }
0x64: {  	[sflag:s15] =	ssyncset.done $0x0  }
0x65: {  	[sflag:s15] =	ssyncadd.s32 $0xFFFFFFF0  }
0x66: {  	[bflag:$0x0] =	sbarrier.arrive $0xFFFF  }
0x67: {  	[tilespmem:s16], [sflag:$0x1] =	stream.linear.gather [spmem:s9], $0x10, $0x38;
	[tilespmem:$0xA320] =	vst v63  }
0x68: {  	_ =	swait.ge [sflag:s15], $0x10  }
0x69: {  	[sflag:s15] =	ssyncset.done $0x0  }
0x6a: {  	[sflag:s15] =	ssyncadd.s32 $0xFFFFFFF0  }
0x6b: {  	v2 =	vld [tilespmem:$0xA210];
	_ =	sdelay $0x4  }
0x6c: {  	v2 =	vxor.u32 $0x80000000, v2  }
0x6d: {  	(xrf0) =	vmax.scan.msk.u32 $0xffff, v2;
	_ =	sdelay $0x5  }
0x6e: {  	v2, _, _ =	vpop (xrf0)  }
0x6f: {  	(v2sf) =	vpush v2, $0xF;
	_ =	sdelay $0xd  }
0x70: {  	[tilespmem:s16], [sflag:$0x1] =	stream.linear.gather [spmem:s10], $0x10, $0x38;
	[tilespmem:$0xA320] =	vst v63  }
0x71: {  	s19 =	spop (v2sf)  }
0x72: {  	_ =	swait.ge [sflag:s15], $0x10  }
0x73: {  	[sflag:s15] =	ssyncset.done $0x0  }
0x74: {  	[sflag:s15] =	ssyncadd.s32 $0xFFFFFFF0  }
0x75: {  	v2 =	vld [tilespmem:$0xA210];
	_ =	sdelay $0x4  }
0x76: {  	v2 =	vxor.u32 $0x80000000, v2  }
0x77: {  	(xrf0) =	vmax.scan.msk.u32 $0xffff, v2;
	_ =	sdelay $0x5  }
0x78: {  	v2, _, _ =	vpop (xrf0)  }
0x79: {  	(v2sf) =	vpush v2, $0xF;
	_ =	sdelay $0xd  }
0x7a: {  	[tilespmem:s16], [sflag:$0x1] =	stream.linear.gather [spmem:s11], $0x10, $0x38;
	[tilespmem:$0xA320] =	vst v63  }
0x7b: {  	s20 =	spop (v2sf)  }
0x7c: {  	_ =	swait.ge [sflag:s15], $0x10  }
0x7d: {  	[sflag:s15] =	ssyncset.done $0x0  }
0x7e: {  	[sflag:s15] =	ssyncadd.s32 $0xFFFFFFF0  }
0x7f: {  	v2 =	vld [tilespmem:$0xA210];
	_ =	sdelay $0x4  }
0x80: {  	v2 =	vxor.u32 $0x80000000, v2  }
0x81: {  	(xrf0) =	vmax.scan.msk.u32 $0xffff, v2;
	_ =	sdelay $0x5  }
0x82: {  	v2, _, _ =	vpop (xrf0)  }
0x83: {  	(v2sf) =	vpush v2, $0xF;
	_ =	sdelay $0xd  }
0x84: {  	[tilespmem:s16], [sflag:$0x1] =	stream.linear.gather [spmem:s12], $0x10, $0x38;
	[tilespmem:$0xA320] =	vst v63  }
0x85: {  	s21 =	spop (v2sf)  }
0x86: {  	_ =	swait.ge [sflag:s15], $0x10  }
0x87: {  	[sflag:s15] =	ssyncset.done $0x0  }
0x88: {  	[sflag:s15] =	ssyncadd.s32 $0xFFFFFFF0  }
0x89: {  	v2 =	vld [tilespmem:$0xA210];
	_ =	sdelay $0x4  }
0x8a: {  	v2 =	vxor.u32 $0x80000000, v2  }
0x8b: {  	(xrf0) =	vmax.scan.msk.u32 $0xffff, v2;
	_ =	sdelay $0x5  }
0x8c: {  	v2, _, _ =	vpop (xrf0)  }
0x8d: {  	s22 =	sxor.u32 $0x80000000, s19;
	s23 =	sxor.u32 $0x80000000, s20;
	(v2sf) =	vpush v2, $0xF  }
0x8e: {  	s26 =	smov.u32 s22;
	s28 =	smov.u32 s23;
	s24 =	sxor.u32 $0x80000000, s21  }
0x8f: {  	s26 =	simm.s32 @p2 $0x0;
	s28 =	simm.s32 @!p1 $0x0;
	s29 =	smov.u32 s24  }
0x90: {  	s30 =	sadd.s32 s26, s28;
	s29 =	simm.s32 @!p0 $0x0  }
0x91: {  	s30 =	sadd.s32 s29, s30  }
0x92: {  	s30 =	ssub.s32 $0x8000, s30  }
0x93: {  	p4 =	sgt.s32 s30, $0x0  }
0x94: {  	s30 =	simm.s32 @!p4 $0x0  }
0x95: {  	p4 =	slt.s32 s25, s30  }
0x96: {  	s30 =	smov.u32 @p4 s25  }
0x97: {  	p4 =	seq.s32 s30, $0x0  }
.Ltmp4:
0x98: {  	_ = 	snop;
	(pc) =	sbr.rel @p4 .LBB2_10-.Ltmp4, $2  }
0x99: {  	_ =	sdelay $0x2  }
0x9a: {  	s25 =	spop (v2sf)  }
0x9b: {  	s30 =	sshrl.u32 s30, $0x8  }
0x9c: {  	s30 =	ssub.s32 $0x0, s30  }
0x9d: {  	s30 =	sadd.s32 $0x1, s30  }
0x9e: {  	p5 =	seq.s32 s30, $0x0  }
.Ltmp5:
0x9f: {  	_ = 	snop;
	(pc) =	sbr.rel @p5 .LBB2_9-.Ltmp5, $4  }
0xa0: {  	s28 =	sadd.s32 s28, s14  }
0xa1: {  	s28 =	sadd.s32 s29, s28  }
0xa2: {  	p4 =	por $0x0, $0x0;
	s31 =	sadd.s32 s26, s28  }
0xa3: {  	s29 =	simm.s32 $0x2000;
	s26 =	simm.s32 $0x6100;
	s28 =	sshrl.u32 s31, $0x3  }
0xa4: {  	s0 =	sadd.s32 s4, s28;
	s30 =	sadd.s32 $0x1, s30  }
0xa5: {  	[hbm4b:s0+s2] =	stream.linear.scatter [tilespmem:s29], [sflag:$0x1], $0x100, $0x38;
	[tilespmem:$0xA320] =	vst v63  }
0xa6: {  	p5 =	seq.s32 s30, $0x0;
	_ =	swait.ge [sflag:s15], $0x100  }
.Ltmp6:
0xa7: {  	[sflag:s15] =	ssyncset.done $0x0;
	(pc) =	sbr.rel @p5 .LBB2_9-.Ltmp6, $4  }
0xa8: {  	s31 =	sadd.s32 $0x100, s31;
	s0 =	sadd.s32 s5, s28;
	[sflag:s15] =	ssyncadd.s32 $0xFFFFFF00  }
0xa9: {  	[hbm4b:s0+s2] =	stream.linear.scatter [tilespmem:s26], [sflag:$0x1], $0x100, $0x38;
	[tilespmem:$0xA320] =	vst v63  }
0xaa: {  	p4 =	por $0x1, $0x1;
	s28 =	sshrl.u32 s31, $0x3;
	_ =	swait.ge [sflag:s15], $0x100  }
0xab: {  	s29 =	simm.s32 $0x2100;
	s26 =	simm.s32 $0x6200;
	[sflag:s15] =	ssyncset.done $0x0  }
.LBB2_8:
0xac: {  	s30 =	sadd.s32 $0x1, s30;
	s0 =	sadd.s32 s4, s28;
	[sflag:s15] =	ssyncadd.s32 $0xFFFFFF00  }
0xad: {  	[hbm4b:s0+s2] =	stream.linear.scatter [tilespmem:s29], [sflag:$0x1], $0x100, $0x38;
	[tilespmem:$0xA320] =	vst v63  }
0xae: {  	p5 =	seq.s32 s30, $0x0;
	_ =	swait.ge [sflag:s15], $0x100  }
.Ltmp7:
0xaf: {  	[sflag:s15] =	ssyncset.done $0x0;
	(pc) =	sbr.rel @!p5 .LBB2_8-.Ltmp7, $4  }
0xb0: {  	s0 =	sadd.s32 s5, s28;
	[sflag:s15] =	ssyncadd.s32 $0xFFFFFF00  }
0xb1: {  	[hbm4b:s0+s2] =	stream.linear.scatter [tilespmem:s26], [sflag:$0x1], $0x100, $0x38;
	[tilespmem:$0xA320] =	vst v63  }
0xb2: {  	s31 =	sadd.s32 $0x100, s31;
	s26 =	sadd.s32 $0x100, s26;
	_ =	swait.ge [sflag:s15], $0x100  }
0xb3: {  	s28 =	sshrl.u32 s31, $0x3;
	s29 =	sadd.s32 $0x100, s29;
	[sflag:s15] =	ssyncset.done $0x0  }
.LBB2_9:
0xb4: {  	s0 =	sadd.s32 s4, s28;
	[sflag:s15] =	ssyncadd.s32 @p4 $0xFFFFFF00  }
0xb5: {  	[hbm4b:s0+s2] =	stream.linear.scatter [tilespmem:s29], [sflag:$0x1], $0x100, $0x38;
	[tilespmem:$0xA320] =	vst v63  }
0xb6: {  	_ =	swait.ge [sflag:s15], $0x100  }
0xb7: {  	[sflag:s15] =	ssyncset.done $0x0  }
0xb8: {  	s31 =	sadd.s32 s5, s28;
	[sflag:s15] =	ssyncadd.s32 $0xFFFFFF00  }
0xb9: {  	[hbm4b:s31+s2] =	stream.linear.scatter [tilespmem:s26], [sflag:$0x1], $0x100, $0x38;
	[tilespmem:$0xA320] =	vst v63  }
0xba: {  	_ =	swait.ge [sflag:s15], $0x100  }
0xbb: {  	[sflag:s15] =	ssyncset.done $0x0  }
0xbc: {  	[sflag:s15] =	ssyncadd.s32 $0xFFFFFF00  }
.LBB2_10:
0xbd: {  	s0 =	sadd.s32 s22, s23  }
0xbe: {  	s0 =	sadd.s32 s24, s0  }
0xbf: {  	s0 =	sadd.s32 s25, s0  }
0xc0: {  	s22 =	sadd.s32 $0x80000000, s0  }
0xc1: {  	p4 =	seq.s32 @!p3 s22, $0x8000  }
0xc2: {  	p4 =	por p3, p4  }
.Ltmp8:
0xc3: {  	_ = 	snop;
	(pc) =	sbr.rel @p4 .LBB2_14-.Ltmp8, $1  }
0xc4: {  	_ =	sdelay $0x3  }
0xc5: {  	s0 =	sadd.s32 s19, s14;
	s31 =	ssub.s32 $0x8000, s22  }
0xc6: {  	s0 =	sadd.s32 s21, s0;
	s19 =	sshrl.u32 s31, $0x8  }
0xc7: {  	s0 =	sadd.s32 s25, s0;
	p4 =	sne.s32 s19, $0x1  }
.Ltmp9:
0xc8: {  	s0 =	sadd.s32 s20, s0;
	(pc) =	sbr.rel @!p4 .LBB2_13-.Ltmp9, $4  }
0xc9: {  	s20 =	sshrl.u32 s0, $0x3  }
0xca: {  	s20 =	sadd.s32 s4, s20  }
0xcb: {  	[hbm4b:s20+s2] =	stream.linear.scatter [tilespmem:s17], [sflag:$0x1], $0x100, $0x38;
	[tilespmem:$0xA320] =	vst v63  }
0xcc: {  	s19 =	sadd.s32 $0xFFFFFFFF, s19;
	s20 =	sadd.s32 $0x100, s0;
	_ =	swait.ge [sflag:s15], $0x100  }
.LBB2_12:
0xcd: {  	s0 =	sshrl.u32 s20, $0x3;
	[sflag:s15] =	ssyncset.done $0x0;
	p4 =	sne.s32 s19, $0x1  }
.Ltmp10:
0xce: {  	s0 =	sadd.s32 s4, s0;
	[sflag:s15] =	ssyncadd.s32 $0xFFFFFF00;
	(pc) =	sbr.rel @p4 .LBB2_12-.Ltmp10, $3  }
0xcf: {  	[hbm4b:s0+s2] =	stream.linear.scatter [tilespmem:s17], [sflag:$0x1], $0x100, $0x38;
	[tilespmem:$0xA320] =	vst v63  }
0xd0: {  	s19 =	sadd.s32 $0xFFFFFFFF, s19;
	_ =	sdelay $0x1  }
0xd1: {  	s20 =	sadd.s32 $0x100, s20;
	_ =	swait.ge [sflag:s15], $0x100  }
.Ltmp11:
0xd2: {  	_ = 	snop;
	(pc) =	sbr.rel .LBB2_13-.Ltmp11, $1  }
0xd3: {  	_ =	sdelay $0x3  }
.LBB2_15:
0xd4: {  	_ =	sfence.sel $0x180000  }
0xd5: {  	[bflag:$0x0] =	sbarrier.arrive $0xFFFF  }
0xd6: {  	_ =	strace $0x90000047  }
0xd7: {  	[bflag:$0x2] =	sbarrier.arrive $0xFFFF  }
0xd8: {  	p0 =	sne.s32 s3, $0x0;
	s0 =	rddreg [dreg:$0x2]  }
0xd9: {  	s0 =	sadd.s32 @!p0 $0x100000, s0  }
0xda: {  	[sflag:s0] =	ssyncadd.tile.s32 @!p0 $0x1;
	_ =	shalt  }
.Lfunc_end2:
_tile_overlayer_lowered:
.L_overlay_start_2:
0xdb: {  	(tag) =	ssettag $0x2  }
0xdc: {  	s0 =	rddreg [dreg:$0x0];
	s2 =	stileid.u32  }
0xdd: {  	s1 =	rddreg [dreg:$0x1];
	p0 =	sne.s32 s2, $0x0  }
0xde: {  	s3 =	rddreg [dreg:$0x2];
	[bflag:$0x3] =	sbarrier.arrive $0xFFFF;
	s2 =	simm.s32 @!p0 $0x1C01  }
0xdf: {  	[timem:s3], [sflag:s2] =	dma.local @!p0 [hbm:s0], s1  }
0xe0: {  	s0 =	simm.s32 @!p0 $0x1  }
0xe1: {  	_ =	swait.ge @!p0 [sflag:s0], s1  }
0xe2: {  	s1 =	ssub.s32 @!p0 $0x0, s1;
	[sflag:s0] =	ssyncset.done @!p0 $0x0  }
0xe3: {  	[sflag:s0] =	ssyncadd.s32 @!p0 s1  }
0xe4: {  	[bflag:$0x3] =	sbarrier.arrive $0xFFFF  }
0xe5: {  	_ =	shalt  }

// kernel: kernel.8.cloned.1.call-start
scs
__scs_entry_jumppad:
0x0: {  	(pc) =	sbr.rel $0x88, $3  }
0x1: {  	(tag) =	ssettag $0x0;
	lr =	simm.s32 $0x1  }
0x2: {  	[smem:$0x3FA0] =	sst lr;
	_ =	strace $0xD0000000  }
0x3: {  	_ = 	snop  }
0x4: {  	_ = 	snop  }
0x5: {  	_ = 	snop  }
0x6: {  	_ = 	snop  }
0x7: {  	_ = 	snop  }
__scs_overlays_trampoline_lowered:
0x8: {  	[smem:$0x3FAF] =	sst s0  }
0x9: {  	[smem:$0x3FB0] =	sst s1  }
0xa: {  	[smem:$0x3FB1] =	sst s2  }
0xb: {  	[smem:$0x3FB2] =	sst s3  }
0xc: {  	[smem:$0x3FB3] =	sst s4  }
0xd: {  	[smem:$0x3FB4] =	sst s5  }
0xe: {  	[smem:$0x3FB5] =	sst s6  }
0xf: {  	[smem:$0x3FB6] =	sst s7  }
0x10: {  	[smem:$0x3FB7] =	sst s8  }
0x11: {  	[smem:$0x3FB8] =	sst s9;
	s0 =	simm.s32 @!p0 $0x0  }
0x12: {  	s1 =	sld [smem:$0x3F9E];
	s0 =	simm.s32 @p0 $0x1  }
0x13: {  	[smem:$0x3FB9] =	sst s0;
	s0 =	simm.s32 @!p1 $0x0  }
0x14: {  	s2 =	sld [smem:$0x3F9D];
	s0 =	simm.s32 @p1 $0x1  }
0x15: {  	[smem:$0x3FBA] =	sst s0;
	s0 =	simm.s32 @!p2 $0x0  }
0x16: {  	s3 =	sld [smem:$0x3FDB];
	s0 =	simm.s32 @p2 $0x1  }
0x17: {  	s4 =	simm.s32 $0x1BF5;
	[smem:$0x3FBC] =	sst s0  }
0x18: {  	s0 =	sld [smem:$0x3F9F];
	_ =	swait.ge [sflag:s4], $0x0  }
0x19: {  	s7 =	sld [smem:$0x3FA0]  }
0x1a: {  	s8 =	sadd.s32 $0xFFFFE003, lr  }
0x1b: {  	s9 =	sadd.s32 $0xFFFFFEF7, lr;
	s5 =	simm.s32 $0xFFFFFFFF;
	p2 =	slt.u32 s8, $0xFFFFF086  }
0x1c: {  	p1 =	slt.u32 s9, $0xF7A;
	s5 =	simm.s32 @!p2 $0x0  }
0x1d: {  	s5 =	simm.s32 @p1 $0x1;
	p0 =	seq.s32 s7, s2  }
0x1e: {  	s7 =	smul.u32 @!p0 $0xF7A, s2;
	p2 =	seq.s32 @!p0 s5, $0x0  }
0x1f: {  	s9 =	smul.u32 $0xF7A, s1;
	s8 =	simm.s32 @!p0 $0x1BF5;
	p2 =	por !p2, p0  }
0x20: {  	[sflag:s8] =	ssyncset.s32 @!p0 $0xFFFFF086;
	s6 =	sadd.s32 @!p0 s3, s7;
	s7 =	simm.s32 @!p0 $0x108  }
0x21: {  	s3 =	sadd.s32 s3, s9;
	s6 =	sadd.s32 @!p0 $0x88, s6;
	s7 =	simm.s32 @p2 $0x1082  }
0x22: {  	[simem:s7], [sflag:s8] =	dma.local @!p0 [hbm:s6], $0xF7A  }
0x23: {  	s9 =	sor.u32 $0xD0000000, s2;
	s6 =	simm.s32 $0x108;
	_ =	swait.ge @!p0 [sflag:s8], $0x0  }
0x24: {  	s3 =	sadd.s32 $0x88, s3;
	s6 =	simm.s32 @!p1 $0x1082;
	[sflag:s4] =	ssyncset.s32 $0xFFFFF086  }
0x25: {  	[simem:s6], [sflag:s4] =	dma.local [hbm:s3], $0xF7A  }
0x26: {  	[smem:$0x3FA0] =	sst s1;
	(tag) =	ssettag s2;
	_ =	strace s9  }
0x27: {  	s1 =	sld [smem:$0x3FB0]  }
0x28: {  	s2 =	sld [smem:$0x3FB1]  }
0x29: {  	s4 =	sld [smem:$0x3FB3]  }
0x2a: {  	p0 =	seq.s32 s5, $0x0;
	s5 =	sld [smem:$0x3FB4]  }
0x2b: {  	s6 =	sld [smem:$0x3FB5]  }
0x2c: {  	s7 =	sld [smem:$0x3FB6]  }
0x2d: {  	s3 =	simm.s32 $0x108;
	s8 =	sld [smem:$0x3FB7]  }
0x2e: {  	s3 =	simm.s32 @!p0 $0x1082;
	s9 =	sld [smem:$0x3FB8]  }
0x2f: {  	lr =	sadd.s32 s0, s3;
	s0 =	sld [smem:$0x3FAF]  }
0x30: {  	s3 =	sld [smem:$0x3FB2]  }
0x31: {  	[smem:$0x3FBB] =	sst s10  }
0x32: {  	s10 =	sld [smem:$0x3FB9];
	_ =	sdelay $0x3  }
0x33: {  	p0 =	seq.s32 s10, $0x1;
	s10 =	sld [smem:$0x3FBB];
	_ =	sdelay $0x3  }
0x34: {  	[smem:$0x3FBB] =	sst s10  }
0x35: {  	s10 =	sld [smem:$0x3FBA];
	_ =	sdelay $0x3  }
0x36: {  	p1 =	seq.s32 s10, $0x1;
	s10 =	sld [smem:$0x3FBB];
	_ =	sdelay $0x3  }
0x37: {  	[smem:$0x3FBB] =	sst s10  }
0x38: {  	s10 =	sld [smem:$0x3FBC]  }
0x39: {  	_ = 	snop;
	(pc) =	sbr.ind lr, $3  }
0x3a: {  	_ = 	snop  }
0x3b: {  	_ = 	snop  }
0x3c: {  	p2 =	seq.s32 s10, $0x1;
	s10 =	sld [smem:$0x3FBB]  }
0x3d: {  	_ =	shalt  }
0x3e: {  	_ =	shalt  }
0x3f: {  	_ =	shalt  }
0x40: {  	_ =	shalt  }
0x41: {  	_ =	shalt  }
0x42: {  	_ =	shalt  }
0x43: {  	_ =	shalt  }
0x44: {  	_ =	shalt  }
0x45: {  	_ =	shalt  }
0x46: {  	_ =	shalt  }
0x47: {  	_ =	shalt  }
0x48: {  	_ =	shalt  }
0x49: {  	_ =	shalt  }
0x4a: {  	_ =	shalt  }
0x4b: {  	_ =	shalt  }
0x4c: {  	_ =	shalt  }
0x4d: {  	_ =	shalt  }
0x4e: {  	_ =	shalt  }
0x4f: {  	_ =	shalt  }
0x50: {  	_ =	shalt  }
0x51: {  	_ =	shalt  }
0x52: {  	_ =	shalt  }
0x53: {  	_ =	shalt  }
0x54: {  	_ =	shalt  }
0x55: {  	_ =	shalt  }
0x56: {  	_ =	shalt  }
0x57: {  	_ =	shalt  }
0x58: {  	_ =	shalt  }
0x59: {  	_ =	shalt  }
0x5a: {  	_ =	shalt  }
0x5b: {  	_ =	shalt  }
0x5c: {  	_ =	shalt  }
0x5d: {  	_ =	shalt  }
0x5e: {  	_ =	shalt  }
0x5f: {  	_ =	shalt  }
0x60: {  	_ =	shalt  }
0x61: {  	_ =	shalt  }
0x62: {  	_ =	shalt  }
0x63: {  	_ =	shalt  }
0x64: {  	_ =	shalt  }
0x65: {  	_ =	shalt  }
0x66: {  	_ =	shalt  }
0x67: {  	_ =	shalt  }
0x68: {  	_ =	shalt  }
0x69: {  	_ =	shalt  }
0x6a: {  	_ =	shalt  }
0x6b: {  	_ =	shalt  }
0x6c: {  	_ =	shalt  }
0x6d: {  	_ =	shalt  }
0x6e: {  	_ =	shalt  }
0x6f: {  	_ =	shalt  }
0x70: {  	_ =	shalt  }
0x71: {  	_ =	shalt  }
0x72: {  	_ =	shalt  }
0x73: {  	_ =	shalt  }
0x74: {  	_ =	shalt  }
0x75: {  	_ =	shalt  }
0x76: {  	_ =	shalt  }
0x77: {  	_ =	shalt  }
0x78: {  	_ =	shalt  }
0x79: {  	_ =	shalt  }
0x7a: {  	_ =	shalt  }
0x7b: {  	_ =	shalt  }
0x7c: {  	_ =	shalt  }
0x7d: {  	_ =	shalt  }
0x7e: {  	_ =	shalt  }
0x7f: {  	_ =	shalt  }
0x80: {  	_ =	shalt  }
0x81: {  	_ =	shalt  }
0x82: {  	_ =	shalt  }
0x83: {  	_ =	shalt  }
0x84: {  	_ =	shalt  }
0x85: {  	_ =	shalt  }
0x86: {  	_ =	shalt  }
0x87: {  	_ =	shalt  }
.Lfunc_end0:
.L_simem_size_0:
called_computation.1_lowered:
.L_overlay_start_0:
0x88: {  	s2 =	sld [smem:$0x3FD9]  }
0x89: {  	s3 =	sld [smem:$0x3FFE];
	_ =	sdelay $0x1  }
0x8a: {  	s1 =	srdreg.scid  }
0x8b: {  	s0 =	sand.u32 $0x1, s1  }
0x8c: {  	s14 =	sshll.u32 s0, $0xA;
	s2 =	sadd.s32 s3, s2  }
0x8d: {  	s2 =	sadd.s32 s2, s14  }
0x8e: {  	[smem:$0x3FC7] =	sst s2  }
0x8f: {  	_ = 	snop  }
0x90: {  	s2 =	sld [smem:$0x3FD0];
	_ =	sdelay $0x2  }
0x91: {  	s15 =	simm.s32 $0xA;
	s4 =	simm.s32 $0x10  }
0x92: {  	[smem:s4], [sflag:s15] =	dma.local [hbm:s2], $0x1  }
0x93: {  	_ =	swait.eq [sflag:s15], $0x1  }
0x94: {  	[sflag:s15] =	ssyncset.done $0x0  }
0x95: {  	s16 =	sld [smem:$0x10];
	[sflag:s15] =	ssyncadd.s32 $0xFFFFFFFF  }
0x96: {  	s17 =	sld [smem:$0x12];
	(tm) =	ssettm $0x1  }
0x97: {  	s18 =	sld [smem:$0x3FFB];
	_ =	sdelay $0x3  }
0x98: {  	_ =	strace s18  }
0x99: {  	s4 =	sld [smem:$0x3FFC];
	_ =	sdelay $0x3  }
0x9a: {  	_ =	strace s4  }
0x9b: {  	s4 =	sld [smem:$0x3FFD];
	_ =	sdelay $0x3  }
0x9c: {  	_ =	strace s4  }
0x9d: {  	_ =	strace $0x8FFFFFFF  }
0x9e: {  	s19 =	sld [smem:$0x3FDB];
	_ =	sdelay $0x1  }
0x9f: {  	s5 =	simm.s32 $_scs_section_size  }
0xa0: {  	s6 =	simm.s32 $_size__tile_overlayer_lowered;
	s7 =	simm.s32 $_tile_overlayer_lowered  }
0xa1: {  	s22 =	simm.s32 $0x1BFF;
	s21 =	sshll.u32 s7, $0x1;
	s4 =	sadd.s32 s5, s19  }
0xa2: {  	s8 =	simm.s32 $0x0;
	s20 =	sshll.u32 s6, $0x1;
	s6 =	sadd.s32 s21, s4  }
0xa3: {  	[timem:s8], [sflag:s22] =	dma.local [hbm:s6], s20  }
0xa4: {  	_ =	swait.ge [sflag:s22], s20  }
0xa5: {  	s5 =	ssub.s32 $0x0, s20;
	[sflag:s22] =	ssyncset.done $0x0  }
0xa6: {  	[sflag:s22] =	ssyncadd.s32 s5;
	_ =	sdelay $0x1  }
0xa7: {  	s23 =	simm.s32 $0x1B8B  }
0xa8: {  	_ =	swait.ge [sflag:s23], $0x1  }
0xa9: {  	[sflag:s23] =	ssyncset.done $0x0  }
0xaa: {  	s25 =	simm.s32 $0x1B8E;
	s24 =	sld [smem:$0x3FFE];
	[sflag:s23] =	ssyncadd.s32 $0xFFFFFFFF  }
0xab: {  	s26 =	simm.s32 $execute0_lowered;
	[smem:$0x3FD2] =	sst s25  }
0xac: {  	s6 =	sshll.u32 s26, $0x1;
	_ =	strace $0x80000049;
	[dreg:$0x1] =	wrdreg $0xFFFFFFFF  }
0xad: {  	s28 =	simm.s32 $_size_execute0_lowered;
	s4 =	sadd.s32 s4, s6;
	[dreg:$0x0] =	wrdreg $0x0  }
0xae: {  	s6 =	sshll.u32 s28, $0x1;
	[dreg:$0x2] =	wrdreg s4  }
0xaf: {  	[dreg:$0x3] =	wrdreg s6  }
0xb0: {  	[dreg:$0x4] =	wrdreg $0xC0  }
0xb1: {  	_ =	task [dreg:s8], $0x5FFFF  }
0xb2: {  	[dreg:$0x1] =	wrdreg $0xFFFFFFFF  }
0xb3: {  	[dreg:$0x0] =	wrdreg $0x60  }
0xb4: {  	[dreg:$0x2] =	wrdreg s24  }
0xb5: {  	[dreg:$0x3] =	wrdreg s17  }
0xb6: {  	[dreg:$0x4] =	wrdreg s16  }
0xb7: {  	[dreg:$0x5] =	wrdreg $0x9  }
0xb8: {  	_ =	task.clear_ibuf [dreg:s8], $0x6FFFF;
	_ =	strace $0x90000049  }
0xb9: {  	s29 =	simm.s32 $0x9;
	_ =	strace $0x8000004B  }
0xba: {  	_ =	swait.ge [sflag:s29], $0x1  }
0xbb: {  	[sflag:s29] =	ssyncadd.s32 $0xFFFFFFFF  }
0xbc: {  	_ =	strace $0x9000004B  }
0xbd: {  	_ =	sfence  }
0xbe: {  	s30 =	sld [smem:$0x0];
	_ =	sdelay $0x2  }
0xbf: {  	s31 =	sshll.u32 s1, $0xD;
	s1 =	sshrl.u32 s1, $0x2  }
0xc0: {  	s3 =	sand.u32 $0x4000, s31;
	s1 =	sadd.s32 s1, s30  }
0xc1: {  	s0 =	sor.u32 s3, s0;
	s1 =	sshll.u32 s1, $0x11  }
0xc2: {  	s0 =	sor.u32 s1, s0  }
0xc3: {  	s0 =	sadd.s32 $0x8F2B, s0  }
0xc4: {  	[sflag:s0] =	ssyncadd.remote.s32 $0x1  }
0xc5: {  	_ =	sfence.sel $0xFFFF  }
0xc6: {  	[dreg:$0x0] =	wrdreg $0xFFFFFFFF;
	(pc) =	sbr.abs _section_cstart, $3  }
0xc7: {  	[dreg:$0x1] =	wrdreg $0xFFFFFFFF  }
0xc8: {  	_ =	task.clear_ibuf [dreg:s8], $0x2FFFF;
	_ =	strace $0x9FFFFFFF  }
0xc9: {  	(tm) =	ssettm $0x7FFFFFFF  }
tec
execute0_lowered:
.L_overlay_start_1:
0x0: {  	(tag) =	ssettag $0x1  }
0x1: {  	s1 =	rddreg [dreg:$0x0]  }
0x2: {  	s0 =	rddreg [dreg:$0x1]  }
0x3: {  	s9 =	rddreg [dreg:$0x2];
	s2 =	simm.s32 $0x0;
	s7 =	stileid.u32  }
0x4: {  	s4 =	srdreg.scid;
	[smem:$0x7FF] =	sst s2  }
0x5: {  	s12 =	simm.s32 $0x200;
	s13 =	simm.s32 $0x80;
	v0 =	vimm.f32 $5.110000000e+02;
	_ =	strace $0x8000004A  }
0x6: {  	s15 =	simm.s32 $0x9800;
	s31 =	simm.s32 $0x1;
	s20 =	simm.s32 $0x9680;
	(erf) = vrcp.f32 v0;
	v0 =	vimm.f32 $2.000000000e+00  }
0x7: {  	s21 =	simm.s32 $0x1C000;
	s22 =	simm.s32 $0x9700;
	s23 =	simm.s32 $0x1C800;
	(erf) = vrcp.f32 v0  }
0x8: {  	s24 =	simm.s32 $0x9780;
	s28 =	simm.s32 $0x1DA00;
	s29 =	simm.s32 $0x1DC00  }
0x9: {  	s30 =	simm.s32 $0x1DE00;
	s3 =	sadd.s32 $0x50000, s1;
	s4 =	sand.u32 $0x1, s4  }
0xa: {  	s6 =	sshrl.u32 s7, $0x1;
	s7 =	sshll.u32 s7, $0x7;
	s5 =	ssub.s32 $0x2, s4  }
0xb: {  	s4 =	sshll.u32 s4, $0x6;
	s8 =	sshll.u32 s6, $0xC;
	s26 =	sshll.u32 s6, $0xE  }
0xc: {  	s10 =	sshrl.u32 s5, $0x1;
	s11 =	sor.u32 s4, s7;
	s25 =	sadd.s32 s8, s1;
	v1 =	vmov s26;
	v0 =	vlaneseq.u32  }
0xd: {  	s26 =	simm.s32 $0x1D800;
	s10 =	ssub.s32 s5, s10;
	s4 =	sadd.s32 s0, s11;
	v7 =	vmul.u32 $0x10, v0  }
0xe: {  	s5 =	sadd.s32 $0x48000, s25;
	s6 =	sadd.s32 s1, s11;
	s9 =	sadd.s32 s9, s11;
	v2 =	vadd.s32 $0xFFFFFFC0, v1  }
0xf: {  	s11 =	simm.s32 $0x2;
	s25 =	simm.s32 $0x1D000;
	s0 =	simm.s32 $0x0;
	v2 =	vbroadcast v2, $0x0;
	v3 =	vor.u32 $0x10000, v7;
	v1 =	vpop (erf)  }
0x10: {  	s7 =	sadd.s32 $0x800, s6;
	s8 =	sadd.s32 $0x1000, s6;
	s10 =	smax.u32 s10, $0x1;
	v5 =	vor.u32 $0xC000, v7;
	v6 =	vor.u32 $0x8000, v7;
	v7 =	vor.u32 $0x4000, v7;
	v4 =	vpop (erf)  }
.LBB2_1:
0x11: {  	[tilespmem:s2], [sflag:$0x2] =	stream.linear.gather [hbm4b:s4+s2], $0x200, $0x38;
	[tilespmem:$0x1E000] =	vst v63  }
0x12: {  	_ =	swait.ge [sflag:s11], $0x200  }
0x13: {  	[sflag:s11] =	ssyncset.done $0x0  }
0x14: {  	[sflag:s11] =	ssyncadd.s32 $0xFFFFFE00  }
0x15: {  	[tilespmem:s12], [sflag:$0x2] =	stream.linear.gather [hbm4b:s5+s2], $0x8000, $0x38;
	[tilespmem:$0x1E000] =	vst v63  }
0x16: {  	_ =	swait.ge [sflag:s11], $0x8000  }
0x17: {  	[sflag:s11] =	ssyncset.done $0x0  }
0x18: {  	s1 =	simm.s32 $0x0;
	[sflag:s11] =	ssyncadd.s32 $0xFFFF8000  }
0x19: {  	v8 =	vld [tilespmem:s1+$0x0];
	_ =	sdelay $0x7  }
0x1a: {  	s14 =	simm.s32 $0x10;
	s16 =	simm.s32 $0x80;
	v8 =	vld.idx.msk [tilespmem:v8+s12+$0x0], $0xffff  }
.LBB2_2:
0x1b: {  	p0 =	sne.s32 s16, $0x7C0;
	v9 =	vld [tilespmem:s14+$0x0];
	_ =	sdelay $0x3  }
.Ltmp0:
0x1c: {  	(pc) =	sbr.rel @p0 .LBB2_2-.Ltmp0, $2  }
0x1d: {  	[tilespmem:s1+$0x8200] =	vst v8;
	s1 =	smov.u32 s14;
	_ =	sdelay $0x2  }
0x1e: {  	s14 =	sshra.s32 s16, $0x2;
	s16 =	sadd.s32 $0x40, s16;
	v8 =	vld.idx.msk [tilespmem:v9+s12+$0x0], $0xffff  }
0x1f: {  	v9 =	vld [tilespmem:s14+$0x0];
	_ =	sdelay $0x6  }
0x20: {  	[tilespmem:s1+$0x8200] =	vst v8  }
0x21: {  	v8 =	vld.idx.msk [tilespmem:v9+s12+$0x0], $0xffff;
	_ =	sdelay $0x4  }
0x22: {  	[tilespmem:s14+$0x8200] =	vst v8;
	s14 =	simm.s32 $0x0  }
0x23: {  	v8 =	vld [tilespmem:s14+$0x8200];
	_ =	sdelay $0x4  }
0x24: {  	v9 =	vand.u32 $0x1FE, v8;
	v8 =	vshrl.u32 v8, $0x4  }
0x25: {  	v9 =	vadd.s32 $0xFFFFFFFE, v9;
	v8 =	vand.u32 $0xFFFFFE0, v8  }
0x26: {  	v9 =	vshrl.u32 v9, $0x4;
	v8 =	vadd.s32 v2, v8  }
0x27: {  	v8 =	vadd.s32 v9, v8  }
0x28: {  	s16 =	simm.s32 $0x80;
	s1 =	simm.s32 $0x10;
	[tilespmem:s14+$0x8400] =	vst v8;
	v10 =	vadd.s32 $0x1, v8;
	v9 =	vadd.s32 $0x20, v8;
	v11 =	vadd.s32 $0x81, v8  }
.LBB2_4:
0x29: {  	p0 =	sne.s32 s16, $0x7C0;
	v12 =	vld [tilespmem:s1+$0x8200];
	v13 =	vadd.s32 $0x21, v8;
	v14 =	vadd.s32 $0x40, v8;
	v15 =	vadd.s32 $0x41, v8;
	[tilespmem:s14+$0x9600] =	vst v11  }
0x2a: {  	v11 =	vadd.s32 $0x61, v8;
	v16 =	vadd.s32 $0x80, v8;
	[tilespmem:s14+$0x8600] =	vst v10;
	v10 =	vadd.s32 $0x60, v8  }
0x2b: {  	[tilespmem:s14+$0x8800] =	vst v9  }
0x2c: {  	[tilespmem:s14+$0x8A00] =	vst v13  }
0x2d: {  	[tilespmem:s14+$0x8C00] =	vst v14  }
.Ltmp1:
0x2e: {  	v8 =	vand.u32 $0x1FE, v12;
	v9 =	vshrl.u32 v12, $0x4;
	[tilespmem:s14+$0x8E00] =	vst v15;
	(pc) =	sbr.rel @p0 .LBB2_4-.Ltmp1, $4  }
0x2f: {  	v8 =	vadd.s32 $0xFFFFFFFE, v8;
	v9 =	vand.u32 $0xFFFFFE0, v9;
	[tilespmem:s14+$0x9000] =	vst v10  }
0x30: {  	v8 =	vshrl.u32 v8, $0x4;
	v9 =	vadd.s32 v2, v9;
	[tilespmem:s14+$0x9200] =	vst v11  }
0x31: {  	v8 =	vadd.s32 v8, v9;
	[tilespmem:s14+$0x9400] =	vst v16;
	s14 =	smov.u32 s1  }
0x32: {  	s1 =	sshra.s32 s16, $0x2;
	s16 =	sadd.s32 $0x40, s16;
	[tilespmem:s14+$0x8400] =	vst v8;
	v10 =	vadd.s32 $0x1, v8;
	v9 =	vadd.s32 $0x20, v8;
	v11 =	vadd.s32 $0x81, v8  }
0x33: {  	v12 =	vld [tilespmem:s1+$0x8200];
	[tilespmem:s14+$0x9600] =	vst v11  }
0x34: {  	[tilespmem:s14+$0x8600] =	vst v10  }
0x35: {  	v52 =	vadd.s32 $0x21, v8;
	[tilespmem:s14+$0x8800] =	vst v9  }
0x36: {  	v53 =	vadd.s32 $0x40, v8;
	[tilespmem:s14+$0x8A00] =	vst v52  }
0x37: {  	v54 =	vadd.s32 $0x41, v8;
	[tilespmem:s14+$0x8C00] =	vst v53  }
0x38: {  	v55 =	vadd.s32 $0x60, v8;
	[tilespmem:s14+$0x8E00] =	vst v54;
	v56 =	vand.u32 $0x1FE, v12;
	v12 =	vshrl.u32 v12, $0x4  }
0x39: {  	v57 =	vadd.s32 $0x61, v8;
	[tilespmem:s14+$0x9000] =	vst v55;
	v11 =	vadd.s32 $0xFFFFFFFE, v56;
	v12 =	vand.u32 $0xFFFFFE0, v12  }
0x3a: {  	v8 =	vadd.s32 $0x80, v8;
	[tilespmem:s14+$0x9200] =	vst v57;
	v58 =	vshrl.u32 v11, $0x4;
	v59 =	vadd.s32 v2, v12  }
0x3b: {  	[tilespmem:s14+$0x9400] =	vst v8;
	v9 =	vadd.s32 v58, v59  }
0x3c: {  	[tilespmem:s1+$0x8400] =	vst v9;
	v8 =	vadd.s32 $0x81, v9  }
0x3d: {  	v60 =	vadd.s32 $0x1, v9;
	[tilespmem:s1+$0x9600] =	vst v8  }
0x3e: {  	v61 =	vadd.s32 $0x21, v9;
	[tilespmem:s1+$0x8600] =	vst v60  }
0x3f: {  	v62 =	vadd.s32 $0x41, v9;
	[tilespmem:s1+$0x8A00] =	vst v61  }
0x40: {  	v63 =	vadd.s32 $0x61, v9;
	[tilespmem:s1+$0x8E00] =	vst v62  }
0x41: {  	v8 =	vadd.s32 $0x20, v9;
	[tilespmem:s1+$0x9200] =	vst v63  }
0x42: {  	[tilespmem:s1+$0x8800] =	vst v8;
	v8 =	vadd.s32 $0x40, v9  }
0x43: {  	[tilespmem:s1+$0x8C00] =	vst v8;
	v8 =	vadd.s32 $0x60, v9  }
0x44: {  	[tilespmem:s1+$0x9000] =	vst v8;
	v8 =	vadd.s32 $0x80, v9  }
0x45: {  	s14 =	simm.s32 $0x8400;
	[tilespmem:s1+$0x9400] =	vst v8  }
0x46: {  	[tilespmem:s15], [sflag:$0x1] =	stream.indirect.gather [hbm4b:s3+s13], $0x10, s14, s13, $0xb8;
	[tilespmem:$0x1E000] =	vst v63  }
0x47: {  	s16 =	simm.s32 $0x8480;
	s17 =	simm.s32 $0xA000  }
0x48: {  	[tilespmem:s17], [sflag:$0x1] =	stream.indirect.gather [hbm4b:s3+s13], $0x10, s16, s13, $0xb8;
	[tilespmem:$0x1E000] =	vst v63  }
0x49: {  	s18 =	simm.s32 $0x8500;
	s19 =	simm.s32 $0xA800  }
0x4a: {  	[tilespmem:s19], [sflag:$0x1] =	stream.indirect.gather [hbm4b:s3+s13], $0x10, s18, s13, $0xb8;
	[tilespmem:$0x1E000] =	vst v63  }
0x4b: {  	s16 =	simm.s32 $0x8580;
	s17 =	simm.s32 $0xB000  }
0x4c: {  	[tilespmem:s17], [sflag:$0x1] =	stream.indirect.gather [hbm4b:s3+s13], $0x10, s16, s13, $0xb8;
	[tilespmem:$0x1E000] =	vst v63  }
0x4d: {  	s18 =	simm.s32 $0x8600;
	s19 =	simm.s32 $0xB800  }
0x4e: {  	[tilespmem:s19], [sflag:$0x1] =	stream.indirect.gather [hbm4b:s3+s13], $0x10, s18, s13, $0xb8;
	[tilespmem:$0x1E000] =	vst v63  }
0x4f: {  	s16 =	simm.s32 $0x8680;
	s17 =	simm.s32 $0xC000  }
0x50: {  	[tilespmem:s17], [sflag:$0x1] =	stream.indirect.gather [hbm4b:s3+s13], $0x10, s16, s13, $0xb8;
	[tilespmem:$0x1E000] =	vst v63  }
0x51: {  	s18 =	simm.s32 $0x8700;
	s19 =	simm.s32 $0xC800  }
0x52: {  	[tilespmem:s19], [sflag:$0x1] =	stream.indirect.gather [hbm4b:s3+s13], $0x10, s18, s13, $0xb8;
	[tilespmem:$0x1E000] =	vst v63  }
0x53: {  	s16 =	simm.s32 $0x8780;
	s17 =	simm.s32 $0xD000  }
0x54: {  	[tilespmem:s17], [sflag:$0x1] =	stream.indirect.gather [hbm4b:s3+s13], $0x10, s16, s13, $0xb8;
	[tilespmem:$0x1E000] =	vst v63  }
0x55: {  	_ =	swait.ge [sflag:s31], $0x800  }
0x56: {  	[sflag:s31] =	ssyncset.done $0x0  }
0x57: {  	[sflag:s31] =	ssyncadd.s32 $0xFFFFF800  }
0x58: {  	_ =	swait.ge [sflag:s31], $0x800  }
0x59: {  	[sflag:s31] =	ssyncset.done $0x0  }
0x5a: {  	[sflag:s31] =	ssyncadd.s32 $0xFFFFF800  }
0x5b: {  	_ =	swait.ge [sflag:s31], $0x800  }
0x5c: {  	[sflag:s31] =	ssyncset.done $0x0  }
0x5d: {  	[sflag:s31] =	ssyncadd.s32 $0xFFFFF800  }
0x5e: {  	_ =	swait.ge [sflag:s31], $0x800  }
0x5f: {  	[sflag:s31] =	ssyncset.done $0x0  }
0x60: {  	[sflag:s31] =	ssyncadd.s32 $0xFFFFF800  }
0x61: {  	_ =	swait.ge [sflag:s31], $0x800  }
0x62: {  	[sflag:s31] =	ssyncset.done $0x0  }
0x63: {  	[sflag:s31] =	ssyncadd.s32 $0xFFFFF800  }
0x64: {  	_ =	swait.ge [sflag:s31], $0x800  }
0x65: {  	[sflag:s31] =	ssyncset.done $0x0  }
0x66: {  	[sflag:s31] =	ssyncadd.s32 $0xFFFFF800  }
0x67: {  	_ =	swait.ge [sflag:s31], $0x800  }
0x68: {  	[sflag:s31] =	ssyncset.done $0x0  }
0x69: {  	[sflag:s31] =	ssyncadd.s32 $0xFFFFF800  }
0x6a: {  	_ =	swait.ge [sflag:s31], $0x800  }
0x6b: {  	[sflag:s31] =	ssyncset.done $0x0  }
0x6c: {  	s18 =	simm.s32 $0x8800;
	s19 =	simm.s32 $0xD800;
	[sflag:s31] =	ssyncadd.s32 $0xFFFFF800  }
0x6d: {  	[tilespmem:s19], [sflag:$0x1] =	stream.indirect.gather [hbm4b:s3+s13], $0x10, s18, s13, $0xb8;
	[tilespmem:$0x1E000] =	vst v63  }
0x6e: {  	s16 =	simm.s32 $0x8880;
	s17 =	simm.s32 $0xE000  }
0x6f: {  	[tilespmem:s17], [sflag:$0x1] =	stream.indirect.gather [hbm4b:s3+s13], $0x10, s16, s13, $0xb8;
	[tilespmem:$0x1E000] =	vst v63  }
0x70: {  	s18 =	simm.s32 $0x8900;
	s19 =	simm.s32 $0xE800  }
0x71: {  	[tilespmem:s19], [sflag:$0x1] =	stream.indirect.gather [hbm4b:s3+s13], $0x10, s18, s13, $0xb8;
	[tilespmem:$0x1E000] =	vst v63  }
0x72: {  	s16 =	simm.s32 $0x8980;
	s17 =	simm.s32 $0xF000  }
0x73: {  	[tilespmem:s17], [sflag:$0x1] =	stream.indirect.gather [hbm4b:s3+s13], $0x10, s16, s13, $0xb8;
	[tilespmem:$0x1E000] =	vst v63  }
0x74: {  	s18 =	simm.s32 $0x8A00;
	s19 =	simm.s32 $0xF800  }
0x75: {  	[tilespmem:s19], [sflag:$0x1] =	stream.indirect.gather [hbm4b:s3+s13], $0x10, s18, s13, $0xb8;
	[tilespmem:$0x1E000] =	vst v63  }
0x76: {  	s16 =	simm.s32 $0x8A80;
	s17 =	simm.s32 $0x10000  }
0x77: {  	[tilespmem:s17], [sflag:$0x1] =	stream.indirect.gather [hbm4b:s3+s13], $0x10, s16, s13, $0xb8;
	[tilespmem:$0x1E000] =	vst v63  }
0x78: {  	s18 =	simm.s32 $0x8B00;
	s19 =	simm.s32 $0x10800  }
0x79: {  	[tilespmem:s19], [sflag:$0x1] =	stream.indirect.gather [hbm4b:s3+s13], $0x10, s18, s13, $0xb8;
	[tilespmem:$0x1E000] =	vst v63  }
0x7a: {  	s16 =	simm.s32 $0x8B80;
	s17 =	simm.s32 $0x11000  }
0x7b: {  	[tilespmem:s17], [sflag:$0x1] =	stream.indirect.gather [hbm4b:s3+s13], $0x10, s16, s13, $0xb8;
	[tilespmem:$0x1E000] =	vst v63  }
0x7c: {  	_ =	swait.ge [sflag:s31], $0x800  }
0x7d: {  	[sflag:s31] =	ssyncset.done $0x0  }
0x7e: {  	[sflag:s31] =	ssyncadd.s32 $0xFFFFF800  }
0x7f: {  	_ =	swait.ge [sflag:s31], $0x800  }
0x80: {  	[sflag:s31] =	ssyncset.done $0x0  }
0x81: {  	[sflag:s31] =	ssyncadd.s32 $0xFFFFF800  }
0x82: {  	_ =	swait.ge [sflag:s31], $0x800  }
0x83: {  	[sflag:s31] =	ssyncset.done $0x0  }
0x84: {  	[sflag:s31] =	ssyncadd.s32 $0xFFFFF800  }
0x85: {  	_ =	swait.ge [sflag:s31], $0x800  }
0x86: {  	[sflag:s31] =	ssyncset.done $0x0  }
0x87: {  	[sflag:s31] =	ssyncadd.s32 $0xFFFFF800  }
0x88: {  	_ =	swait.ge [sflag:s31], $0x800  }
0x89: {  	[sflag:s31] =	ssyncset.done $0x0  }
0x8a: {  	[sflag:s31] =	ssyncadd.s32 $0xFFFFF800  }
0x8b: {  	_ =	swait.ge [sflag:s31], $0x800  }
0x8c: {  	[sflag:s31] =	ssyncset.done $0x0  }
0x8d: {  	[sflag:s31] =	ssyncadd.s32 $0xFFFFF800  }
0x8e: {  	_ =	swait.ge [sflag:s31], $0x800  }
0x8f: {  	[sflag:s31] =	ssyncset.done $0x0  }
0x90: {  	[sflag:s31] =	ssyncadd.s32 $0xFFFFF800  }
0x91: {  	_ =	swait.ge [sflag:s31], $0x800  }
0x92: {  	[sflag:s31] =	ssyncset.done $0x0  }
0x93: {  	s18 =	simm.s32 $0x8C00;
	s19 =	simm.s32 $0x11800;
	[sflag:s31] =	ssyncadd.s32 $0xFFFFF800  }
0x94: {  	[tilespmem:s19], [sflag:$0x1] =	stream.indirect.gather [hbm4b:s3+s13], $0x10, s18, s13, $0xb8;
	[tilespmem:$0x1E000] =	vst v63  }
0x95: {  	s16 =	simm.s32 $0x8C80;
	s17 =	simm.s32 $0x12000  }
0x96: {  	[tilespmem:s17], [sflag:$0x1] =	stream.indirect.gather [hbm4b:s3+s13], $0x10, s16, s13, $0xb8;
	[tilespmem:$0x1E000] =	vst v63  }
0x97: {  	s18 =	simm.s32 $0x8D00;
	s19 =	simm.s32 $0x12800  }
0x98: {  	[tilespmem:s19], [sflag:$0x1] =	stream.indirect.gather [hbm4b:s3+s13], $0x10, s18, s13, $0xb8;
	[tilespmem:$0x1E000] =	vst v63  }
0x99: {  	s16 =	simm.s32 $0x8D80;
	s17 =	simm.s32 $0x13000  }
0x9a: {  	[tilespmem:s17], [sflag:$0x1] =	stream.indirect.gather [hbm4b:s3+s13], $0x10, s16, s13, $0xb8;
	[tilespmem:$0x1E000] =	vst v63  }
0x9b: {  	s18 =	simm.s32 $0x8E00;
	s19 =	simm.s32 $0x13800  }
0x9c: {  	[tilespmem:s19], [sflag:$0x1] =	stream.indirect.gather [hbm4b:s3+s13], $0x10, s18, s13, $0xb8;
	[tilespmem:$0x1E000] =	vst v63  }
0x9d: {  	s16 =	simm.s32 $0x8E80;
	s17 =	simm.s32 $0x14000  }
0x9e: {  	[tilespmem:s17], [sflag:$0x1] =	stream.indirect.gather [hbm4b:s3+s13], $0x10, s16, s13, $0xb8;
	[tilespmem:$0x1E000] =	vst v63  }
0x9f: {  	s18 =	simm.s32 $0x8F00;
	s19 =	simm.s32 $0x14800  }
0xa0: {  	[tilespmem:s19], [sflag:$0x1] =	stream.indirect.gather [hbm4b:s3+s13], $0x10, s18, s13, $0xb8;
	[tilespmem:$0x1E000] =	vst v63  }
0xa1: {  	s16 =	simm.s32 $0x8F80;
	s17 =	simm.s32 $0x15000  }
0xa2: {  	[tilespmem:s17], [sflag:$0x1] =	stream.indirect.gather [hbm4b:s3+s13], $0x10, s16, s13, $0xb8;
	[tilespmem:$0x1E000] =	vst v63  }
0xa3: {  	_ =	swait.ge [sflag:s31], $0x800  }
0xa4: {  	[sflag:s31] =	ssyncset.done $0x0  }
0xa5: {  	[sflag:s31] =	ssyncadd.s32 $0xFFFFF800  }
0xa6: {  	_ =	swait.ge [sflag:s31], $0x800  }
0xa7: {  	[sflag:s31] =	ssyncset.done $0x0  }
0xa8: {  	[sflag:s31] =	ssyncadd.s32 $0xFFFFF800  }
0xa9: {  	_ =	swait.ge [sflag:s31], $0x800  }
0xaa: {  	[sflag:s31] =	ssyncset.done $0x0  }
0xab: {  	[sflag:s31] =	ssyncadd.s32 $0xFFFFF800  }
0xac: {  	_ =	swait.ge [sflag:s31], $0x800  }
0xad: {  	[sflag:s31] =	ssyncset.done $0x0  }
0xae: {  	[sflag:s31] =	ssyncadd.s32 $0xFFFFF800  }
0xaf: {  	_ =	swait.ge [sflag:s31], $0x800  }
0xb0: {  	[sflag:s31] =	ssyncset.done $0x0  }
0xb1: {  	[sflag:s31] =	ssyncadd.s32 $0xFFFFF800  }
0xb2: {  	_ =	swait.ge [sflag:s31], $0x800  }
0xb3: {  	[sflag:s31] =	ssyncset.done $0x0  }
0xb4: {  	[sflag:s31] =	ssyncadd.s32 $0xFFFFF800  }
0xb5: {  	_ =	swait.ge [sflag:s31], $0x800  }
0xb6: {  	[sflag:s31] =	ssyncset.done $0x0  }
0xb7: {  	[sflag:s31] =	ssyncadd.s32 $0xFFFFF800  }
0xb8: {  	_ =	swait.ge [sflag:s31], $0x800  }
0xb9: {  	[sflag:s31] =	ssyncset.done $0x0  }
0xba: {  	s18 =	simm.s32 $0x9000;
	s19 =	simm.s32 $0x15800;
	[sflag:s31] =	ssyncadd.s32 $0xFFFFF800  }
0xbb: {  	[tilespmem:s19], [sflag:$0x1] =	stream.indirect.gather [hbm4b:s3+s13], $0x10, s18, s13, $0xb8;
	[tilespmem:$0x1E000] =	vst v63  }
0xbc: {  	s16 =	simm.s32 $0x9080;
	s17 =	simm.s32 $0x16000  }
0xbd: {  	[tilespmem:s17], [sflag:$0x1] =	stream.indirect.gather [hbm4b:s3+s13], $0x10, s16, s13, $0xb8;
	[tilespmem:$0x1E000] =	vst v63  }
0xbe: {  	s18 =	simm.s32 $0x9100;
	s19 =	simm.s32 $0x16800  }
0xbf: {  	[tilespmem:s19], [sflag:$0x1] =	stream.indirect.gather [hbm4b:s3+s13], $0x10, s18, s13, $0xb8;
	[tilespmem:$0x1E000] =	vst v63  }
0xc0: {  	s16 =	simm.s32 $0x9180;
	s17 =	simm.s32 $0x17000  }
0xc1: {  	[tilespmem:s17], [sflag:$0x1] =	stream.indirect.gather [hbm4b:s3+s13], $0x10, s16, s13, $0xb8;
	[tilespmem:$0x1E000] =	vst v63  }
0xc2: {  	s18 =	simm.s32 $0x9200;
	s19 =	simm.s32 $0x17800  }
0xc3: {  	[tilespmem:s19], [sflag:$0x1] =	stream.indirect.gather [hbm4b:s3+s13], $0x10, s18, s13, $0xb8;
	[tilespmem:$0x1E000] =	vst v63  }
0xc4: {  	s16 =	simm.s32 $0x9280;
	s17 =	simm.s32 $0x18000  }
0xc5: {  	[tilespmem:s17], [sflag:$0x1] =	stream.indirect.gather [hbm4b:s3+s13], $0x10, s16, s13, $0xb8;
	[tilespmem:$0x1E000] =	vst v63  }
0xc6: {  	s18 =	simm.s32 $0x9300;
	s19 =	simm.s32 $0x18800  }
0xc7: {  	[tilespmem:s19], [sflag:$0x1] =	stream.indirect.gather [hbm4b:s3+s13], $0x10, s18, s13, $0xb8;
	[tilespmem:$0x1E000] =	vst v63  }
0xc8: {  	s16 =	simm.s32 $0x9380;
	s17 =	simm.s32 $0x19000  }
0xc9: {  	[tilespmem:s17], [sflag:$0x1] =	stream.indirect.gather [hbm4b:s3+s13], $0x10, s16, s13, $0xb8;
	[tilespmem:$0x1E000] =	vst v63  }
0xca: {  	_ =	swait.ge [sflag:s31], $0x800  }
0xcb: {  	[sflag:s31] =	ssyncset.done $0x0  }
0xcc: {  	[sflag:s31] =	ssyncadd.s32 $0xFFFFF800  }
0xcd: {  	_ =	swait.ge [sflag:s31], $0x800  }
0xce: {  	[sflag:s31] =	ssyncset.done $0x0  }
0xcf: {  	[sflag:s31] =	ssyncadd.s32 $0xFFFFF800  }
0xd0: {  	_ =	swait.ge [sflag:s31], $0x800  }
0xd1: {  	[sflag:s31] =	ssyncset.done $0x0  }
0xd2: {  	[sflag:s31] =	ssyncadd.s32 $0xFFFFF800  }
0xd3: {  	_ =	swait.ge [sflag:s31], $0x800  }
0xd4: {  	[sflag:s31] =	ssyncset.done $0x0  }
0xd5: {  	[sflag:s31] =	ssyncadd.s32 $0xFFFFF800  }
0xd6: {  	_ =	swait.ge [sflag:s31], $0x800  }
0xd7: {  	[sflag:s31] =	ssyncset.done $0x0  }
0xd8: {  	[sflag:s31] =	ssyncadd.s32 $0xFFFFF800  }
0xd9: {  	_ =	swait.ge [sflag:s31], $0x800  }
0xda: {  	[sflag:s31] =	ssyncset.done $0x0  }
0xdb: {  	[sflag:s31] =	ssyncadd.s32 $0xFFFFF800  }
0xdc: {  	_ =	swait.ge [sflag:s31], $0x800  }
0xdd: {  	[sflag:s31] =	ssyncset.done $0x0  }
0xde: {  	[sflag:s31] =	ssyncadd.s32 $0xFFFFF800  }
0xdf: {  	_ =	swait.ge [sflag:s31], $0x800  }
0xe0: {  	[sflag:s31] =	ssyncset.done $0x0  }
0xe1: {  	s18 =	simm.s32 $0x9400;
	s19 =	simm.s32 $0x19800;
	[sflag:s31] =	ssyncadd.s32 $0xFFFFF800  }
0xe2: {  	[tilespmem:s19], [sflag:$0x1] =	stream.indirect.gather [hbm4b:s3+s13], $0x10, s18, s13, $0xb8;
	[tilespmem:$0x1E000] =	vst v63  }
0xe3: {  	s16 =	simm.s32 $0x9480;
	s17 =	simm.s32 $0x1A000  }
0xe4: {  	[tilespmem:s17], [sflag:$0x1] =	stream.indirect.gather [hbm4b:s3+s13], $0x10, s16, s13, $0xb8;
	[tilespmem:$0x1E000] =	vst v63  }
0xe5: {  	s18 =	simm.s32 $0x9500;
	s19 =	simm.s32 $0x1A800  }
0xe6: {  	[tilespmem:s19], [sflag:$0x1] =	stream.indirect.gather [hbm4b:s3+s13], $0x10, s18, s13, $0xb8;
	[tilespmem:$0x1E000] =	vst v63  }
0xe7: {  	s16 =	simm.s32 $0x9580;
	s17 =	simm.s32 $0x1B000  }
0xe8: {  	[tilespmem:s17], [sflag:$0x1] =	stream.indirect.gather [hbm4b:s3+s13], $0x10, s16, s13, $0xb8;
	[tilespmem:$0x1E000] =	vst v63  }
0xe9: {  	s18 =	simm.s32 $0x9600;
	s19 =	simm.s32 $0x1B800  }
0xea: {  	[tilespmem:s19], [sflag:$0x1] =	stream.indirect.gather [hbm4b:s3+s13], $0x10, s18, s13, $0xb8;
	[tilespmem:$0x1E000] =	vst v63  }
0xeb: {  	_ = 	snop  }
0xec: {  	[tilespmem:s21], [sflag:$0x1] =	stream.indirect.gather [hbm4b:s3+s13], $0x10, s20, s13, $0xb8;
	[tilespmem:$0x1E000] =	vst v63  }
0xed: {  	_ = 	snop  }
0xee: {  	[tilespmem:s23], [sflag:$0x1] =	stream.indirect.gather [hbm4b:s3+s13], $0x10, s22, s13, $0xb8;
	[tilespmem:$0x1E000] =	vst v63  }
0xef: {  	_ = 	snop  }
0xf0: {  	[tilespmem:s25], [sflag:$0x1] =	stream.indirect.gather [hbm4b:s3+s13], $0x10, s24, s13, $0xb8;
	[tilespmem:$0x1E000] =	vst v63  }
0xf1: {  	_ =	swait.ge [sflag:s31], $0x800  }
0xf2: {  	[sflag:s31] =	ssyncset.done $0x0  }
0xf3: {  	[sflag:s31] =	ssyncadd.s32 $0xFFFFF800  }
0xf4: {  	_ =	swait.ge [sflag:s31], $0x800  }
0xf5: {  	[sflag:s31] =	ssyncset.done $0x0  }
0xf6: {  	[sflag:s31] =	ssyncadd.s32 $0xFFFFF800  }
0xf7: {  	_ =	swait.ge [sflag:s31], $0x800  }
0xf8: {  	[sflag:s31] =	ssyncset.done $0x0  }
0xf9: {  	[sflag:s31] =	ssyncadd.s32 $0xFFFFF800  }
0xfa: {  	_ =	swait.ge [sflag:s31], $0x800  }
0xfb: {  	[sflag:s31] =	ssyncset.done $0x0  }
0xfc: {  	[sflag:s31] =	ssyncadd.s32 $0xFFFFF800  }
0xfd: {  	_ =	swait.ge [sflag:s31], $0x800  }
0xfe: {  	[sflag:s31] =	ssyncset.done $0x0  }
0xff: {  	[sflag:s31] =	ssyncadd.s32 $0xFFFFF800  }
0x100: {  	_ =	swait.ge [sflag:s31], $0x800  }
0x101: {  	[sflag:s31] =	ssyncset.done $0x0  }
0x102: {  	[sflag:s31] =	ssyncadd.s32 $0xFFFFF800  }
0x103: {  	_ =	swait.ge [sflag:s31], $0x800  }
0x104: {  	[sflag:s31] =	ssyncset.done $0x0  }
0x105: {  	[sflag:s31] =	ssyncadd.s32 $0xFFFFF800  }
0x106: {  	s1 =	simm.s32 $0x0;
	s14 =	simm.s32 $0x8200;
	_ =	swait.ge [sflag:s31], $0x800  }
0x107: {  	s16 =	simm.s32 $0x1D800;
	s17 =	simm.s32 $0x1DA00;
	[sflag:s31] =	ssyncset.done $0x0  }
0x108: {  	s18 =	simm.s32 $0x1DC00;
	s19 =	simm.s32 $0x1DE00;
	[sflag:s31] =	ssyncadd.s32 $0xFFFFF800  }
.LBB2_6:
0x109: {  	v10 =	vld [tilespmem:s14+$0x0];
	_ =	sdelay $0x4  }
0x10a: {  	v19 =	vadd.s32 $0xE, v10  }
0x10b: {  	v20 =	vor.u32 s1, v0;
	v13 =	vand.u32 $0xF, v19  }
0x10c: {  	v8 =	vshll.u32 v20, $0x4;
	v9 =	vadd.s32 $0x1, v13  }
0x10d: {  	v15 =	vor.u32 v8, v13;
	v21 =	vshrl.u32 v9, $0x4  }
0x10e: {  	v12 =	vand.u32 $0x8, v9;
	v11 =	vshll.u32 v21, $0xD  }
0x10f: {  	v14 =	vadd.s32 v8, v11;
	v11 =	vand.u32 $0x7, v9;
	v9 =	vadd.s32 $0x2, v13  }
0x110: {  	v43 =	vor.u32 v12, v14;
	v22 =	vshrl.u32 v9, $0x4  }
0x111: {  	v17 =	vor.u32 v11, v43;
	v44 =	vshll.u32 v22, $0xD  }
0x112: {  	v16 =	vand.u32 $0x8, v9;
	v15 =	vld.idx.msk [tilespmem:v15+s15+$0x0], $0xffff;
	v18 =	vadd.s32 v8, v44  }
0x113: {  	v14 =	vand.u32 $0x7, v9;
	v18 =	vor.u32 v16, v18  }
0x114: {  	v18 =	vor.u32 v14, v18  }
0x115: {  	v22 =	vshll.u32 v22, $0x9  }
0x116: {  	v45 =	vadd.s32 $0x3, v13;
	v22 =	vadd.s32 v22, v20;
	v17 =	vld.idx.msk [tilespmem:v17+s15+$0x0], $0xffff  }
0x117: {  	v24 =	vshrl.u32 v45, $0x4;
	v37 =	vshll.u32 v22, $0x4;
	v15 =	vmul.f32 $1.000000000e+01, v15  }
0x118: {  	v25 =	vshll.u32 v24, $0xD;
	v24 =	vshll.u32 v24, $0x9;
	v58 =	vadd.s32 $0x4000, v37  }
0x119: {  	v13 =	vadd.s32 $0x4, v13;
	v59 =	vor.u32 v16, v58;
	v15 =	vmul.f32 $1.442695020e+00, v15;
	v18 =	vld.idx.msk [tilespmem:v18+s15+$0x0], $0xffff  }
0x11a: {  	v46 =	vadd.s32 v8, v25;
	v26 =	vshrl.u32 v13, $0x4;
	v22 =	vor.u32 v14, v59  }
0x11b: {  	v47 =	vshll.u32 v26, $0xD;
	(erf) = vpow2.f32 v15;
	v17 =	vmul.f32 $1.000000000e+01, v17  }
0x11c: {  	v56 =	vadd.s32 v24, v20;
	v25 =	vadd.s32 v8, v47;
	v15 =	vand.u32 $0x8, v13  }
0x11d: {  	v13 =	vand.u32 $0x7, v13;
	v25 =	vor.u32 v15, v25;
	v17 =	vmul.f32 $1.442695020e+00, v17  }
0x11e: {  	v25 =	vor.u32 v13, v25;
	v23 =	vmul.f32 $1.000000000e+01, v18;
	v18 =	vand.u32 $0x8, v45  }
0x11f: {  	v22 =	vld.idx.msk [tilespmem:v22+s15+$0x0], $0xffff;
	(erf) = vpow2.f32 v17;
	v17 =	vand.u32 $0x7, v45;
	v27 =	vor.u32 v18, v46  }
0x120: {  	v21 =	vshll.u32 v21, $0x9;
	v38 =	vshll.u32 v56, $0x4;
	v27 =	vor.u32 v17, v27  }
0x121: {  	v32 =	vmov s1;
	v21 =	vadd.s32 v21, v20;
	v60 =	vadd.s32 $0x4000, v38  }
0x122: {  	v57 =	vshll.u32 v26, $0x9;
	v61 =	vor.u32 v18, v60;
	v23 =	vmul.f32 $1.442695020e+00, v23  }
0x123: {  	v20 =	vadd.s32 v57, v20;
	v57 =	vadd.s32 $0x8000, v38;
	v63 =	vor.u32 v17, v61;
	v31 =	vld.idx.msk [tilespmem:v25+s15+$0x0], $0xffff  }
0x124: {  	v22 =	vmul.f32 $1.000000000e+01, v22;
	v25 =	vand.u32 $0x8, v19;
	(erf) = vpow2.f32 v23;
	v28 =	vpop (erf)  }
0x125: {  	v48 =	vadd.f32 v28, v28;
	v49 =	vadd.f32 $0.0e+00, v28;
	v28 =	vmul.f32 $8.000000000e+00, v28;
	v29 =	vld.idx.msk [tilespmem:v27+s15+$0x0], $0xffff  }
0x126: {  	v23 =	vand.u32 $0x7, v19;
	v22 =	vmul.f32 $1.442695020e+00, v22;
	v27 =	vshll.u32 v32, $0x4  }
0x127: {  	v33 =	vsub.f32 $0.0e+00, v48;
	v50 =	vadd.f32 $0.0e+00, v28;
	v32 =	vadd.s32 v7, v27  }
0x128: {  	v31 =	vmul.f32 $1.000000000e+01, v31;
	v28 =	vshll.u32 v20, $0x4;
	v42 =	vadd.s32 v6, v27  }
0x129: {  	v26 =	vld.idx.msk [tilespmem:v63+s15+$0x0], $0xffff;
	v63 =	vadd.s32 v5, v27;
	v32 =	vor.u32 v32, v25;
	v62 =	vadd.s32 $0x4000, v28  }
0x12a: {  	v43 =	vor.u32 v42, v25;
	v32 =	vor.u32 v23, v32;
	v29 =	vmul.f32 $1.000000000e+01, v29  }
0x12b: {  	v52 =	vmul.f32 $1.442695020e+00, v31;
	v31 =	vshll.u32 v21, $0x4;
	v41 =	vor.u32 v15, v62  }
0x12c: {  	v46 =	vor.u32 v23, v43;
	v54 =	vadd.s32 $0x4000, v31;
	v29 =	vmul.f32 $1.442695020e+00, v29  }
0x12d: {  	v58 =	vadd.s32 $0x8000, v28;
	v30 =	vpop (erf);
	v39 =	vor.u32 v13, v41;
	v55 =	vor.u32 v12, v54  }
0x12e: {  	v34 =	vadd.f32 v30, v30;
	(erf) = vpow2.f32 v29;
	v29 =	vor.u32 v11, v55  }
0x12f: {  	v35 =	vadd.f32 v30, v49;
	v51 =	vmul.f32 $5.000000000e+00, v30;
	v30 =	vsub.f32 v33, v30;
	v36 =	vpop (erf)  }
0x130: {  	v49 =	vadd.s32 $0x8000, v31;
	v34 =	vsub.f32 v33, v34;
	v53 =	vadd.f32 v36, v36;
	v32 =	vld.idx.msk [tilespmem:v32+s15+$0x0], $0xffff  }
0x131: {  	v19 =	vadd.f32 v51, v50;
	v50 =	vor.u32 v12, v49;
	v51 =	vadd.s32 $0x8000, v37;
	v55 =	vld.idx.msk [tilespmem:v46+s15+$0x0], $0xffff  }
0x132: {  	v47 =	vsub.f32 v34, v53;
	v53 =	vor.u32 v11, v50;
	(erf) = vpow2.f32 v52;
	v52 =	vld.idx.msk [tilespmem:v39+s15+$0x0], $0xffff  }
0x133: {  	v42 =	vadd.s32 $0xC000, v31;
	v26 =	vmul.f32 $1.000000000e+01, v26;
	v54 =	vor.u32 v16, v51;
	v29 =	vld.idx.msk [tilespmem:v29+s15+$0x0], $0xffff  }
0x134: {  	v31 =	vadd.s32 $0x10000, v31;
	v45 =	vmul.f32 $4.000000000e+00, v36;
	v56 =	vor.u32 v14, v54  }
0x135: {  	v44 =	vadd.f32 v36, v35;
	v26 =	vmul.f32 $1.442695020e+00, v26;
	v32 =	vmul.f32 $1.000000000e+01, v32  }
0x136: {  	v51 =	vadd.s32 $0x10000, v37;
	v19 =	vadd.f32 v45, v19;
	v46 =	vadd.s32 $0xC000, v38  }
0x137: {  	v39 =	vor.u32 v18, v57;
	v35 =	vld.idx.msk [tilespmem:v53+s15+$0x0], $0xffff;
	v48 =	vmul.f32 $1.442695020e+00, v32;
	v34 =	vmul.f32 $1.000000000e+01, v52  }
0x138: {  	v39 =	vor.u32 v17, v39;
	v32 =	vmul.f32 $1.000000000e+01, v55;
	v29 =	vmul.f32 $1.000000000e+01, v29  }
0x139: {  	v36 =	vld.idx.msk [tilespmem:v56+s15+$0x0], $0xffff;
	v56 =	vadd.s32 $0x10000, v38;
	(erf) = vpow2.f32 v48;
	v34 =	vmul.f32 $1.442695020e+00, v34  }
0x13a: {  	v59 =	vmul.f32 $1.442695020e+00, v32;
	v48 =	vadd.s32 $0xC000, v28;
	v20 =	vpop (erf);
	v29 =	vmul.f32 $1.442695020e+00, v29  }
0x13b: {  	v28 =	vadd.s32 $0x10000, v28;
	v24 =	vadd.f32 v20, v44;
	v30 =	vadd.f32 v20, v30  }
0x13c: {  	v40 =	vadd.f32 v20, v20;
	v62 =	vmul.f32 $1.000000000e+01, v35;
	(erf) = vpow2.f32 v29  }
0x13d: {  	v35 =	vor.u32 v12, v42;
	v44 =	vadd.s32 $0xC000, v37;
	v29 =	vor.u32 v15, v58  }
0x13e: {  	v42 =	vadd.s32 v3, v27;
	v29 =	vor.u32 v13, v29;
	(erf) = vpow2.f32 v22  }
0x13f: {  	v35 =	vor.u32 v11, v35;
	(erf) = vpow2.f32 v26;
	v26 =	vor.u32 v63, v25  }
0x140: {  	v60 =	vld.idx.msk [tilespmem:v39+s15+$0x0], $0xffff;
	v21 =	vpop (erf);
	v33 =	vsub.f32 v47, v40;
	v40 =	vmul.f32 $1.000000000e+01, v36;
	v26 =	vor.u32 v23, v26  }
0x141: {  	v24 =	vadd.f32 v21, v24;
	v43 =	vmul.f32 $1.442695020e+00, v62;
	(erf) = vpow2.f32 v34  }
0x142: {  	v12 =	vor.u32 v12, v31;
	v34 =	vmul.f32 $1.442695020e+00, v40;
	(erf) = vpow2.f32 v59  }
0x143: {  	v45 =	vor.u32 v16, v44;
	v36 =	vor.u32 v18, v46;
	v22 =	vpop (erf);
	(erf) = vpow2.f32 v43;
	v29 =	vld.idx.msk [tilespmem:v29+s15+$0x0], $0xffff  }
0x144: {  	v61 =	vadd.f32 v22, v24;
	(erf) = vpow2.f32 v34;
	v34 =	vor.u32 v14, v45  }
0x145: {  	v41 =	vadd.f32 v21, v21;
	v32 =	vmul.f32 $1.000000000e+01, v60;
	v36 =	vor.u32 v17, v36;
	v47 =	vld.idx.msk [tilespmem:v26+s15+$0x0], $0xffff;
	v24 =	vpop (erf)  }
0x146: {  	v16 =	vor.u32 v16, v51;
	v35 =	vld.idx.msk [tilespmem:v35+s15+$0x0], $0xffff;
	v40 =	vor.u32 v15, v48;
	v39 =	vadd.f32 v24, v61  }
0x147: {  	v12 =	vor.u32 v11, v12;
	v32 =	vmul.f32 $1.442695020e+00, v32;
	v40 =	vor.u32 v13, v40;
	v26 =	vpop (erf)  }
0x148: {  	v25 =	vor.u32 v42, v25;
	v29 =	vmul.f32 $1.000000000e+01, v29;
	v39 =	vadd.f32 v26, v39  }
0x149: {  	v18 =	vor.u32 v18, v56;
	v25 =	vor.u32 v23, v25;
	(erf) = vpow2.f32 v32;
	v27 =	vpop (erf);
	v34 =	vld.idx.msk [tilespmem:v34+s15+$0x0], $0xffff  }
0x14a: {  	v53 =	vld.idx.msk [tilespmem:v36+s15+$0x0], $0xffff;
	v29 =	vmul.f32 $1.442695020e+00, v29;
	v50 =	vmul.f32 $1.000000000e+01, v47;
	v49 =	vadd.f32 v27, v39  }
0x14b: {  	v30 =	vadd.f32 v41, v30;
	v17 =	vor.u32 v17, v18;
	v52 =	vmul.f32 $1.000000000e+01, v35;
	v23 =	vpop (erf)  }
0x14c: {  	v55 =	vld.idx.msk [tilespmem:v40+s15+$0x0], $0xffff;
	(erf) = vpow2.f32 v29;
	v54 =	vmul.f32 $1.442695020e+00, v50;
	v29 =	vadd.f32 v23, v49  }
0x14d: {  	v15 =	vor.u32 v15, v28;
	v14 =	vor.u32 v14, v16;
	v32 =	vmul.f32 $1.442695020e+00, v52;
	v16 =	vpop (erf)  }
0x14e: {  	v34 =	vmul.f32 $1.000000000e+01, v34;
	(erf) = vpow2.f32 v54;
	v29 =	vadd.f32 v16, v29  }
0x14f: {  	v33 =	vsub.f32 v33, v41;
	v13 =	vor.u32 v13, v15;
	v25 =	vld.idx.msk [tilespmem:v25+s15+$0x0], $0xffff;
	v59 =	vmul.f32 $1.000000000e+01, v53;
	v11 =	vpop (erf)  }
0x150: {  	v12 =	vld.idx.msk [tilespmem:v12+s15+$0x0], $0xffff;
	(erf) = vpow2.f32 v32;
	v58 =	vmul.f32 $1.442695020e+00, v34;
	v29 =	vadd.f32 v11, v29  }
0x151: {  	v62 =	vadd.f32 v22, v22;
	v63 =	vsub.f32 v33, v22;
	v60 =	vmul.f32 $1.000000000e+01, v55;
	v57 =	vpop (erf)  }
0x152: {  	v61 =	vmul.f32 $1.442695020e+00, v59;
	(erf) = vpow2.f32 v58;
	v18 =	vadd.f32 v57, v29  }
0x153: {  	v15 =	vsub.f32 v30, v62;
	v36 =	vsub.f32 v63, v24;
	v14 =	vld.idx.msk [tilespmem:v14+s15+$0x0], $0xffff;
	v32 =	vpop (erf);
	v29 =	vmul.f32 $1.442695020e+00, v60  }
0x154: {  	v17 =	vld.idx.msk [tilespmem:v17+s15+$0x0], $0xffff;
	v25 =	vmul.f32 $1.000000000e+01, v25;
	(erf) = vpow2.f32 v61;
	v18 =	vadd.f32 v32, v18  }
0x155: {  	v12 =	vmul.f32 $1.000000000e+01, v12;
	v15 =	vsub.f32 v15, v24;
	v28 =	vsub.f32 v36, v26;
	v37 =	vpop (erf)  }
0x156: {  	v13 =	vld.idx.msk [tilespmem:v13+s15+$0x0], $0xffff;
	v25 =	vmul.f32 $1.442695020e+00, v25;
	(erf) = vpow2.f32 v29;
	v18 =	vadd.f32 v37, v18  }
0x157: {  	v12 =	vmul.f32 $1.442695020e+00, v12;
	v15 =	vadd.f32 v27, v15;
	v38 =	vadd.f32 v23, v23;
	v29 =	vpop (erf)  }
0x158: {  	v14 =	vmul.f32 $1.000000000e+01, v14;
	(erf) = vpow2.f32 v25;
	v18 =	vadd.f32 v29, v18  }
0x159: {  	v39 =	vmul.f32 $1.000000000e+01, v17;
	v40 =	vadd.f32 v16, v16;
	v15 =	vadd.f32 v38, v15;
	v31 =	vpop (erf)  }
0x15a: {  	v14 =	vmul.f32 $1.442695020e+00, v14;
	(erf) = vpow2.f32 v12;
	v18 =	vadd.f32 v31, v18  }
0x15b: {  	v13 =	vmul.f32 $1.000000000e+01, v13;
	v43 =	vsub.f32 v28, v27;
	v15 =	vsub.f32 v15, v40;
	v25 =	vpop (erf)  }
0x15c: {  	v12 =	vmul.f32 $1.442695020e+00, v39;
	(erf) = vpow2.f32 v14;
	v41 =	vadd.f32 v25, v18  }
0x15d: {  	v45 =	vmul.f32 $1.442695020e+00, v13;
	v15 =	vsub.f32 v15, v11;
	v44 =	vpop (erf)  }
0x15e: {  	v46 =	vsub.f32 v43, v23;
	(erf) = vpow2.f32 v12;
	v14 =	vadd.f32 v44, v41  }
0x15f: {  	v15 =	vadd.f32 v32, v15;
	v50 =	vadd.f32 v37, v37;
	v47 =	vpop (erf)  }
0x160: {  	(erf) = vpow2.f32 v45;
	v14 =	vadd.f32 v47, v14  }
0x161: {  	v13 =	vadd.f32 v29, v46;
	v15 =	vadd.f32 v50, v15;
	v48 =	vpop (erf)  }
0x162: {  	v52 =	vadd.f32 v29, v29;
	v14 =	vadd.f32 v48, v14  }
0x163: {  	v53 =	vadd.f32 v24, v24;
	v13 =	vadd.f32 v31, v13;
	v28 =	vpop (erf)  }
0x164: {  	v42 =	vmul.f32 $5.000000000e+00, v20;
	v15 =	vsub.f32 v15, v52;
	v14 =	vadd.f32 v28, v14  }
0x165: {  	v59 =	vadd.f32 v27, v27;
	v49 =	vmul.f32 $8.000000000e+00, v21;
	v13 =	vadd.f32 v25, v13;
	v21 =	vpop (erf)  }
0x166: {  	v15 =	vsub.f32 v15, v31;
	v14 =	vadd.f32 v21, v14  }
0x167: {  	v18 =	vadd.f32 v42, v19;
	v13 =	vadd.f32 v44, v13;
	v19 =	vpop (erf)  }
0x168: {  	v15 =	vadd.f32 v44, v15;
	v14 =	vadd.f32 v19, v14  }
0x169: {  	v55 =	vadd.f32 v47, v47;
	v13 =	vadd.f32 v47, v13;
	v24 =	vpop (erf)  }
0x16a: {  	v54 =	vadd.f32 v48, v48;
	v14 =	vadd.f32 v24, v14  }
0x16b: {  	v51 =	vmul.f32 $5.000000000e+00, v22;
	v18 =	vadd.f32 v49, v18;
	v15 =	vadd.f32 v55, v15  }
0x16c: {  	v56 =	vadd.f32 v28, v28;
	v13 =	vadd.f32 v54, v13;
	(erf) = vrcp.f32 v14  }
0x16d: {  	v18 =	vadd.f32 v51, v18;
	v15 =	vsub.f32 v15, v54  }
0x16e: {  	v57 =	vadd.f32 v21, v21;
	v13 =	vadd.f32 v56, v13  }
0x16f: {  	v18 =	vadd.f32 v53, v18;
	v15 =	vsub.f32 v15, v28  }
0x170: {  	v58 =	vadd.f32 v19, v19;
	v13 =	vadd.f32 v57, v13  }
0x171: {  	v18 =	vadd.f32 v18, v26;
	v15 =	vadd.f32 v19, v15  }
0x172: {  	v60 =	vadd.f32 v24, v24;
	v13 =	vadd.f32 v58, v13  }
0x173: {  	v62 =	vmul.f32 $5.000000000e+00, v23  }
0x174: {  	v16 =	vmul.f32 $4.000000000e+00, v16;
	v18 =	vadd.f32 v59, v18;
	v13 =	vadd.f32 v60, v13  }
0x175: {  	v61 =	vshrl.u32 v10, $0x9;
	v10 =	vand.u32 $0x1FF, v10;
	v14 =	vadd.f32 v60, v15;
	v15 =	vpop (erf)  }
0x176: {  	v63 =	vcvt.s32.f32 v61;
	v18 =	vadd.f32 v62, v18;
	v13 =	vmul.f32 v15, v13  }
0x177: {  	v27 =	vcvt.s32.f32 v10;
	v14 =	vmul.f32 v15, v14  }
0x178: {  	v16 =	vadd.f32 v16, v18;
	v33 =	vadd.f32 v63, v13  }
0x179: {  	v34 =	vadd.f32 v27, v14  }
0x17a: {  	v11 =	vadd.f32 v16, v11;
	v35 =	vmul.f32 v33, v1  }
0x17b: {  	v36 =	vmul.f32 v34, v1  }
0x17c: {  	v37 =	vmul.f32 $4.000000000e+00, v37;
	v11 =	vadd.f32 v32, v11;
	v16 =	vadd.f32 v35, v35  }
0x17d: {  	v18 =	vadd.f32 v36, v36  }
0x17e: {  	v38 =	vmul.f32 $5.000000000e+00, v29;
	v11 =	vadd.f32 v37, v11;
	v16 =	vadd.f32 $-1.000000000e+00, v16  }
0x17f: {  	v40 =	vadd.f32 v31, v31;
	v18 =	vadd.f32 $-1.000000000e+00, v18  }
0x180: {  	v11 =	vadd.f32 v38, v11;
	v39 =	vadd.f32 $1.000000000e+00, v16  }
0x181: {  	v41 =	vadd.f32 $1.000000000e+00, v18  }
0x182: {  	v11 =	vadd.f32 v40, v11;
	v22 =	vmul.f32 v39, v4  }
0x183: {  	v42 =	vmul.f32 v41, v4  }
0x184: {  	v17 =	vadd.f32 v44, v44;
	v11 =	vadd.f32 v11, v25;
	v22 =	vmul.f32 $5.110000000e+02, v22  }
0x185: {  	v23 =	vmul.f32 $5.110000000e+02, v42  }
0x186: {  	v20 =	vmul.f32 $5.000000000e+00, v47;
	v11 =	vadd.f32 v17, v11;
	v43 =	vtrunc.f32 v22  }
0x187: {  	v44 =	vtrunc.f32 v23;
	v25 =	vcvt.f32.s32 v43  }
0x188: {  	v46 =	vmul.f32 $8.000000000e+00, v48;
	v11 =	vadd.f32 v20, v11;
	v17 =	vcvt.f32.s32 v44  }
0x189: {  	v9 =	vsub.s32 v9, v10;
	v51 =	vmul.f32 $5.000000000e+00, v28;
	v45 =	vsub.s32 v25, v61  }
0x18a: {  	v10 =	vadd.f32 v46, v11;
	v9 =	vadd.s32 v17, v9;
	v47 =	vshll.u32 v45, $0x1  }
0x18b: {  	v48 =	vshrl.u32 v9, $0x4;
	v52 =	vadd.s32 $0x1, v9;
	v53 =	vand.u32 $0x8, v9  }
0x18c: {  	v9 =	vand.u32 $0x7, v9;
	v49 =	vadd.s32 $0x4, v47;
	v54 =	vshrl.u32 v52, $0x4  }
0x18d: {  	v12 =	vadd.s32 $0x6, v47;
	v55 =	vand.u32 $0x8, v52;
	v50 =	vadd.s32 v49, v48  }
0x18e: {  	v28 =	vand.u32 $0x7, v52;
	v26 =	vadd.s32 v49, v54;
	v11 =	vshll.u32 v50, $0xD  }
0x18f: {  	v20 =	vadd.s32 v12, v48;
	v26 =	vshll.u32 v26, $0xD;
	v11 =	vadd.s32 v8, v11  }
0x190: {  	v20 =	vshll.u32 v20, $0xD;
	v26 =	vadd.s32 v8, v26;
	v11 =	vor.u32 v53, v11  }
0x191: {  	v20 =	vadd.s32 v8, v20;
	v26 =	vor.u32 v55, v26;
	v11 =	vor.u32 v9, v11  }
0x192: {  	v12 =	vadd.s32 v12, v54;
	v20 =	vor.u32 v53, v20;
	v26 =	vor.u32 v28, v26  }
0x193: {  	v12 =	vshll.u32 v12, $0xD;
	v9 =	vor.u32 v9, v20  }
0x194: {  	v8 =	vadd.s32 v8, v12  }
0x195: {  	v21 =	vmul.f32 $4.000000000e+00, v21;
	v10 =	vadd.f32 v51, v10;
	v8 =	vor.u32 v55, v8  }
0x196: {  	v56 =	vcvt.s32.f32 v17;
	v8 =	vor.u32 v28, v8;
	v11 =	vld.idx.msk [tilespmem:v11+s15+$0x0], $0xffff  }
0x197: {  	v57 =	vmul.f32 $5.000000000e+00, v19;
	v10 =	vadd.f32 v21, v10;
	v59 =	vld.idx.msk [tilespmem:v26+s15+$0x0], $0xffff  }
0x198: {  	v58 =	vcvt.s32.f32 v25;
	v12 =	vsub.f32 v23, v56;
	v9 =	vld.idx.msk [tilespmem:v9+s15+$0x0], $0xffff  }
0x199: {  	v60 =	vmul.f32 $8.000000000e+00, v24;
	v10 =	vadd.f32 v57, v10  }
0x19a: {  	v19 =	vsub.f32 v22, v58;
	v61 =	vsub.f32 $1.000000000e+00, v12  }
0x19b: {  	v14 =	vmul.f32 v14, v14;
	v10 =	vadd.f32 v60, v10;
	v8 =	vld.idx.msk [tilespmem:v8+s15+$0x0], $0xffff  }
0x19c: {  	v62 =	vsub.f32 $1.000000000e+00, v19;
	v11 =	vmul.f32 v61, v11;
	v63 =	vmul.f32 v12, v59  }
0x19d: {  	v10 =	vmul.f32 v15, v10;
	v9 =	vmul.f32 v61, v9  }
0x19e: {  	v11 =	vmul.f32 v11, v62;
	v15 =	vmul.f32 v62, v63  }
0x19f: {  	v13 =	vmul.f32 v13, v13;
	v10 =	vsub.f32 v10, v14  }
0x1a0: {  	v8 =	vmul.f32 v12, v8;
	v9 =	vmul.f32 v9, v19;
	v11 =	vadd.f32 v11, v15  }
0x1a1: {  	p0 =	sne.s32 s1, $0x1F0;
	v10 =	vsub.f32 v10, v13  }
.Ltmp2:
0x1a2: {  	v8 =	vmul.f32 v8, v19;
	v9 =	vadd.f32 v11, v9;
	(pc) =	sbr.rel @p0 .LBB2_6-.Ltmp2, $4  }
0x1a3: {  	v10 =	vmul.f32 $2.500000000e-01, v10;
	[tilespmem:s16+$0x0] =	vst v18  }
0x1a4: {  	[tilespmem:s17+$0x0] =	vst v16;
	v8 =	vadd.f32 v9, v8  }
0x1a5: {  	s14 =	sadd.s32 $0x10, s14;
	s1 =	sadd.s32 $0x10, s1;
	s16 =	sadd.s32 $0x10, s16;
	[tilespmem:s18+$0x0] =	vst v10  }
0x1a6: {  	s17 =	sadd.s32 $0x10, s17;
	s18 =	sadd.s32 $0x10, s18;
	[tilespmem:s19+$0x0] =	vst v8;
	s19 =	sadd.s32 $0x10, s19  }
0x1a7: {  	[hbm4b:s7+s2] =	stream.linear.scatter [tilespmem:s26], [sflag:$0x2], $0x200, $0x38;
	[tilespmem:$0x1E000] =	vst v63  }
0x1a8: {  	_ =	swait.ge [sflag:s11], $0x200  }
0x1a9: {  	[sflag:s11] =	ssyncset.done $0x0  }
0x1aa: {  	[sflag:s11] =	ssyncadd.s32 $0xFFFFFE00  }
0x1ab: {  	[hbm4b:s8+s2] =	stream.linear.scatter [tilespmem:s28], [sflag:$0x2], $0x200, $0x38;
	[tilespmem:$0x1E000] =	vst v63  }
0x1ac: {  	_ =	swait.ge [sflag:s11], $0x200  }
0x1ad: {  	[sflag:s11] =	ssyncset.done $0x0  }
0x1ae: {  	[sflag:s11] =	ssyncadd.s32 $0xFFFFFE00  }
0x1af: {  	[hbm4b:s9+s2] =	stream.linear.scatter [tilespmem:s29], [sflag:$0x2], $0x200, $0x38;
	[tilespmem:$0x1E000] =	vst v63  }
0x1b0: {  	s0 =	sadd.s32 $0x1, s0;
	_ =	swait.ge [sflag:s11], $0x200  }
0x1b1: {  	p0 =	sne.s32 s0, s10;
	[sflag:s11] =	ssyncset.done $0x0  }
.Ltmp3:
0x1b2: {  	[sflag:s11] =	ssyncadd.s32 $0xFFFFFE00;
	(pc) =	sbr.rel @p0 .LBB2_1-.Ltmp3, $4  }
0x1b3: {  	[hbm4b:s6+s2] =	stream.linear.scatter [tilespmem:s30], [sflag:$0x2], $0x200, $0x38;
	[tilespmem:$0x1E000] =	vst v63  }
0x1b4: {  	_ =	swait.ge [sflag:s11], $0x200  }
0x1b5: {  	[sflag:s11] =	ssyncset.done $0x0  }
0x1b6: {  	[sflag:s11] =	ssyncadd.s32 $0xFFFFFE00  }
0x1b7: {  	_ =	sfence.sel $0x180000  }
0x1b8: {  	[bflag:$0x0] =	sbarrier.arrive $0xFFFF  }
0x1b9: {  	_ =	strace $0x9000004A  }
0x1ba: {  	s0 =	stileid.u32;
	[bflag:$0x2] =	sbarrier.arrive $0xFFFF  }
0x1bb: {  	p0 =	sne.s32 s0, $0x0;
	s0 =	rddreg [dreg:$0x3]  }
0x1bc: {  	s0 =	sadd.s32 @!p0 $0x100000, s0  }
0x1bd: {  	[sflag:s0] =	ssyncadd.tile.s32 @!p0 $0x1;
	_ =	shalt  }
.Lfunc_end2:
_tile_overlayer_lowered:
.L_overlay_start_2:
0x1be: {  	(tag) =	ssettag $0x2  }
0x1bf: {  	s0 =	rddreg [dreg:$0x0];
	s2 =	stileid.u32  }
0x1c0: {  	s1 =	rddreg [dreg:$0x1];
	p0 =	sne.s32 s2, $0x0  }
0x1c1: {  	s3 =	rddreg [dreg:$0x2];
	[bflag:$0x3] =	sbarrier.arrive $0xFFFF;
	s2 =	simm.s32 @!p0 $0x1C02  }
0x1c2: {  	[timem:s3], [sflag:s2] =	dma.local @!p0 [hbm:s0], s1  }
0x1c3: {  	s0 =	simm.s32 @!p0 $0x2  }
0x1c4: {  	_ =	swait.ge @!p0 [sflag:s0], s1  }
0x1c5: {  	s1 =	ssub.s32 @!p0 $0x0, s1;
	[sflag:s0] =	ssyncset.done @!p0 $0x0  }
0x1c6: {  	[sflag:s0] =	ssyncadd.s32 @!p0 s1  }
0x1c7: {  	[bflag:$0x3] =	sbarrier.arrive $0xFFFF  }
0x1c8: {  	_ =	shalt  }

</sc_bundles>
